<compile_context>
chip_gen: v7x
topology: tpu7x:2x2x1
jax: 0.10.2.dev20260603
libtpu: 0.0.44.dev20260713+nightly
codegen_flags: <defaults>
</compile_context>

<pallas_src>
import functools

import jax
import jax.numpy as jnp
from jax import lax
from jax.experimental import pallas as pl
from jax.experimental.pallas import tpu as pltpu
from jax.experimental.pallas import tpu_sc as plsc

ROWS = 128
N = 32768
LANES = 16
NCHUNK = N // LANES
NUM_CORES = 2
NUM_SUBCORES = 16
NUM_WORKERS = NUM_CORES * NUM_SUBCORES
ROWS_PER_W = ROWS // NUM_WORKERS

_mesh = plsc.VectorSubcoreMesh(
    core_axis_name="c", subcore_axis_name="s",
    num_cores=NUM_CORES, num_subcores=NUM_SUBCORES)


def _sparsemax_body(x_hbm, out_hbm, row_a, row_b, cand_v,
                    si_a, si_b, so_a, so_b):
    wid = lax.axis_index("s") * NUM_CORES + lax.axis_index("c")
    base_r = wid * ROWS_PER_W
    bufs = [row_a, row_b]
    sin = [si_a, si_b]
    sout = [so_a, so_b]

    cins = {0: pltpu.async_copy(x_hbm.at[base_r], row_a, si_a)}
    couts = {}
    for i in range(ROWS_PER_W):
        row_v = bufs[i % 2]
        cins[i].wait()
        if i + 1 < ROWS_PER_W:
            if i - 1 >= 0:
                couts[i - 1].wait()
            cins[i + 1] = pltpu.async_copy(
                x_hbm.at[base_r + i + 1], bufs[(i + 1) % 2],
                sin[(i + 1) % 2])

        @plsc.parallel_loop(0, N, step=LANES, unroll=8,
                            carry=jnp.full((LANES,), -jnp.inf, jnp.float32))
        def acc(i2, a):
            return jnp.maximum(
                a, row_v[pl.ds(pl.multiple_of(i2, LANES), LANES)])
        m = jnp.max(acc)
        thr = m - 1.0

        @plsc.parallel_loop(0, N, step=LANES, unroll=8,
                            carry=(jnp.zeros((LANES,), jnp.int32),
                                   jnp.zeros((LANES,), jnp.float32)))
        def off_sv(i2, state):
            v = row_v[pl.ds(pl.multiple_of(i2, LANES), LANES)]
            msk = v > thr

            def have(st):
                ov, sv = st
                pos = plsc.cumsum(msk.astype(jnp.int32)) - 1 + ov
                plsc.store_scatter(cand_v, [pos], v, mask=msk)
                return (ov + plsc.all_reduce_population_count(msk),
                        sv + jnp.where(msk, v, 0.0))

            return lax.cond(jnp.any(msk), have, lambda st: st, state)

        off_vec, sv0 = off_sv
        k_cand = jnp.max(off_vec)
        s0 = jnp.sum(sv0)
        pad_idx = off_vec + lax.iota(jnp.int32, LANES)
        plsc.store_scatter(cand_v, [pad_idx],
                           jnp.full((LANES,), thr, jnp.float32))
        nch = lax.shift_right_logical(k_cand + (LANES - 1), 4)

        def fstate(t):
            def body(j, sc):
                s, c = sc
                v = cand_v[pl.ds(pl.multiple_of(j * LANES, LANES), LANES)]
                msk = v > t
                return (s + jnp.where(msk, v, 0.0), c + msk.astype(jnp.int32))
            sv, cv = lax.fori_loop(
                0, nch, body,
                (jnp.zeros((LANES,), jnp.float32),
                 jnp.zeros((LANES,), jnp.int32)))
            return jnp.sum(sv), jnp.sum(cv)

        def bis_cond(st):
            it, lo, hi, s_lo, c_lo, c_hi = st
            return jnp.logical_and(it < 30, c_lo != c_hi)

        def bis_body(st):
            it, lo, hi, s_lo, c_lo, c_hi = st
            mid = 0.5 * (lo + hi)
            s_m, c_m = fstate(mid)
            gt = s_m - mid * c_m.astype(jnp.float32) > 1.0
            return (it + 1,
                    jnp.where(gt, mid, lo), jnp.where(gt, hi, mid),
                    jnp.where(gt, s_m, s_lo), jnp.where(gt, c_m, c_lo),
                    jnp.where(gt, c_hi, c_m))

        _, lo, hi, s_lo, c_lo, c_hi = lax.while_loop(
            bis_cond, bis_body,
            (jnp.int32(0), thr, m, s0, k_cand, jnp.int32(0)))

        s_v = jnp.full((LANES,), s_lo - 1.0, jnp.float32)
        c_v = jnp.full((LANES,), c_lo, jnp.int32).astype(jnp.float32)
        tau_v = s_v / c_v

        @plsc.parallel_loop(0, N, step=LANES, unroll=8)
        def _(i2):
            jslice = pl.ds(pl.multiple_of(i2, LANES), LANES)
            row_v[jslice] = jnp.maximum(row_v[jslice] - tau_v, 0.0)

        couts[i] = pltpu.async_copy(
            row_v, out_hbm.at[base_r + i], sout[i % 2])

    couts[ROWS_PER_W - 2].wait()
    couts[ROWS_PER_W - 1].wait()


_sparsemax = functools.partial(
    pl.kernel,
    out_type=jax.ShapeDtypeStruct((ROWS, N), jnp.float32),
    mesh=_mesh,
    scratch_types=[
        pltpu.VMEM((N,), jnp.float32),
        pltpu.VMEM((N,), jnp.float32),
        pltpu.VMEM((N + LANES,), jnp.float32),
        pltpu.SemaphoreType.DMA,
        pltpu.SemaphoreType.DMA,
        pltpu.SemaphoreType.DMA,
        pltpu.SemaphoreType.DMA,
    ],
    compiler_params=pltpu.CompilerParams(needs_layout_passes=False),
)(_sparsemax_body)


@jax.jit
def kernel(x):
    return _sparsemax(x)

# --- scband reference (transcript-rebuilt; emitter-appended) ---
"""Pipeline reference for scband-correct-sparsemax-70841190580459 (READ-ONLY COPY).

The authoritative reference and input builder live on the scoring server;
editing this copy changes nothing except your own understanding.
"""

import jax, jax.numpy as jnp
import numpy as np


def setup_inputs(seed: int = 0) -> dict:
    key = jax.random.key(seed)
    x = jax.random.normal(key, (128, 32768), dtype=jnp.float32)
    return {"x": x}


def reference(x):
    dim = -1
    x_max = jnp.max(x, axis=dim, keepdims=True)
    z = x - x_max
    # descending sort along dim
    zs = -jnp.sort(-z, axis=dim)
    n = zs.shape[dim]
    range_vec = jnp.arange(1, n + 1, dtype=x.dtype)
    shape = [1] * z.ndim
    shape[dim] = -1
    range_vec = range_vec.reshape(shape)
    cumsum_zs = jnp.cumsum(zs, axis=dim)
    bound = 1.0 + range_vec * zs
    is_valid = bound > cumsum_zs
    k = jnp.sum(is_valid, axis=dim, keepdims=True)
    k_idx = jnp.clip(k - 1, 0, None)
    sum_k = jnp.take_along_axis(cumsum_zs, k_idx, axis=dim)
    tau = (sum_k - 1.0) / k.astype(x.dtype)
    p = jnp.clip(z - tau, 0.0, None)
    return p

if __name__ == "__main__":
    import jax
    _d = setup_inputs()
    print(jax.jit(kernel)(*tuple(_d.values())))

</pallas_src>

<mosaic_0001>
#map = affine_map<(d0, d1) -> (0, 0)>
module attributes {stable_mosaic.version = 14 : i64} {
  func.func @_sparsemax_body(%arg0: i32, %arg1: i32, %arg2: memref<128x32768xf32, #tpu.memory_space<hbm>>, %arg3: memref<128x32768xf32, #tpu.memory_space<hbm>>, %arg4: memref<32768xf32, #tpu.memory_space<vmem>>, %arg5: memref<32768xf32, #tpu.memory_space<vmem>>, %arg6: memref<32784xf32, #tpu.memory_space<vmem>>, %arg7: memref<!tpu.dma_semaphore, #tpu.memory_space<semaphore_mem>>, %arg8: memref<!tpu.dma_semaphore, #tpu.memory_space<semaphore_mem>>, %arg9: memref<!tpu.dma_semaphore, #tpu.memory_space<semaphore_mem>>, %arg10: memref<!tpu.dma_semaphore, #tpu.memory_space<semaphore_mem>>) attributes {dimension_semantics = [#tpu.dimension_semantics<core_parallel>, #tpu.dimension_semantics<subcore_parallel>], iteration_bounds = array<i64: 2, 16>, scalar_prefetch = 0 : i64, scratch_operands = 7 : i64, tpu.core_type = #tpu.core_type<sc_vector_subcore>, window_params = [{transform_indices = #map}, {transform_indices = #map}]} {
    %mul3A = arith.constant 2 : i32
    %mul3A_0 = arith.muli %arg1, %mul3A : i32
    %add3A = arith.addi %mul3A_0, %arg0 : i32
    %mul3A_1 = arith.constant 4 : i32
    %mul3A_2 = arith.muli %add3A, %mul3A_1 : i32
    %dma_start3A = arith.constant 0 : i32
    %dma_start3A_3 = tpu.memref_slice %arg2[%mul3A_2, %dma_start3A] : memref<128x32768xf32, #tpu.memory_space<hbm>> -> memref<1x32768xf32, #tpu.memory_space<hbm>>
    %dma_start3A_4 = tpu.memref_squeeze %dma_start3A_3 : memref<1x32768xf32, #tpu.memory_space<hbm>> -> memref<32768xf32, #tpu.memory_space<hbm>>
    %dma_start3A_5 = arith.constant 0 : i32
    %dma_start3A_6 = tpu.memref_slice %arg2[%mul3A_2, %dma_start3A_5] : memref<128x32768xf32, #tpu.memory_space<hbm>> -> memref<1x32768xf32, #tpu.memory_space<hbm>>
    %dma_start3A_7 = tpu.memref_squeeze %dma_start3A_6 : memref<1x32768xf32, #tpu.memory_space<hbm>> -> memref<32768xf32, #tpu.memory_space<hbm>>
    tpu.enqueue_dma source(%dma_start3A_7 : memref<32768xf32, #tpu.memory_space<hbm>>) target(%arg4 : memref<32768xf32, #tpu.memory_space<vmem>>) target_semaphore(%arg7 : memref<!tpu.dma_semaphore, #tpu.memory_space<semaphore_mem>>)
    %dma_wait3A = arith.constant 0 : i32
    %dma_wait3A_8 = tpu.memref_slice %arg2[%mul3A_2, %dma_wait3A] : memref<128x32768xf32, #tpu.memory_space<hbm>> -> memref<1x32768xf32, #tpu.memory_space<hbm>>
    %dma_wait3A_9 = tpu.memref_squeeze %dma_wait3A_8 : memref<1x32768xf32, #tpu.memory_space<hbm>> -> memref<32768xf32, #tpu.memory_space<hbm>>
    %dma_wait3A_10 = arith.constant 0 : i32
    %dma_wait3A_11 = tpu.memref_slice %arg2[%mul3A_2, %dma_wait3A_10] : memref<128x32768xf32, #tpu.memory_space<hbm>> -> memref<1x32768xf32, #tpu.memory_space<hbm>>
    %dma_wait3A_12 = tpu.memref_squeeze %dma_wait3A_11 : memref<1x32768xf32, #tpu.memory_space<hbm>> -> memref<32768xf32, #tpu.memory_space<hbm>>
    tpu.wait_dma2 semaphore(%arg7 : memref<!tpu.dma_semaphore, #tpu.memory_space<semaphore_mem>>) src(%dma_wait3A_12 : memref<32768xf32, #tpu.memory_space<hbm>>) dst(%arg4 : memref<32768xf32, #tpu.memory_space<vmem>>)
    %add3A_13 = arith.constant 0 : i32
    %add3A_14 = arith.addi %mul3A_2, %add3A_13 : i32
    %add3A_15 = arith.constant 1 : i32
    %add3A_16 = arith.addi %add3A_14, %add3A_15 : i32
    %dma_start3A_17 = arith.constant 0 : i32
    %dma_start3A_18 = tpu.memref_slice %arg2[%add3A_16, %dma_start3A_17] : memref<128x32768xf32, #tpu.memory_space<hbm>> -> memref<1x32768xf32, #tpu.memory_space<hbm>>
    %dma_start3A_19 = tpu.memref_squeeze %dma_start3A_18 : memref<1x32768xf32, #tpu.memory_space<hbm>> -> memref<32768xf32, #tpu.memory_space<hbm>>
    %dma_start3A_20 = arith.constant 0 : i32
    %dma_start3A_21 = tpu.memref_slice %arg2[%add3A_16, %dma_start3A_20] : memref<128x32768xf32, #tpu.memory_space<hbm>> -> memref<1x32768xf32, #tpu.memory_space<hbm>>
    %dma_start3A_22 = tpu.memref_squeeze %dma_start3A_21 : memref<1x32768xf32, #tpu.memory_space<hbm>> -> memref<32768xf32, #tpu.memory_space<hbm>>
    tpu.enqueue_dma source(%dma_start3A_22 : memref<32768xf32, #tpu.memory_space<hbm>>) target(%arg5 : memref<32768xf32, #tpu.memory_space<vmem>>) target_semaphore(%arg8 : memref<!tpu.dma_semaphore, #tpu.memory_space<semaphore_mem>>)
    %broadcast_in_dim3A = arith.constant 0xFF800000 : f32
    %broadcast_in_dim3A_23 = vector.broadcast %broadcast_in_dim3A : f32 to vector<16xf32>
    %parallel_loop3A = arith.constant 0 : i32
    %parallel_loop3A_24 = arith.constant 32768 : i32
    %parallel_loop3A_25 = arith.constant 16 : i32
    %parallel_loop3A_26 = scf.for %parallel_loop3A_311 = %parallel_loop3A to %parallel_loop3A_24 step %parallel_loop3A_25 iter_args(%parallel_loop3A_312 = %broadcast_in_dim3A_23) -> (vector<16xf32>)  : i32 {
      %parallel_loop3A_313 = tpu.assume_multiple %parallel_loop3A_311, 16 : i32
      %parallel_loop3A_314 = arith.index_cast %parallel_loop3A_313 : i32 to index
      %parallel_loop3A_315 = tpu.vector_load %arg4[%parallel_loop3A_314] {strides = array<i32>} : memref<32768xf32, #tpu.memory_space<vmem>>, vector<16xf32>,
      %parallel_loop3A_316 = arith.maximumf %parallel_loop3A_312, %parallel_loop3A_315 : vector<16xf32>
      scf.yield %parallel_loop3A_316 : vector<16xf32>
    } {sc.loop_unroll_factor = 8 : i64, sc.parallel_access}
    %reduce_max3A = arith.constant true
    %reduce_max3A_27 = vector.broadcast %reduce_max3A : i1 to vector<16xi1>
    %reduce_max3A_28 = tpu.scan <max>, %parallel_loop3A_26 masked %reduce_max3A_27 : vector<16xf32>, vector<16xi1> -> vector<16xf32>
    %reduce_max3A_29 = vector.extract %reduce_max3A_28[15] : f32 from vector<16xf32>
    %sub3A = arith.constant 1.000000e+00 : f32
    %sub3A_30 = arith.subf %reduce_max3A_29, %sub3A : f32
    %broadcast_in_dim3A_31 = arith.constant 0 : i32
    %broadcast_in_dim3A_32 = vector.broadcast %broadcast_in_dim3A_31 : i32 to vector<16xi32>
    %broadcast_in_dim3A_33 = arith.constant 0.000000e+00 : f32
    %broadcast_in_dim3A_34 = vector.broadcast %broadcast_in_dim3A_33 : f32 to vector<16xf32>
    %parallel_loop3A_35 = arith.constant 0 : i32
    %parallel_loop3A_36 = arith.constant 32768 : i32
    %parallel_loop3A_37 = arith.constant 16 : i32
    %parallel_loop3A_38:2 = scf.for %parallel_loop3A_311 = %parallel_loop3A_35 to %parallel_loop3A_36 step %parallel_loop3A_37 iter_args(%parallel_loop3A_312 = %broadcast_in_dim3A_32, %parallel_loop3A_313 = %broadcast_in_dim3A_34) -> (vector<16xi32>, vector<16xf32>)  : i32 {
      %parallel_loop3A_314 = tpu.assume_multiple %parallel_loop3A_311, 16 : i32
      %parallel_loop3A_315 = arith.index_cast %parallel_loop3A_314 : i32 to index
      %parallel_loop3A_316 = tpu.vector_load %arg4[%parallel_loop3A_315] {strides = array<i32>} : memref<32768xf32, #tpu.memory_space<vmem>>, vector<16xf32>,
      %parallel_loop3A_317 = vector.broadcast %sub3A_30 : f32 to vector<16xf32>
      %parallel_loop3A_318 = arith.cmpf ogt, %parallel_loop3A_316, %parallel_loop3A_317 : vector<16xf32>
      %parallel_loop3A_319 = arith.constant 1.000000e+00 : f32
      %parallel_loop3A_320 = arith.constant 0.000000e+00 : f32
      %parallel_loop3A_321 = vector.broadcast %parallel_loop3A_319 : f32 to vector<16xf32>
      %parallel_loop3A_322 = vector.broadcast %parallel_loop3A_320 : f32 to vector<16xf32>
      %parallel_loop3A_323 = arith.select %parallel_loop3A_318, %parallel_loop3A_321, %parallel_loop3A_322 : vector<16xi1>, vector<16xf32>
      %parallel_loop3A_324 = arith.constant true
      %parallel_loop3A_325 = vector.broadcast %parallel_loop3A_324 : i1 to vector<16xi1>
      %parallel_loop3A_326 = tpu.scan <max>, %parallel_loop3A_323 masked %parallel_loop3A_325 : vector<16xf32>, vector<16xi1> -> vector<16xf32>
      %parallel_loop3A_327 = vector.extract %parallel_loop3A_326[15] : f32 from vector<16xf32>
      %parallel_loop3A_328 = arith.constant 0.000000e+00 : f32
      %parallel_loop3A_329 = arith.cmpf ogt, %parallel_loop3A_327, %parallel_loop3A_328 : f32
      %parallel_loop3A_330 = arith.extui %parallel_loop3A_329 : i1 to i32
      %parallel_loop3A_331 = arith.constant 0 : i32
      %parallel_loop3A_332 = arith.cmpi ne, %parallel_loop3A_330, %parallel_loop3A_331 : i32
      %parallel_loop3A_333:2 = scf.if %parallel_loop3A_332 -> (vector<16xi32>, vector<16xf32>) {
        %parallel_loop3A_334 = arith.extui %parallel_loop3A_318 : vector<16xi1> to vector<16xi32>
        %parallel_loop3A_335 = arith.constant true
        %parallel_loop3A_336 = vector.broadcast %parallel_loop3A_335 : i1 to vector<16xi1>
        %parallel_loop3A_337 = tpu.scan <sum>, %parallel_loop3A_334 masked %parallel_loop3A_336 : vector<16xi32>, vector<16xi1> -> vector<16xi32>
        %parallel_loop3A_338 = arith.constant 1 : i32
        %parallel_loop3A_339 = vector.broadcast %parallel_loop3A_338 : i32 to vector<16xi32>
        %parallel_loop3A_340 = arith.subi %parallel_loop3A_337, %parallel_loop3A_339 : vector<16xi32>
        %parallel_loop3A_341 = arith.addi %parallel_loop3A_340, %parallel_loop3A_312 : vector<16xi32>
        tpu.vector_store_idx %arg6[%parallel_loop3A_341], %parallel_loop3A_316 masked %parallel_loop3A_318 : memref<32784xf32, #tpu.memory_space<vmem>>[vector<16xi32>], vector<16xf32>, vector<16xi1>
        %parallel_loop3A_342 = tpu.all_reduce %parallel_loop3A_318 {dim = 0 : i64, kind = #tpu.reduction_kind<sum>} : vector<16xi1> -> vector<16xi32>
        %parallel_loop3A_343 = arith.addi %parallel_loop3A_312, %parallel_loop3A_342 : vector<16xi32>
        %parallel_loop3A_344 = arith.constant 0.000000e+00 : f32
        %parallel_loop3A_345 = vector.broadcast %parallel_loop3A_344 : f32 to vector<16xf32>
        %parallel_loop3A_346 = arith.select %parallel_loop3A_318, %parallel_loop3A_316, %parallel_loop3A_345 : vector<16xi1>, vector<16xf32>
        %parallel_loop3A_347 = arith.addf %parallel_loop3A_313, %parallel_loop3A_346 : vector<16xf32>
        scf.yield %parallel_loop3A_343, %parallel_loop3A_347 : vector<16xi32>, vector<16xf32>
      } else {
        scf.yield %parallel_loop3A_312, %parallel_loop3A_313 : vector<16xi32>, vector<16xf32>
      }
      scf.yield %parallel_loop3A_333#0, %parallel_loop3A_333#1 : vector<16xi32>, vector<16xf32>
    } {sc.loop_unroll_factor = 8 : i64, sc.parallel_access}
    %reduce_max3A_39 = arith.constant true
    %reduce_max3A_40 = vector.broadcast %reduce_max3A_39 : i1 to vector<16xi1>
    %reduce_max3A_41 = arith.constant -2147483648 : i32
    %reduce_max3A_42 = vector.broadcast %reduce_max3A_41 : i32 to vector<16xi32>
    %reduce_max3A_43 = arith.xori %parallel_loop3A_38#0, %reduce_max3A_42 : vector<16xi32>
    %reduce_max3A_44 = tpu.scan <max>, %reduce_max3A_43 masked %reduce_max3A_40 : vector<16xi32>, vector<16xi1> -> vector<16xi32>
    %reduce_max3A_45 = arith.xori %reduce_max3A_44, %reduce_max3A_42 : vector<16xi32>
    %reduce_max3A_46 = vector.extract %reduce_max3A_45[15] : i32 from vector<16xi32>
    %reduce_sum3A = arith.constant true
    %reduce_sum3A_47 = vector.broadcast %reduce_sum3A : i1 to vector<16xi1>
    %reduce_sum3A_48 = tpu.scan <sum>, %parallel_loop3A_38#1 masked %reduce_sum3A_47 : vector<16xf32>, vector<16xi1> -> vector<16xf32>
    %reduce_sum3A_49 = vector.extract %reduce_sum3A_48[15] : f32 from vector<16xf32>
    %iota3A = tpu.iota {dimensions = array<i32: 0>} : vector<16xi32>
    %add3A_50 = arith.addi %parallel_loop3A_38#0, %iota3A : vector<16xi32>
    %broadcast_in_dim3A_51 = vector.broadcast %sub3A_30 : f32 to vector<16xf32>
    tpu.vector_store_idx %arg6[%add3A_50], %broadcast_in_dim3A_51 : memref<32784xf32, #tpu.memory_space<vmem>>[vector<16xi32>], vector<16xf32>,
    %add3A_52 = arith.constant 15 : i32
    %add3A_53 = arith.addi %reduce_max3A_46, %add3A_52 : i32
    %shift_right_logical3A = arith.constant 4 : i32
    %shift_right_logical3A_54 = arith.shrui %add3A_53, %shift_right_logical3A : i32
    %while3A = arith.constant 0 : i32
    %while3A_55 = arith.constant 0 : i32
    %while3A_56:6 = scf.while (%while3A_311 = %while3A, %while3A_312 = %sub3A_30, %while3A_313 = %reduce_max3A_29, %while3A_314 = %reduce_sum3A_49, %while3A_315 = %reduce_max3A_46, %while3A_316 = %while3A_55) : (i32, f32, f32, f32, i32, i32) -> (i32, f32, f32, f32, i32, i32) {
      %lt3A = arith.constant 30 : i32
      %lt3A_317 = arith.cmpi slt, %while3A_311, %lt3A : i32
      %ne3A = arith.cmpi ne, %while3A_315, %while3A_316 : i32
      %and3A = arith.andi %lt3A_317, %ne3A : i1
      scf.condition(%and3A) %while3A_311, %while3A_312, %while3A_313, %while3A_314, %while3A_315, %while3A_316 : i32, f32, f32, f32, i32, i32
    } do {
    ^bb0(%while3A_311: i32, %while3A_312: f32, %while3A_313: f32, %while3A_314: f32, %while3A_315: i32, %while3A_316: i32):
      %add3A_317 = arith.addf %while3A_312, %while3A_313 : f32
      %mul3A_318 = arith.constant 5.000000e-01 : f32
      %mul3A_319 = arith.mulf %mul3A_318, %add3A_317 : f32
      %broadcast_in_dim3A_320 = arith.constant 0.000000e+00 : f32
      %broadcast_in_dim3A_321 = vector.broadcast %broadcast_in_dim3A_320 : f32 to vector<16xf32>
      %broadcast_in_dim3A_322 = arith.constant 0 : i32
      %broadcast_in_dim3A_323 = vector.broadcast %broadcast_in_dim3A_322 : i32 to vector<16xi32>
      %while3A_324 = arith.constant 0 : i32
      %while3A_325 = arith.subi %shift_right_logical3A_54, %while3A_324 : i32
      %while3A_326 = arith.addi %while3A_324, %while3A_325 : i32
      %while3A_327 = arith.constant 1 : i32
      %while3A_328 = arith.divsi %while3A_325, %while3A_327 : i32
      %while3A_329 = arith.muli %while3A_328, %while3A_327 : i32
      %while3A_330 = arith.addi %while3A_324, %while3A_329 : i32
      %while3A_331 = arith.constant 1 : i32
      %while3A_332:2 = scf.for %while3A_353 = %while3A_324 to %while3A_330 step %while3A_331 iter_args(%while3A_354 = %broadcast_in_dim3A_321, %while3A_355 = %broadcast_in_dim3A_323) -> (vector<16xf32>, vector<16xi32>)  : i32 {
        %mul3A_356 = arith.constant 16 : i32
        %mul3A_357 = arith.muli %while3A_353, %mul3A_356 : i32
        %multiple_of3A = tpu.assume_multiple %mul3A_357, 16 : i32
        %get3A = arith.index_cast %multiple_of3A : i32 to index
        %get3A_358 = tpu.vector_load %arg6[%get3A] {strides = array<i32>} : memref<32784xf32, #tpu.memory_space<vmem>>, vector<16xf32>,
        %gt3A_359 = vector.broadcast %mul3A_319 : f32 to vector<16xf32>
        %gt3A_360 = arith.cmpf ogt, %get3A_358, %gt3A_359 : vector<16xf32>
        %jit3A = arith.constant 0.000000e+00 : f32
        %broadcast_in_dim3A_361 = vector.broadcast %jit3A : f32 to vector<16xf32>
        %select_n3A_362 = arith.select %gt3A_360, %get3A_358, %broadcast_in_dim3A_361 : vector<16xi1>, vector<16xf32>
        %add3A_363 = arith.addf %while3A_354, %select_n3A_362 : vector<16xf32>
        %convert_element_type3A_364 = arith.extui %gt3A_360 : vector<16xi1> to vector<16xi32>
        %add3A_365 = arith.addi %while3A_355, %convert_element_type3A_364 : vector<16xi32>
        scf.yield %add3A_363, %add3A_365 : vector<16xf32>, vector<16xi32>
      }
      %while3A_333 = arith.constant 1 : i32
      %while3A_334:2 = scf.for %while3A_353 = %while3A_330 to %while3A_326 step %while3A_333 iter_args(%while3A_354 = %while3A_332#0, %while3A_355 = %while3A_332#1) -> (vector<16xf32>, vector<16xi32>)  : i32 {
        %mul3A_356 = arith.constant 16 : i32
        %mul3A_357 = arith.muli %while3A_353, %mul3A_356 : i32
        %multiple_of3A = tpu.assume_multiple %mul3A_357, 16 : i32
        %get3A = arith.index_cast %multiple_of3A : i32 to index
        %get3A_358 = tpu.vector_load %arg6[%get3A] {strides = array<i32>} : memref<32784xf32, #tpu.memory_space<vmem>>, vector<16xf32>,
        %gt3A_359 = vector.broadcast %mul3A_319 : f32 to vector<16xf32>
        %gt3A_360 = arith.cmpf ogt, %get3A_358, %gt3A_359 : vector<16xf32>
        %jit3A = arith.constant 0.000000e+00 : f32
        %broadcast_in_dim3A_361 = vector.broadcast %jit3A : f32 to vector<16xf32>
        %select_n3A_362 = arith.select %gt3A_360, %get3A_358, %broadcast_in_dim3A_361 : vector<16xi1>, vector<16xf32>
        %add3A_363 = arith.addf %while3A_354, %select_n3A_362 : vector<16xf32>
        %convert_element_type3A_364 = arith.extui %gt3A_360 : vector<16xi1> to vector<16xi32>
        %add3A_365 = arith.addi %while3A_355, %convert_element_type3A_364 : vector<16xi32>
        scf.yield %add3A_363, %add3A_365 : vector<16xf32>, vector<16xi32>
      }
      %reduce_sum3A_335 = arith.constant true
      %reduce_sum3A_336 = vector.broadcast %reduce_sum3A_335 : i1 to vector<16xi1>
      %reduce_sum3A_337 = tpu.scan <sum>, %while3A_334#0 masked %reduce_sum3A_336 : vector<16xf32>, vector<16xi1> -> vector<16xf32>
      %reduce_sum3A_338 = vector.extract %reduce_sum3A_337[15] : f32 from vector<16xf32>
      %reduce_sum3A_339 = arith.constant true
      %reduce_sum3A_340 = vector.broadcast %reduce_sum3A_339 : i1 to vector<16xi1>
      %reduce_sum3A_341 = tpu.scan <sum>, %while3A_334#1 masked %reduce_sum3A_340 : vector<16xi32>, vector<16xi1> -> vector<16xi32>
      %reduce_sum3A_342 = vector.extract %reduce_sum3A_341[15] : i32 from vector<16xi32>
      %convert_element_type3A_343 = arith.sitofp %reduce_sum3A_342 : i32 to f32
      %mul3A_344 = arith.mulf %mul3A_319, %convert_element_type3A_343 : f32
      %sub3A_345 = arith.subf %reduce_sum3A_338, %mul3A_344 : f32
      %gt3A = arith.constant 1.000000e+00 : f32
      %gt3A_346 = arith.cmpf ogt, %sub3A_345, %gt3A : f32
      %add3A_347 = arith.constant 1 : i32
      %add3A_348 = arith.addi %while3A_311, %add3A_347 : i32
      %select_n3A = arith.select %gt3A_346, %mul3A_319, %while3A_312 : f32
      %select_n3A_349 = arith.select %gt3A_346, %while3A_313, %mul3A_319 : f32
      %select_n3A_350 = arith.select %gt3A_346, %reduce_sum3A_338, %while3A_314 : f32
      %select_n3A_351 = arith.select %gt3A_346, %reduce_sum3A_342, %while3A_315 : i32
      %select_n3A_352 = arith.select %gt3A_346, %while3A_316, %reduce_sum3A_342 : i32
      scf.yield %add3A_348, %select_n3A, %select_n3A_349, %select_n3A_350, %select_n3A_351, %select_n3A_352 : i32, f32, f32, f32, i32, i32
    }
    %sub3A_57 = arith.constant 1.000000e+00 : f32
    %sub3A_58 = arith.subf %while3A_56#3, %sub3A_57 : f32
    %broadcast_in_dim3A_59 = vector.broadcast %sub3A_58 : f32 to vector<16xf32>
    %broadcast_in_dim3A_60 = vector.broadcast %while3A_56#4 : i32 to vector<16xi32>
    %convert_element_type3A = arith.sitofp %broadcast_in_dim3A_60 : vector<16xi32> to vector<16xf32>
    %div3A = arith.divf %broadcast_in_dim3A_59, %convert_element_type3A : vector<16xf32>
    %parallel_loop3A_61 = arith.constant 0 : i32
    %parallel_loop3A_62 = arith.constant 32768 : i32
    %parallel_loop3A_63 = arith.constant 16 : i32
    scf.for %parallel_loop3A_311 = %parallel_loop3A_61 to %parallel_loop3A_62 step %parallel_loop3A_63  : i32 {
      %parallel_loop3A_312 = tpu.assume_multiple %parallel_loop3A_311, 16 : i32
      %parallel_loop3A_313 = arith.index_cast %parallel_loop3A_312 : i32 to index
      %parallel_loop3A_314 = tpu.vector_load %arg4[%parallel_loop3A_313] {strides = array<i32>} : memref<32768xf32, #tpu.memory_space<vmem>>, vector<16xf32>,
      %parallel_loop3A_315 = arith.subf %parallel_loop3A_314, %div3A : vector<16xf32>
      %parallel_loop3A_316 = arith.constant 0.000000e+00 : f32
      %parallel_loop3A_317 = vector.broadcast %parallel_loop3A_316 : f32 to vector<16xf32>
      %parallel_loop3A_318 = arith.maximumf %parallel_loop3A_315, %parallel_loop3A_317 : vector<16xf32>
      %parallel_loop3A_319 = arith.index_cast %parallel_loop3A_312 : i32 to index
      %parallel_loop3A_320 = tpu.vector_load %arg4[%parallel_loop3A_319] {strides = array<i32>} : memref<32768xf32, #tpu.memory_space<vmem>>, vector<16xf32>,
      tpu.vector_store %arg4[%parallel_loop3A_319], %parallel_loop3A_318 {strides = array<i32>} : memref<32768xf32, #tpu.memory_space<vmem>>, vector<16xf32>,
    } {sc.loop_unroll_factor = 8 : i64, sc.parallel_access}
    %add3A_64 = arith.constant 0 : i32
    %add3A_65 = arith.addi %mul3A_2, %add3A_64 : i32
    %dma_start3A_66 = arith.constant 0 : i32
    %dma_start3A_67 = tpu.memref_slice %arg3[%add3A_65, %dma_start3A_66] : memref<128x32768xf32, #tpu.memory_space<hbm>> -> memref<1x32768xf32, #tpu.memory_space<hbm>>
    %dma_start3A_68 = tpu.memref_squeeze %dma_start3A_67 : memref<1x32768xf32, #tpu.memory_space<hbm>> -> memref<32768xf32, #tpu.memory_space<hbm>>
    %dma_start3A_69 = arith.constant 0 : i32
    %dma_start3A_70 = tpu.memref_slice %arg3[%add3A_65, %dma_start3A_69] : memref<128x32768xf32, #tpu.memory_space<hbm>> -> memref<1x32768xf32, #tpu.memory_space<hbm>>
    %dma_start3A_71 = tpu.memref_squeeze %dma_start3A_70 : memref<1x32768xf32, #tpu.memory_space<hbm>> -> memref<32768xf32, #tpu.memory_space<hbm>>
    tpu.enqueue_dma source(%arg4 : memref<32768xf32, #tpu.memory_space<vmem>>) target(%dma_start3A_71 : memref<32768xf32, #tpu.memory_space<hbm>>) target_semaphore(%arg9 : memref<!tpu.dma_semaphore, #tpu.memory_space<semaphore_mem>>)
    %dma_wait3A_72 = arith.constant 0 : i32
    %dma_wait3A_73 = tpu.memref_slice %arg2[%add3A_16, %dma_wait3A_72] : memref<128x32768xf32, #tpu.memory_space<hbm>> -> memref<1x32768xf32, #tpu.memory_space<hbm>>
    %dma_wait3A_74 = tpu.memref_squeeze %dma_wait3A_73 : memref<1x32768xf32, #tpu.memory_space<hbm>> -> memref<32768xf32, #tpu.memory_space<hbm>>
    %dma_wait3A_75 = arith.constant 0 : i32
    %dma_wait3A_76 = tpu.memref_slice %arg2[%add3A_16, %dma_wait3A_75] : memref<128x32768xf32, #tpu.memory_space<hbm>> -> memref<1x32768xf32, #tpu.memory_space<hbm>>
    %dma_wait3A_77 = tpu.memref_squeeze %dma_wait3A_76 : memref<1x32768xf32, #tpu.memory_space<hbm>> -> memref<32768xf32, #tpu.memory_space<hbm>>
    tpu.wait_dma2 semaphore(%arg8 : memref<!tpu.dma_semaphore, #tpu.memory_space<semaphore_mem>>) src(%dma_wait3A_77 : memref<32768xf32, #tpu.memory_space<hbm>>) dst(%arg5 : memref<32768xf32, #tpu.memory_space<vmem>>)
    %dma_wait3A_78 = arith.constant 0 : i32
    %dma_wait3A_79 = tpu.memref_slice %arg3[%add3A_65, %dma_wait3A_78] : memref<128x32768xf32, #tpu.memory_space<hbm>> -> memref<1x32768xf32, #tpu.memory_space<hbm>>
    %dma_wait3A_80 = tpu.memref_squeeze %dma_wait3A_79 : memref<1x32768xf32, #tpu.memory_space<hbm>> -> memref<32768xf32, #tpu.memory_space<hbm>>
    %dma_wait3A_81 = arith.constant 0 : i32
    %dma_wait3A_82 = tpu.memref_slice %arg3[%add3A_65, %dma_wait3A_81] : memref<128x32768xf32, #tpu.memory_space<hbm>> -> memref<1x32768xf32, #tpu.memory_space<hbm>>
    %dma_wait3A_83 = tpu.memref_squeeze %dma_wait3A_82 : memref<1x32768xf32, #tpu.memory_space<hbm>> -> memref<32768xf32, #tpu.memory_space<hbm>>
    tpu.wait_dma2 semaphore(%arg9 : memref<!tpu.dma_semaphore, #tpu.memory_space<semaphore_mem>>) src(%arg4 : memref<32768xf32, #tpu.memory_space<vmem>>) dst(%dma_wait3A_83 : memref<32768xf32, #tpu.memory_space<hbm>>)
    %add3A_84 = arith.constant 1 : i32
    %add3A_85 = arith.addi %mul3A_2, %add3A_84 : i32
    %add3A_86 = arith.constant 1 : i32
    %add3A_87 = arith.addi %add3A_85, %add3A_86 : i32
    %dma_start3A_88 = arith.constant 0 : i32
    %dma_start3A_89 = tpu.memref_slice %arg2[%add3A_87, %dma_start3A_88] : memref<128x32768xf32, #tpu.memory_space<hbm>> -> memref<1x32768xf32, #tpu.memory_space<hbm>>
    %dma_start3A_90 = tpu.memref_squeeze %dma_start3A_89 : memref<1x32768xf32, #tpu.memory_space<hbm>> -> memref<32768xf32, #tpu.memory_space<hbm>>
    %dma_start3A_91 = arith.constant 0 : i32
    %dma_start3A_92 = tpu.memref_slice %arg2[%add3A_87, %dma_start3A_91] : memref<128x32768xf32, #tpu.memory_space<hbm>> -> memref<1x32768xf32, #tpu.memory_space<hbm>>
    %dma_start3A_93 = tpu.memref_squeeze %dma_start3A_92 : memref<1x32768xf32, #tpu.memory_space<hbm>> -> memref<32768xf32, #tpu.memory_space<hbm>>
    tpu.enqueue_dma source(%dma_start3A_93 : memref<32768xf32, #tpu.memory_space<hbm>>) target(%arg4 : memref<32768xf32, #tpu.memory_space<vmem>>) target_semaphore(%arg7 : memref<!tpu.dma_semaphore, #tpu.memory_space<semaphore_mem>>)
    %broadcast_in_dim3A_94 = arith.constant 0xFF800000 : f32
    %broadcast_in_dim3A_95 = vector.broadcast %broadcast_in_dim3A_94 : f32 to vector<16xf32>
    %parallel_loop3A_96 = arith.constant 0 : i32
    %parallel_loop3A_97 = arith.constant 32768 : i32
    %parallel_loop3A_98 = arith.constant 16 : i32
    %parallel_loop3A_99 = scf.for %parallel_loop3A_311 = %parallel_loop3A_96 to %parallel_loop3A_97 step %parallel_loop3A_98 iter_args(%parallel_loop3A_312 = %broadcast_in_dim3A_95) -> (vector<16xf32>)  : i32 {
      %parallel_loop3A_313 = tpu.assume_multiple %parallel_loop3A_311, 16 : i32
      %parallel_loop3A_314 = arith.index_cast %parallel_loop3A_313 : i32 to index
      %parallel_loop3A_315 = tpu.vector_load %arg5[%parallel_loop3A_314] {strides = array<i32>} : memref<32768xf32, #tpu.memory_space<vmem>>, vector<16xf32>,
      %parallel_loop3A_316 = arith.maximumf %parallel_loop3A_312, %parallel_loop3A_315 : vector<16xf32>
      scf.yield %parallel_loop3A_316 : vector<16xf32>
    } {sc.loop_unroll_factor = 8 : i64, sc.parallel_access}
    %reduce_max3A_100 = arith.constant true
    %reduce_max3A_101 = vector.broadcast %reduce_max3A_100 : i1 to vector<16xi1>
    %reduce_max3A_102 = tpu.scan <max>, %parallel_loop3A_99 masked %reduce_max3A_101 : vector<16xf32>, vector<16xi1> -> vector<16xf32>
    %reduce_max3A_103 = vector.extract %reduce_max3A_102[15] : f32 from vector<16xf32>
    %sub3A_104 = arith.constant 1.000000e+00 : f32
    %sub3A_105 = arith.subf %reduce_max3A_103, %sub3A_104 : f32
    %broadcast_in_dim3A_106 = arith.constant 0 : i32
    %broadcast_in_dim3A_107 = vector.broadcast %broadcast_in_dim3A_106 : i32 to vector<16xi32>
    %broadcast_in_dim3A_108 = arith.constant 0.000000e+00 : f32
    %broadcast_in_dim3A_109 = vector.broadcast %broadcast_in_dim3A_108 : f32 to vector<16xf32>
    %parallel_loop3A_110 = arith.constant 0 : i32
    %parallel_loop3A_111 = arith.constant 32768 : i32
    %parallel_loop3A_112 = arith.constant 16 : i32
    %parallel_loop3A_113:2 = scf.for %parallel_loop3A_311 = %parallel_loop3A_110 to %parallel_loop3A_111 step %parallel_loop3A_112 iter_args(%parallel_loop3A_312 = %broadcast_in_dim3A_107, %parallel_loop3A_313 = %broadcast_in_dim3A_109) -> (vector<16xi32>, vector<16xf32>)  : i32 {
      %parallel_loop3A_314 = tpu.assume_multiple %parallel_loop3A_311, 16 : i32
      %parallel_loop3A_315 = arith.index_cast %parallel_loop3A_314 : i32 to index
      %parallel_loop3A_316 = tpu.vector_load %arg5[%parallel_loop3A_315] {strides = array<i32>} : memref<32768xf32, #tpu.memory_space<vmem>>, vector<16xf32>,
      %parallel_loop3A_317 = vector.broadcast %sub3A_105 : f32 to vector<16xf32>
      %parallel_loop3A_318 = arith.cmpf ogt, %parallel_loop3A_316, %parallel_loop3A_317 : vector<16xf32>
      %parallel_loop3A_319 = arith.constant 1.000000e+00 : f32
      %parallel_loop3A_320 = arith.constant 0.000000e+00 : f32
      %parallel_loop3A_321 = vector.broadcast %parallel_loop3A_319 : f32 to vector<16xf32>
      %parallel_loop3A_322 = vector.broadcast %parallel_loop3A_320 : f32 to vector<16xf32>
      %parallel_loop3A_323 = arith.select %parallel_loop3A_318, %parallel_loop3A_321, %parallel_loop3A_322 : vector<16xi1>, vector<16xf32>
      %parallel_loop3A_324 = arith.constant true
      %parallel_loop3A_325 = vector.broadcast %parallel_loop3A_324 : i1 to vector<16xi1>
      %parallel_loop3A_326 = tpu.scan <max>, %parallel_loop3A_323 masked %parallel_loop3A_325 : vector<16xf32>, vector<16xi1> -> vector<16xf32>
      %parallel_loop3A_327 = vector.extract %parallel_loop3A_326[15] : f32 from vector<16xf32>
      %parallel_loop3A_328 = arith.constant 0.000000e+00 : f32
      %parallel_loop3A_329 = arith.cmpf ogt, %parallel_loop3A_327, %parallel_loop3A_328 : f32
      %parallel_loop3A_330 = arith.extui %parallel_loop3A_329 : i1 to i32
      %parallel_loop3A_331 = arith.constant 0 : i32
      %parallel_loop3A_332 = arith.cmpi ne, %parallel_loop3A_330, %parallel_loop3A_331 : i32
      %parallel_loop3A_333:2 = scf.if %parallel_loop3A_332 -> (vector<16xi32>, vector<16xf32>) {
        %parallel_loop3A_334 = arith.extui %parallel_loop3A_318 : vector<16xi1> to vector<16xi32>
        %parallel_loop3A_335 = arith.constant true
        %parallel_loop3A_336 = vector.broadcast %parallel_loop3A_335 : i1 to vector<16xi1>
        %parallel_loop3A_337 = tpu.scan <sum>, %parallel_loop3A_334 masked %parallel_loop3A_336 : vector<16xi32>, vector<16xi1> -> vector<16xi32>
        %parallel_loop3A_338 = arith.constant 1 : i32
        %parallel_loop3A_339 = vector.broadcast %parallel_loop3A_338 : i32 to vector<16xi32>
        %parallel_loop3A_340 = arith.subi %parallel_loop3A_337, %parallel_loop3A_339 : vector<16xi32>
        %parallel_loop3A_341 = arith.addi %parallel_loop3A_340, %parallel_loop3A_312 : vector<16xi32>
        tpu.vector_store_idx %arg6[%parallel_loop3A_341], %parallel_loop3A_316 masked %parallel_loop3A_318 : memref<32784xf32, #tpu.memory_space<vmem>>[vector<16xi32>], vector<16xf32>, vector<16xi1>
        %parallel_loop3A_342 = tpu.all_reduce %parallel_loop3A_318 {dim = 0 : i64, kind = #tpu.reduction_kind<sum>} : vector<16xi1> -> vector<16xi32>
        %parallel_loop3A_343 = arith.addi %parallel_loop3A_312, %parallel_loop3A_342 : vector<16xi32>
        %parallel_loop3A_344 = arith.constant 0.000000e+00 : f32
        %parallel_loop3A_345 = vector.broadcast %parallel_loop3A_344 : f32 to vector<16xf32>
        %parallel_loop3A_346 = arith.select %parallel_loop3A_318, %parallel_loop3A_316, %parallel_loop3A_345 : vector<16xi1>, vector<16xf32>
        %parallel_loop3A_347 = arith.addf %parallel_loop3A_313, %parallel_loop3A_346 : vector<16xf32>
        scf.yield %parallel_loop3A_343, %parallel_loop3A_347 : vector<16xi32>, vector<16xf32>
      } else {
        scf.yield %parallel_loop3A_312, %parallel_loop3A_313 : vector<16xi32>, vector<16xf32>
      }
      scf.yield %parallel_loop3A_333#0, %parallel_loop3A_333#1 : vector<16xi32>, vector<16xf32>
    } {sc.loop_unroll_factor = 8 : i64, sc.parallel_access}
    %reduce_max3A_114 = arith.constant true
    %reduce_max3A_115 = vector.broadcast %reduce_max3A_114 : i1 to vector<16xi1>
    %reduce_max3A_116 = arith.constant -2147483648 : i32
    %reduce_max3A_117 = vector.broadcast %reduce_max3A_116 : i32 to vector<16xi32>
    %reduce_max3A_118 = arith.xori %parallel_loop3A_113#0, %reduce_max3A_117 : vector<16xi32>
    %reduce_max3A_119 = tpu.scan <max>, %reduce_max3A_118 masked %reduce_max3A_115 : vector<16xi32>, vector<16xi1> -> vector<16xi32>
    %reduce_max3A_120 = arith.xori %reduce_max3A_119, %reduce_max3A_117 : vector<16xi32>
    %reduce_max3A_121 = vector.extract %reduce_max3A_120[15] : i32 from vector<16xi32>
    %reduce_sum3A_122 = arith.constant true
    %reduce_sum3A_123 = vector.broadcast %reduce_sum3A_122 : i1 to vector<16xi1>
    %reduce_sum3A_124 = tpu.scan <sum>, %parallel_loop3A_113#1 masked %reduce_sum3A_123 : vector<16xf32>, vector<16xi1> -> vector<16xf32>
    %reduce_sum3A_125 = vector.extract %reduce_sum3A_124[15] : f32 from vector<16xf32>
    %iota3A_126 = tpu.iota {dimensions = array<i32: 0>} : vector<16xi32>
    %add3A_127 = arith.addi %parallel_loop3A_113#0, %iota3A_126 : vector<16xi32>
    %broadcast_in_dim3A_128 = vector.broadcast %sub3A_105 : f32 to vector<16xf32>
    tpu.vector_store_idx %arg6[%add3A_127], %broadcast_in_dim3A_128 : memref<32784xf32, #tpu.memory_space<vmem>>[vector<16xi32>], vector<16xf32>,
    %add3A_129 = arith.constant 15 : i32
    %add3A_130 = arith.addi %reduce_max3A_121, %add3A_129 : i32
    %shift_right_logical3A_131 = arith.constant 4 : i32
    %shift_right_logical3A_132 = arith.shrui %add3A_130, %shift_right_logical3A_131 : i32
    %while3A_133 = arith.constant 0 : i32
    %while3A_134 = arith.constant 0 : i32
    %while3A_135:6 = scf.while (%while3A_311 = %while3A_133, %while3A_312 = %sub3A_105, %while3A_313 = %reduce_max3A_103, %while3A_314 = %reduce_sum3A_125, %while3A_315 = %reduce_max3A_121, %while3A_316 = %while3A_134) : (i32, f32, f32, f32, i32, i32) -> (i32, f32, f32, f32, i32, i32) {
      %lt3A = arith.constant 30 : i32
      %lt3A_317 = arith.cmpi slt, %while3A_311, %lt3A : i32
      %ne3A = arith.cmpi ne, %while3A_315, %while3A_316 : i32
      %and3A = arith.andi %lt3A_317, %ne3A : i1
      scf.condition(%and3A) %while3A_311, %while3A_312, %while3A_313, %while3A_314, %while3A_315, %while3A_316 : i32, f32, f32, f32, i32, i32
    } do {
    ^bb0(%while3A_311: i32, %while3A_312: f32, %while3A_313: f32, %while3A_314: f32, %while3A_315: i32, %while3A_316: i32):
      %add3A_317 = arith.addf %while3A_312, %while3A_313 : f32
      %mul3A_318 = arith.constant 5.000000e-01 : f32
      %mul3A_319 = arith.mulf %mul3A_318, %add3A_317 : f32
      %broadcast_in_dim3A_320 = arith.constant 0.000000e+00 : f32
      %broadcast_in_dim3A_321 = vector.broadcast %broadcast_in_dim3A_320 : f32 to vector<16xf32>
      %broadcast_in_dim3A_322 = arith.constant 0 : i32
      %broadcast_in_dim3A_323 = vector.broadcast %broadcast_in_dim3A_322 : i32 to vector<16xi32>
      %while3A_324 = arith.constant 0 : i32
      %while3A_325 = arith.subi %shift_right_logical3A_132, %while3A_324 : i32
      %while3A_326 = arith.addi %while3A_324, %while3A_325 : i32
      %while3A_327 = arith.constant 1 : i32
      %while3A_328 = arith.divsi %while3A_325, %while3A_327 : i32
      %while3A_329 = arith.muli %while3A_328, %while3A_327 : i32
      %while3A_330 = arith.addi %while3A_324, %while3A_329 : i32
      %while3A_331 = arith.constant 1 : i32
      %while3A_332:2 = scf.for %while3A_353 = %while3A_324 to %while3A_330 step %while3A_331 iter_args(%while3A_354 = %broadcast_in_dim3A_321, %while3A_355 = %broadcast_in_dim3A_323) -> (vector<16xf32>, vector<16xi32>)  : i32 {
        %mul3A_356 = arith.constant 16 : i32
        %mul3A_357 = arith.muli %while3A_353, %mul3A_356 : i32
        %multiple_of3A = tpu.assume_multiple %mul3A_357, 16 : i32
        %get3A = arith.index_cast %multiple_of3A : i32 to index
        %get3A_358 = tpu.vector_load %arg6[%get3A] {strides = array<i32>} : memref<32784xf32, #tpu.memory_space<vmem>>, vector<16xf32>,
        %gt3A_359 = vector.broadcast %mul3A_319 : f32 to vector<16xf32>
        %gt3A_360 = arith.cmpf ogt, %get3A_358, %gt3A_359 : vector<16xf32>
        %jit3A = arith.constant 0.000000e+00 : f32
        %broadcast_in_dim3A_361 = vector.broadcast %jit3A : f32 to vector<16xf32>
        %select_n3A_362 = arith.select %gt3A_360, %get3A_358, %broadcast_in_dim3A_361 : vector<16xi1>, vector<16xf32>
        %add3A_363 = arith.addf %while3A_354, %select_n3A_362 : vector<16xf32>
        %convert_element_type3A_364 = arith.extui %gt3A_360 : vector<16xi1> to vector<16xi32>
        %add3A_365 = arith.addi %while3A_355, %convert_element_type3A_364 : vector<16xi32>
        scf.yield %add3A_363, %add3A_365 : vector<16xf32>, vector<16xi32>
      }
      %while3A_333 = arith.constant 1 : i32
      %while3A_334:2 = scf.for %while3A_353 = %while3A_330 to %while3A_326 step %while3A_333 iter_args(%while3A_354 = %while3A_332#0, %while3A_355 = %while3A_332#1) -> (vector<16xf32>, vector<16xi32>)  : i32 {
        %mul3A_356 = arith.constant 16 : i32
        %mul3A_357 = arith.muli %while3A_353, %mul3A_356 : i32
        %multiple_of3A = tpu.assume_multiple %mul3A_357, 16 : i32
        %get3A = arith.index_cast %multiple_of3A : i32 to index
        %get3A_358 = tpu.vector_load %arg6[%get3A] {strides = array<i32>} : memref<32784xf32, #tpu.memory_space<vmem>>, vector<16xf32>,
        %gt3A_359 = vector.broadcast %mul3A_319 : f32 to vector<16xf32>
        %gt3A_360 = arith.cmpf ogt, %get3A_358, %gt3A_359 : vector<16xf32>
        %jit3A = arith.constant 0.000000e+00 : f32
        %broadcast_in_dim3A_361 = vector.broadcast %jit3A : f32 to vector<16xf32>
        %select_n3A_362 = arith.select %gt3A_360, %get3A_358, %broadcast_in_dim3A_361 : vector<16xi1>, vector<16xf32>
        %add3A_363 = arith.addf %while3A_354, %select_n3A_362 : vector<16xf32>
        %convert_element_type3A_364 = arith.extui %gt3A_360 : vector<16xi1> to vector<16xi32>
        %add3A_365 = arith.addi %while3A_355, %convert_element_type3A_364 : vector<16xi32>
        scf.yield %add3A_363, %add3A_365 : vector<16xf32>, vector<16xi32>
      }
      %reduce_sum3A_335 = arith.constant true
      %reduce_sum3A_336 = vector.broadcast %reduce_sum3A_335 : i1 to vector<16xi1>
      %reduce_sum3A_337 = tpu.scan <sum>, %while3A_334#0 masked %reduce_sum3A_336 : vector<16xf32>, vector<16xi1> -> vector<16xf32>
      %reduce_sum3A_338 = vector.extract %reduce_sum3A_337[15] : f32 from vector<16xf32>
      %reduce_sum3A_339 = arith.constant true
      %reduce_sum3A_340 = vector.broadcast %reduce_sum3A_339 : i1 to vector<16xi1>
      %reduce_sum3A_341 = tpu.scan <sum>, %while3A_334#1 masked %reduce_sum3A_340 : vector<16xi32>, vector<16xi1> -> vector<16xi32>
      %reduce_sum3A_342 = vector.extract %reduce_sum3A_341[15] : i32 from vector<16xi32>
      %convert_element_type3A_343 = arith.sitofp %reduce_sum3A_342 : i32 to f32
      %mul3A_344 = arith.mulf %mul3A_319, %convert_element_type3A_343 : f32
      %sub3A_345 = arith.subf %reduce_sum3A_338, %mul3A_344 : f32
      %gt3A = arith.constant 1.000000e+00 : f32
      %gt3A_346 = arith.cmpf ogt, %sub3A_345, %gt3A : f32
      %add3A_347 = arith.constant 1 : i32
      %add3A_348 = arith.addi %while3A_311, %add3A_347 : i32
      %select_n3A = arith.select %gt3A_346, %mul3A_319, %while3A_312 : f32
      %select_n3A_349 = arith.select %gt3A_346, %while3A_313, %mul3A_319 : f32
      %select_n3A_350 = arith.select %gt3A_346, %reduce_sum3A_338, %while3A_314 : f32
      %select_n3A_351 = arith.select %gt3A_346, %reduce_sum3A_342, %while3A_315 : i32
      %select_n3A_352 = arith.select %gt3A_346, %while3A_316, %reduce_sum3A_342 : i32
      scf.yield %add3A_348, %select_n3A, %select_n3A_349, %select_n3A_350, %select_n3A_351, %select_n3A_352 : i32, f32, f32, f32, i32, i32
    }
    %sub3A_136 = arith.constant 1.000000e+00 : f32
    %sub3A_137 = arith.subf %while3A_135#3, %sub3A_136 : f32
    %broadcast_in_dim3A_138 = vector.broadcast %sub3A_137 : f32 to vector<16xf32>
    %broadcast_in_dim3A_139 = vector.broadcast %while3A_135#4 : i32 to vector<16xi32>
    %convert_element_type3A_140 = arith.sitofp %broadcast_in_dim3A_139 : vector<16xi32> to vector<16xf32>
    %div3A_141 = arith.divf %broadcast_in_dim3A_138, %convert_element_type3A_140 : vector<16xf32>
    %parallel_loop3A_142 = arith.constant 0 : i32
    %parallel_loop3A_143 = arith.constant 32768 : i32
    %parallel_loop3A_144 = arith.constant 16 : i32
    scf.for %parallel_loop3A_311 = %parallel_loop3A_142 to %parallel_loop3A_143 step %parallel_loop3A_144  : i32 {
      %parallel_loop3A_312 = tpu.assume_multiple %parallel_loop3A_311, 16 : i32
      %parallel_loop3A_313 = arith.index_cast %parallel_loop3A_312 : i32 to index
      %parallel_loop3A_314 = tpu.vector_load %arg5[%parallel_loop3A_313] {strides = array<i32>} : memref<32768xf32, #tpu.memory_space<vmem>>, vector<16xf32>,
      %parallel_loop3A_315 = arith.subf %parallel_loop3A_314, %div3A_141 : vector<16xf32>
      %parallel_loop3A_316 = arith.constant 0.000000e+00 : f32
      %parallel_loop3A_317 = vector.broadcast %parallel_loop3A_316 : f32 to vector<16xf32>
      %parallel_loop3A_318 = arith.maximumf %parallel_loop3A_315, %parallel_loop3A_317 : vector<16xf32>
      %parallel_loop3A_319 = arith.index_cast %parallel_loop3A_312 : i32 to index
      %parallel_loop3A_320 = tpu.vector_load %arg5[%parallel_loop3A_319] {strides = array<i32>} : memref<32768xf32, #tpu.memory_space<vmem>>, vector<16xf32>,
      tpu.vector_store %arg5[%parallel_loop3A_319], %parallel_loop3A_318 {strides = array<i32>} : memref<32768xf32, #tpu.memory_space<vmem>>, vector<16xf32>,
    } {sc.loop_unroll_factor = 8 : i64, sc.parallel_access}
    %add3A_145 = arith.constant 1 : i32
    %add3A_146 = arith.addi %mul3A_2, %add3A_145 : i32
    %dma_start3A_147 = arith.constant 0 : i32
    %dma_start3A_148 = tpu.memref_slice %arg3[%add3A_146, %dma_start3A_147] : memref<128x32768xf32, #tpu.memory_space<hbm>> -> memref<1x32768xf32, #tpu.memory_space<hbm>>
    %dma_start3A_149 = tpu.memref_squeeze %dma_start3A_148 : memref<1x32768xf32, #tpu.memory_space<hbm>> -> memref<32768xf32, #tpu.memory_space<hbm>>
    %dma_start3A_150 = arith.constant 0 : i32
    %dma_start3A_151 = tpu.memref_slice %arg3[%add3A_146, %dma_start3A_150] : memref<128x32768xf32, #tpu.memory_space<hbm>> -> memref<1x32768xf32, #tpu.memory_space<hbm>>
    %dma_start3A_152 = tpu.memref_squeeze %dma_start3A_151 : memref<1x32768xf32, #tpu.memory_space<hbm>> -> memref<32768xf32, #tpu.memory_space<hbm>>
    tpu.enqueue_dma source(%arg5 : memref<32768xf32, #tpu.memory_space<vmem>>) target(%dma_start3A_152 : memref<32768xf32, #tpu.memory_space<hbm>>) target_semaphore(%arg10 : memref<!tpu.dma_semaphore, #tpu.memory_space<semaphore_mem>>)
    %dma_wait3A_153 = arith.constant 0 : i32
    %dma_wait3A_154 = tpu.memref_slice %arg2[%add3A_87, %dma_wait3A_153] : memref<128x32768xf32, #tpu.memory_space<hbm>> -> memref<1x32768xf32, #tpu.memory_space<hbm>>
    %dma_wait3A_155 = tpu.memref_squeeze %dma_wait3A_154 : memref<1x32768xf32, #tpu.memory_space<hbm>> -> memref<32768xf32, #tpu.memory_space<hbm>>
    %dma_wait3A_156 = arith.constant 0 : i32
    %dma_wait3A_157 = tpu.memref_slice %arg2[%add3A_87, %dma_wait3A_156] : memref<128x32768xf32, #tpu.memory_space<hbm>> -> memref<1x32768xf32, #tpu.memory_space<hbm>>
    %dma_wait3A_158 = tpu.memref_squeeze %dma_wait3A_157 : memref<1x32768xf32, #tpu.memory_space<hbm>> -> memref<32768xf32, #tpu.memory_space<hbm>>
    tpu.wait_dma2 semaphore(%arg7 : memref<!tpu.dma_semaphore, #tpu.memory_space<semaphore_mem>>) src(%dma_wait3A_158 : memref<32768xf32, #tpu.memory_space<hbm>>) dst(%arg4 : memref<32768xf32, #tpu.memory_space<vmem>>)
    %dma_wait3A_159 = arith.constant 0 : i32
    %dma_wait3A_160 = tpu.memref_slice %arg3[%add3A_146, %dma_wait3A_159] : memref<128x32768xf32, #tpu.memory_space<hbm>> -> memref<1x32768xf32, #tpu.memory_space<hbm>>
    %dma_wait3A_161 = tpu.memref_squeeze %dma_wait3A_160 : memref<1x32768xf32, #tpu.memory_space<hbm>> -> memref<32768xf32, #tpu.memory_space<hbm>>
    %dma_wait3A_162 = arith.constant 0 : i32
    %dma_wait3A_163 = tpu.memref_slice %arg3[%add3A_146, %dma_wait3A_162] : memref<128x32768xf32, #tpu.memory_space<hbm>> -> memref<1x32768xf32, #tpu.memory_space<hbm>>
    %dma_wait3A_164 = tpu.memref_squeeze %dma_wait3A_163 : memref<1x32768xf32, #tpu.memory_space<hbm>> -> memref<32768xf32, #tpu.memory_space<hbm>>
    tpu.wait_dma2 semaphore(%arg10 : memref<!tpu.dma_semaphore, #tpu.memory_space<semaphore_mem>>) src(%arg5 : memref<32768xf32, #tpu.memory_space<vmem>>) dst(%dma_wait3A_164 : memref<32768xf32, #tpu.memory_space<hbm>>)
    %add3A_165 = arith.constant 2 : i32
    %add3A_166 = arith.addi %mul3A_2, %add3A_165 : i32
    %add3A_167 = arith.constant 1 : i32
    %add3A_168 = arith.addi %add3A_166, %add3A_167 : i32
    %dma_start3A_169 = arith.constant 0 : i32
    %dma_start3A_170 = tpu.memref_slice %arg2[%add3A_168, %dma_start3A_169] : memref<128x32768xf32, #tpu.memory_space<hbm>> -> memref<1x32768xf32, #tpu.memory_space<hbm>>
    %dma_start3A_171 = tpu.memref_squeeze %dma_start3A_170 : memref<1x32768xf32, #tpu.memory_space<hbm>> -> memref<32768xf32, #tpu.memory_space<hbm>>
    %dma_start3A_172 = arith.constant 0 : i32
    %dma_start3A_173 = tpu.memref_slice %arg2[%add3A_168, %dma_start3A_172] : memref<128x32768xf32, #tpu.memory_space<hbm>> -> memref<1x32768xf32, #tpu.memory_space<hbm>>
    %dma_start3A_174 = tpu.memref_squeeze %dma_start3A_173 : memref<1x32768xf32, #tpu.memory_space<hbm>> -> memref<32768xf32, #tpu.memory_space<hbm>>
    tpu.enqueue_dma source(%dma_start3A_174 : memref<32768xf32, #tpu.memory_space<hbm>>) target(%arg5 : memref<32768xf32, #tpu.memory_space<vmem>>) target_semaphore(%arg8 : memref<!tpu.dma_semaphore, #tpu.memory_space<semaphore_mem>>)
    %broadcast_in_dim3A_175 = arith.constant 0xFF800000 : f32
    %broadcast_in_dim3A_176 = vector.broadcast %broadcast_in_dim3A_175 : f32 to vector<16xf32>
    %parallel_loop3A_177 = arith.constant 0 : i32
    %parallel_loop3A_178 = arith.constant 32768 : i32
    %parallel_loop3A_179 = arith.constant 16 : i32
    %parallel_loop3A_180 = scf.for %parallel_loop3A_311 = %parallel_loop3A_177 to %parallel_loop3A_178 step %parallel_loop3A_179 iter_args(%parallel_loop3A_312 = %broadcast_in_dim3A_176) -> (vector<16xf32>)  : i32 {
      %parallel_loop3A_313 = tpu.assume_multiple %parallel_loop3A_311, 16 : i32
      %parallel_loop3A_314 = arith.index_cast %parallel_loop3A_313 : i32 to index
      %parallel_loop3A_315 = tpu.vector_load %arg4[%parallel_loop3A_314] {strides = array<i32>} : memref<32768xf32, #tpu.memory_space<vmem>>, vector<16xf32>,
      %parallel_loop3A_316 = arith.maximumf %parallel_loop3A_312, %parallel_loop3A_315 : vector<16xf32>
      scf.yield %parallel_loop3A_316 : vector<16xf32>
    } {sc.loop_unroll_factor = 8 : i64, sc.parallel_access}
    %reduce_max3A_181 = arith.constant true
    %reduce_max3A_182 = vector.broadcast %reduce_max3A_181 : i1 to vector<16xi1>
    %reduce_max3A_183 = tpu.scan <max>, %parallel_loop3A_180 masked %reduce_max3A_182 : vector<16xf32>, vector<16xi1> -> vector<16xf32>
    %reduce_max3A_184 = vector.extract %reduce_max3A_183[15] : f32 from vector<16xf32>
    %sub3A_185 = arith.constant 1.000000e+00 : f32
    %sub3A_186 = arith.subf %reduce_max3A_184, %sub3A_185 : f32
    %broadcast_in_dim3A_187 = arith.constant 0 : i32
    %broadcast_in_dim3A_188 = vector.broadcast %broadcast_in_dim3A_187 : i32 to vector<16xi32>
    %broadcast_in_dim3A_189 = arith.constant 0.000000e+00 : f32
    %broadcast_in_dim3A_190 = vector.broadcast %broadcast_in_dim3A_189 : f32 to vector<16xf32>
    %parallel_loop3A_191 = arith.constant 0 : i32
    %parallel_loop3A_192 = arith.constant 32768 : i32
    %parallel_loop3A_193 = arith.constant 16 : i32
    %parallel_loop3A_194:2 = scf.for %parallel_loop3A_311 = %parallel_loop3A_191 to %parallel_loop3A_192 step %parallel_loop3A_193 iter_args(%parallel_loop3A_312 = %broadcast_in_dim3A_188, %parallel_loop3A_313 = %broadcast_in_dim3A_190) -> (vector<16xi32>, vector<16xf32>)  : i32 {
      %parallel_loop3A_314 = tpu.assume_multiple %parallel_loop3A_311, 16 : i32
      %parallel_loop3A_315 = arith.index_cast %parallel_loop3A_314 : i32 to index
      %parallel_loop3A_316 = tpu.vector_load %arg4[%parallel_loop3A_315] {strides = array<i32>} : memref<32768xf32, #tpu.memory_space<vmem>>, vector<16xf32>,
      %parallel_loop3A_317 = vector.broadcast %sub3A_186 : f32 to vector<16xf32>
      %parallel_loop3A_318 = arith.cmpf ogt, %parallel_loop3A_316, %parallel_loop3A_317 : vector<16xf32>
      %parallel_loop3A_319 = arith.constant 1.000000e+00 : f32
      %parallel_loop3A_320 = arith.constant 0.000000e+00 : f32
      %parallel_loop3A_321 = vector.broadcast %parallel_loop3A_319 : f32 to vector<16xf32>
      %parallel_loop3A_322 = vector.broadcast %parallel_loop3A_320 : f32 to vector<16xf32>
      %parallel_loop3A_323 = arith.select %parallel_loop3A_318, %parallel_loop3A_321, %parallel_loop3A_322 : vector<16xi1>, vector<16xf32>
      %parallel_loop3A_324 = arith.constant true
      %parallel_loop3A_325 = vector.broadcast %parallel_loop3A_324 : i1 to vector<16xi1>
      %parallel_loop3A_326 = tpu.scan <max>, %parallel_loop3A_323 masked %parallel_loop3A_325 : vector<16xf32>, vector<16xi1> -> vector<16xf32>
      %parallel_loop3A_327 = vector.extract %parallel_loop3A_326[15] : f32 from vector<16xf32>
      %parallel_loop3A_328 = arith.constant 0.000000e+00 : f32
      %parallel_loop3A_329 = arith.cmpf ogt, %parallel_loop3A_327, %parallel_loop3A_328 : f32
      %parallel_loop3A_330 = arith.extui %parallel_loop3A_329 : i1 to i32
      %parallel_loop3A_331 = arith.constant 0 : i32
      %parallel_loop3A_332 = arith.cmpi ne, %parallel_loop3A_330, %parallel_loop3A_331 : i32
      %parallel_loop3A_333:2 = scf.if %parallel_loop3A_332 -> (vector<16xi32>, vector<16xf32>) {
        %parallel_loop3A_334 = arith.extui %parallel_loop3A_318 : vector<16xi1> to vector<16xi32>
        %parallel_loop3A_335 = arith.constant true
        %parallel_loop3A_336 = vector.broadcast %parallel_loop3A_335 : i1 to vector<16xi1>
        %parallel_loop3A_337 = tpu.scan <sum>, %parallel_loop3A_334 masked %parallel_loop3A_336 : vector<16xi32>, vector<16xi1> -> vector<16xi32>
        %parallel_loop3A_338 = arith.constant 1 : i32
        %parallel_loop3A_339 = vector.broadcast %parallel_loop3A_338 : i32 to vector<16xi32>
        %parallel_loop3A_340 = arith.subi %parallel_loop3A_337, %parallel_loop3A_339 : vector<16xi32>
        %parallel_loop3A_341 = arith.addi %parallel_loop3A_340, %parallel_loop3A_312 : vector<16xi32>
        tpu.vector_store_idx %arg6[%parallel_loop3A_341], %parallel_loop3A_316 masked %parallel_loop3A_318 : memref<32784xf32, #tpu.memory_space<vmem>>[vector<16xi32>], vector<16xf32>, vector<16xi1>
        %parallel_loop3A_342 = tpu.all_reduce %parallel_loop3A_318 {dim = 0 : i64, kind = #tpu.reduction_kind<sum>} : vector<16xi1> -> vector<16xi32>
        %parallel_loop3A_343 = arith.addi %parallel_loop3A_312, %parallel_loop3A_342 : vector<16xi32>
        %parallel_loop3A_344 = arith.constant 0.000000e+00 : f32
        %parallel_loop3A_345 = vector.broadcast %parallel_loop3A_344 : f32 to vector<16xf32>
        %parallel_loop3A_346 = arith.select %parallel_loop3A_318, %parallel_loop3A_316, %parallel_loop3A_345 : vector<16xi1>, vector<16xf32>
        %parallel_loop3A_347 = arith.addf %parallel_loop3A_313, %parallel_loop3A_346 : vector<16xf32>
        scf.yield %parallel_loop3A_343, %parallel_loop3A_347 : vector<16xi32>, vector<16xf32>
      } else {
        scf.yield %parallel_loop3A_312, %parallel_loop3A_313 : vector<16xi32>, vector<16xf32>
      }
      scf.yield %parallel_loop3A_333#0, %parallel_loop3A_333#1 : vector<16xi32>, vector<16xf32>
    } {sc.loop_unroll_factor = 8 : i64, sc.parallel_access}
    %reduce_max3A_195 = arith.constant true
    %reduce_max3A_196 = vector.broadcast %reduce_max3A_195 : i1 to vector<16xi1>
    %reduce_max3A_197 = arith.constant -2147483648 : i32
    %reduce_max3A_198 = vector.broadcast %reduce_max3A_197 : i32 to vector<16xi32>
    %reduce_max3A_199 = arith.xori %parallel_loop3A_194#0, %reduce_max3A_198 : vector<16xi32>
    %reduce_max3A_200 = tpu.scan <max>, %reduce_max3A_199 masked %reduce_max3A_196 : vector<16xi32>, vector<16xi1> -> vector<16xi32>
    %reduce_max3A_201 = arith.xori %reduce_max3A_200, %reduce_max3A_198 : vector<16xi32>
    %reduce_max3A_202 = vector.extract %reduce_max3A_201[15] : i32 from vector<16xi32>
    %reduce_sum3A_203 = arith.constant true
    %reduce_sum3A_204 = vector.broadcast %reduce_sum3A_203 : i1 to vector<16xi1>
    %reduce_sum3A_205 = tpu.scan <sum>, %parallel_loop3A_194#1 masked %reduce_sum3A_204 : vector<16xf32>, vector<16xi1> -> vector<16xf32>
    %reduce_sum3A_206 = vector.extract %reduce_sum3A_205[15] : f32 from vector<16xf32>
    %iota3A_207 = tpu.iota {dimensions = array<i32: 0>} : vector<16xi32>
    %add3A_208 = arith.addi %parallel_loop3A_194#0, %iota3A_207 : vector<16xi32>
    %broadcast_in_dim3A_209 = vector.broadcast %sub3A_186 : f32 to vector<16xf32>
    tpu.vector_store_idx %arg6[%add3A_208], %broadcast_in_dim3A_209 : memref<32784xf32, #tpu.memory_space<vmem>>[vector<16xi32>], vector<16xf32>,
    %add3A_210 = arith.constant 15 : i32
    %add3A_211 = arith.addi %reduce_max3A_202, %add3A_210 : i32
    %shift_right_logical3A_212 = arith.constant 4 : i32
    %shift_right_logical3A_213 = arith.shrui %add3A_211, %shift_right_logical3A_212 : i32
    %while3A_214 = arith.constant 0 : i32
    %while3A_215 = arith.constant 0 : i32
    %while3A_216:6 = scf.while (%while3A_311 = %while3A_214, %while3A_312 = %sub3A_186, %while3A_313 = %reduce_max3A_184, %while3A_314 = %reduce_sum3A_206, %while3A_315 = %reduce_max3A_202, %while3A_316 = %while3A_215) : (i32, f32, f32, f32, i32, i32) -> (i32, f32, f32, f32, i32, i32) {
      %lt3A = arith.constant 30 : i32
      %lt3A_317 = arith.cmpi slt, %while3A_311, %lt3A : i32
      %ne3A = arith.cmpi ne, %while3A_315, %while3A_316 : i32
      %and3A = arith.andi %lt3A_317, %ne3A : i1
      scf.condition(%and3A) %while3A_311, %while3A_312, %while3A_313, %while3A_314, %while3A_315, %while3A_316 : i32, f32, f32, f32, i32, i32
    } do {
    ^bb0(%while3A_311: i32, %while3A_312: f32, %while3A_313: f32, %while3A_314: f32, %while3A_315: i32, %while3A_316: i32):
      %add3A_317 = arith.addf %while3A_312, %while3A_313 : f32
      %mul3A_318 = arith.constant 5.000000e-01 : f32
      %mul3A_319 = arith.mulf %mul3A_318, %add3A_317 : f32
      %broadcast_in_dim3A_320 = arith.constant 0.000000e+00 : f32
      %broadcast_in_dim3A_321 = vector.broadcast %broadcast_in_dim3A_320 : f32 to vector<16xf32>
      %broadcast_in_dim3A_322 = arith.constant 0 : i32
      %broadcast_in_dim3A_323 = vector.broadcast %broadcast_in_dim3A_322 : i32 to vector<16xi32>
      %while3A_324 = arith.constant 0 : i32
      %while3A_325 = arith.subi %shift_right_logical3A_213, %while3A_324 : i32
      %while3A_326 = arith.addi %while3A_324, %while3A_325 : i32
      %while3A_327 = arith.constant 1 : i32
      %while3A_328 = arith.divsi %while3A_325, %while3A_327 : i32
      %while3A_329 = arith.muli %while3A_328, %while3A_327 : i32
      %while3A_330 = arith.addi %while3A_324, %while3A_329 : i32
      %while3A_331 = arith.constant 1 : i32
      %while3A_332:2 = scf.for %while3A_353 = %while3A_324 to %while3A_330 step %while3A_331 iter_args(%while3A_354 = %broadcast_in_dim3A_321, %while3A_355 = %broadcast_in_dim3A_323) -> (vector<16xf32>, vector<16xi32>)  : i32 {
        %mul3A_356 = arith.constant 16 : i32
        %mul3A_357 = arith.muli %while3A_353, %mul3A_356 : i32
        %multiple_of3A = tpu.assume_multiple %mul3A_357, 16 : i32
        %get3A = arith.index_cast %multiple_of3A : i32 to index
        %get3A_358 = tpu.vector_load %arg6[%get3A] {strides = array<i32>} : memref<32784xf32, #tpu.memory_space<vmem>>, vector<16xf32>,
        %gt3A_359 = vector.broadcast %mul3A_319 : f32 to vector<16xf32>
        %gt3A_360 = arith.cmpf ogt, %get3A_358, %gt3A_359 : vector<16xf32>
        %jit3A = arith.constant 0.000000e+00 : f32
        %broadcast_in_dim3A_361 = vector.broadcast %jit3A : f32 to vector<16xf32>
        %select_n3A_362 = arith.select %gt3A_360, %get3A_358, %broadcast_in_dim3A_361 : vector<16xi1>, vector<16xf32>
        %add3A_363 = arith.addf %while3A_354, %select_n3A_362 : vector<16xf32>
        %convert_element_type3A_364 = arith.extui %gt3A_360 : vector<16xi1> to vector<16xi32>
        %add3A_365 = arith.addi %while3A_355, %convert_element_type3A_364 : vector<16xi32>
        scf.yield %add3A_363, %add3A_365 : vector<16xf32>, vector<16xi32>
      }
      %while3A_333 = arith.constant 1 : i32
      %while3A_334:2 = scf.for %while3A_353 = %while3A_330 to %while3A_326 step %while3A_333 iter_args(%while3A_354 = %while3A_332#0, %while3A_355 = %while3A_332#1) -> (vector<16xf32>, vector<16xi32>)  : i32 {
        %mul3A_356 = arith.constant 16 : i32
        %mul3A_357 = arith.muli %while3A_353, %mul3A_356 : i32
        %multiple_of3A = tpu.assume_multiple %mul3A_357, 16 : i32
        %get3A = arith.index_cast %multiple_of3A : i32 to index
        %get3A_358 = tpu.vector_load %arg6[%get3A] {strides = array<i32>} : memref<32784xf32, #tpu.memory_space<vmem>>, vector<16xf32>,
        %gt3A_359 = vector.broadcast %mul3A_319 : f32 to vector<16xf32>
        %gt3A_360 = arith.cmpf ogt, %get3A_358, %gt3A_359 : vector<16xf32>
        %jit3A = arith.constant 0.000000e+00 : f32
        %broadcast_in_dim3A_361 = vector.broadcast %jit3A : f32 to vector<16xf32>
        %select_n3A_362 = arith.select %gt3A_360, %get3A_358, %broadcast_in_dim3A_361 : vector<16xi1>, vector<16xf32>
        %add3A_363 = arith.addf %while3A_354, %select_n3A_362 : vector<16xf32>
        %convert_element_type3A_364 = arith.extui %gt3A_360 : vector<16xi1> to vector<16xi32>
        %add3A_365 = arith.addi %while3A_355, %convert_element_type3A_364 : vector<16xi32>
        scf.yield %add3A_363, %add3A_365 : vector<16xf32>, vector<16xi32>
      }
      %reduce_sum3A_335 = arith.constant true
      %reduce_sum3A_336 = vector.broadcast %reduce_sum3A_335 : i1 to vector<16xi1>
      %reduce_sum3A_337 = tpu.scan <sum>, %while3A_334#0 masked %reduce_sum3A_336 : vector<16xf32>, vector<16xi1> -> vector<16xf32>
      %reduce_sum3A_338 = vector.extract %reduce_sum3A_337[15] : f32 from vector<16xf32>
      %reduce_sum3A_339 = arith.constant true
      %reduce_sum3A_340 = vector.broadcast %reduce_sum3A_339 : i1 to vector<16xi1>
      %reduce_sum3A_341 = tpu.scan <sum>, %while3A_334#1 masked %reduce_sum3A_340 : vector<16xi32>, vector<16xi1> -> vector<16xi32>
      %reduce_sum3A_342 = vector.extract %reduce_sum3A_341[15] : i32 from vector<16xi32>
      %convert_element_type3A_343 = arith.sitofp %reduce_sum3A_342 : i32 to f32
      %mul3A_344 = arith.mulf %mul3A_319, %convert_element_type3A_343 : f32
      %sub3A_345 = arith.subf %reduce_sum3A_338, %mul3A_344 : f32
      %gt3A = arith.constant 1.000000e+00 : f32
      %gt3A_346 = arith.cmpf ogt, %sub3A_345, %gt3A : f32
      %add3A_347 = arith.constant 1 : i32
      %add3A_348 = arith.addi %while3A_311, %add3A_347 : i32
      %select_n3A = arith.select %gt3A_346, %mul3A_319, %while3A_312 : f32
      %select_n3A_349 = arith.select %gt3A_346, %while3A_313, %mul3A_319 : f32
      %select_n3A_350 = arith.select %gt3A_346, %reduce_sum3A_338, %while3A_314 : f32
      %select_n3A_351 = arith.select %gt3A_346, %reduce_sum3A_342, %while3A_315 : i32
      %select_n3A_352 = arith.select %gt3A_346, %while3A_316, %reduce_sum3A_342 : i32
      scf.yield %add3A_348, %select_n3A, %select_n3A_349, %select_n3A_350, %select_n3A_351, %select_n3A_352 : i32, f32, f32, f32, i32, i32
    }
    %sub3A_217 = arith.constant 1.000000e+00 : f32
    %sub3A_218 = arith.subf %while3A_216#3, %sub3A_217 : f32
    %broadcast_in_dim3A_219 = vector.broadcast %sub3A_218 : f32 to vector<16xf32>
    %broadcast_in_dim3A_220 = vector.broadcast %while3A_216#4 : i32 to vector<16xi32>
    %convert_element_type3A_221 = arith.sitofp %broadcast_in_dim3A_220 : vector<16xi32> to vector<16xf32>
    %div3A_222 = arith.divf %broadcast_in_dim3A_219, %convert_element_type3A_221 : vector<16xf32>
    %parallel_loop3A_223 = arith.constant 0 : i32
    %parallel_loop3A_224 = arith.constant 32768 : i32
    %parallel_loop3A_225 = arith.constant 16 : i32
    scf.for %parallel_loop3A_311 = %parallel_loop3A_223 to %parallel_loop3A_224 step %parallel_loop3A_225  : i32 {
      %parallel_loop3A_312 = tpu.assume_multiple %parallel_loop3A_311, 16 : i32
      %parallel_loop3A_313 = arith.index_cast %parallel_loop3A_312 : i32 to index
      %parallel_loop3A_314 = tpu.vector_load %arg4[%parallel_loop3A_313] {strides = array<i32>} : memref<32768xf32, #tpu.memory_space<vmem>>, vector<16xf32>,
      %parallel_loop3A_315 = arith.subf %parallel_loop3A_314, %div3A_222 : vector<16xf32>
      %parallel_loop3A_316 = arith.constant 0.000000e+00 : f32
      %parallel_loop3A_317 = vector.broadcast %parallel_loop3A_316 : f32 to vector<16xf32>
      %parallel_loop3A_318 = arith.maximumf %parallel_loop3A_315, %parallel_loop3A_317 : vector<16xf32>
      %parallel_loop3A_319 = arith.index_cast %parallel_loop3A_312 : i32 to index
      %parallel_loop3A_320 = tpu.vector_load %arg4[%parallel_loop3A_319] {strides = array<i32>} : memref<32768xf32, #tpu.memory_space<vmem>>, vector<16xf32>,
      tpu.vector_store %arg4[%parallel_loop3A_319], %parallel_loop3A_318 {strides = array<i32>} : memref<32768xf32, #tpu.memory_space<vmem>>, vector<16xf32>,
    } {sc.loop_unroll_factor = 8 : i64, sc.parallel_access}
    %add3A_226 = arith.constant 2 : i32
    %add3A_227 = arith.addi %mul3A_2, %add3A_226 : i32
    %dma_start3A_228 = arith.constant 0 : i32
    %dma_start3A_229 = tpu.memref_slice %arg3[%add3A_227, %dma_start3A_228] : memref<128x32768xf32, #tpu.memory_space<hbm>> -> memref<1x32768xf32, #tpu.memory_space<hbm>>
    %dma_start3A_230 = tpu.memref_squeeze %dma_start3A_229 : memref<1x32768xf32, #tpu.memory_space<hbm>> -> memref<32768xf32, #tpu.memory_space<hbm>>
    %dma_start3A_231 = arith.constant 0 : i32
    %dma_start3A_232 = tpu.memref_slice %arg3[%add3A_227, %dma_start3A_231] : memref<128x32768xf32, #tpu.memory_space<hbm>> -> memref<1x32768xf32, #tpu.memory_space<hbm>>
    %dma_start3A_233 = tpu.memref_squeeze %dma_start3A_232 : memref<1x32768xf32, #tpu.memory_space<hbm>> -> memref<32768xf32, #tpu.memory_space<hbm>>
    tpu.enqueue_dma source(%arg4 : memref<32768xf32, #tpu.memory_space<vmem>>) target(%dma_start3A_233 : memref<32768xf32, #tpu.memory_space<hbm>>) target_semaphore(%arg9 : memref<!tpu.dma_semaphore, #tpu.memory_space<semaphore_mem>>)
    %dma_wait3A_234 = arith.constant 0 : i32
    %dma_wait3A_235 = tpu.memref_slice %arg2[%add3A_168, %dma_wait3A_234] : memref<128x32768xf32, #tpu.memory_space<hbm>> -> memref<1x32768xf32, #tpu.memory_space<hbm>>
    %dma_wait3A_236 = tpu.memref_squeeze %dma_wait3A_235 : memref<1x32768xf32, #tpu.memory_space<hbm>> -> memref<32768xf32, #tpu.memory_space<hbm>>
    %dma_wait3A_237 = arith.constant 0 : i32
    %dma_wait3A_238 = tpu.memref_slice %arg2[%add3A_168, %dma_wait3A_237] : memref<128x32768xf32, #tpu.memory_space<hbm>> -> memref<1x32768xf32, #tpu.memory_space<hbm>>
    %dma_wait3A_239 = tpu.memref_squeeze %dma_wait3A_238 : memref<1x32768xf32, #tpu.memory_space<hbm>> -> memref<32768xf32, #tpu.memory_space<hbm>>
    tpu.wait_dma2 semaphore(%arg8 : memref<!tpu.dma_semaphore, #tpu.memory_space<semaphore_mem>>) src(%dma_wait3A_239 : memref<32768xf32, #tpu.memory_space<hbm>>) dst(%arg5 : memref<32768xf32, #tpu.memory_space<vmem>>)
    %broadcast_in_dim3A_240 = arith.constant 0xFF800000 : f32
    %broadcast_in_dim3A_241 = vector.broadcast %broadcast_in_dim3A_240 : f32 to vector<16xf32>
    %parallel_loop3A_242 = arith.constant 0 : i32
    %parallel_loop3A_243 = arith.constant 32768 : i32
    %parallel_loop3A_244 = arith.constant 16 : i32
    %parallel_loop3A_245 = scf.for %parallel_loop3A_311 = %parallel_loop3A_242 to %parallel_loop3A_243 step %parallel_loop3A_244 iter_args(%parallel_loop3A_312 = %broadcast_in_dim3A_241) -> (vector<16xf32>)  : i32 {
      %parallel_loop3A_313 = tpu.assume_multiple %parallel_loop3A_311, 16 : i32
      %parallel_loop3A_314 = arith.index_cast %parallel_loop3A_313 : i32 to index
      %parallel_loop3A_315 = tpu.vector_load %arg5[%parallel_loop3A_314] {strides = array<i32>} : memref<32768xf32, #tpu.memory_space<vmem>>, vector<16xf32>,
      %parallel_loop3A_316 = arith.maximumf %parallel_loop3A_312, %parallel_loop3A_315 : vector<16xf32>
      scf.yield %parallel_loop3A_316 : vector<16xf32>
    } {sc.loop_unroll_factor = 8 : i64, sc.parallel_access}
    %reduce_max3A_246 = arith.constant true
    %reduce_max3A_247 = vector.broadcast %reduce_max3A_246 : i1 to vector<16xi1>
    %reduce_max3A_248 = tpu.scan <max>, %parallel_loop3A_245 masked %reduce_max3A_247 : vector<16xf32>, vector<16xi1> -> vector<16xf32>
    %reduce_max3A_249 = vector.extract %reduce_max3A_248[15] : f32 from vector<16xf32>
    %sub3A_250 = arith.constant 1.000000e+00 : f32
    %sub3A_251 = arith.subf %reduce_max3A_249, %sub3A_250 : f32
    %broadcast_in_dim3A_252 = arith.constant 0 : i32
    %broadcast_in_dim3A_253 = vector.broadcast %broadcast_in_dim3A_252 : i32 to vector<16xi32>
    %broadcast_in_dim3A_254 = arith.constant 0.000000e+00 : f32
    %broadcast_in_dim3A_255 = vector.broadcast %broadcast_in_dim3A_254 : f32 to vector<16xf32>
    %parallel_loop3A_256 = arith.constant 0 : i32
    %parallel_loop3A_257 = arith.constant 32768 : i32
    %parallel_loop3A_258 = arith.constant 16 : i32
    %parallel_loop3A_259:2 = scf.for %parallel_loop3A_311 = %parallel_loop3A_256 to %parallel_loop3A_257 step %parallel_loop3A_258 iter_args(%parallel_loop3A_312 = %broadcast_in_dim3A_253, %parallel_loop3A_313 = %broadcast_in_dim3A_255) -> (vector<16xi32>, vector<16xf32>)  : i32 {
      %parallel_loop3A_314 = tpu.assume_multiple %parallel_loop3A_311, 16 : i32
      %parallel_loop3A_315 = arith.index_cast %parallel_loop3A_314 : i32 to index
      %parallel_loop3A_316 = tpu.vector_load %arg5[%parallel_loop3A_315] {strides = array<i32>} : memref<32768xf32, #tpu.memory_space<vmem>>, vector<16xf32>,
      %parallel_loop3A_317 = vector.broadcast %sub3A_251 : f32 to vector<16xf32>
      %parallel_loop3A_318 = arith.cmpf ogt, %parallel_loop3A_316, %parallel_loop3A_317 : vector<16xf32>
      %parallel_loop3A_319 = arith.constant 1.000000e+00 : f32
      %parallel_loop3A_320 = arith.constant 0.000000e+00 : f32
      %parallel_loop3A_321 = vector.broadcast %parallel_loop3A_319 : f32 to vector<16xf32>
      %parallel_loop3A_322 = vector.broadcast %parallel_loop3A_320 : f32 to vector<16xf32>
      %parallel_loop3A_323 = arith.select %parallel_loop3A_318, %parallel_loop3A_321, %parallel_loop3A_322 : vector<16xi1>, vector<16xf32>
      %parallel_loop3A_324 = arith.constant true
      %parallel_loop3A_325 = vector.broadcast %parallel_loop3A_324 : i1 to vector<16xi1>
      %parallel_loop3A_326 = tpu.scan <max>, %parallel_loop3A_323 masked %parallel_loop3A_325 : vector<16xf32>, vector<16xi1> -> vector<16xf32>
      %parallel_loop3A_327 = vector.extract %parallel_loop3A_326[15] : f32 from vector<16xf32>
      %parallel_loop3A_328 = arith.constant 0.000000e+00 : f32
      %parallel_loop3A_329 = arith.cmpf ogt, %parallel_loop3A_327, %parallel_loop3A_328 : f32
      %parallel_loop3A_330 = arith.extui %parallel_loop3A_329 : i1 to i32
      %parallel_loop3A_331 = arith.constant 0 : i32
      %parallel_loop3A_332 = arith.cmpi ne, %parallel_loop3A_330, %parallel_loop3A_331 : i32
      %parallel_loop3A_333:2 = scf.if %parallel_loop3A_332 -> (vector<16xi32>, vector<16xf32>) {
        %parallel_loop3A_334 = arith.extui %parallel_loop3A_318 : vector<16xi1> to vector<16xi32>
        %parallel_loop3A_335 = arith.constant true
        %parallel_loop3A_336 = vector.broadcast %parallel_loop3A_335 : i1 to vector<16xi1>
        %parallel_loop3A_337 = tpu.scan <sum>, %parallel_loop3A_334 masked %parallel_loop3A_336 : vector<16xi32>, vector<16xi1> -> vector<16xi32>
        %parallel_loop3A_338 = arith.constant 1 : i32
        %parallel_loop3A_339 = vector.broadcast %parallel_loop3A_338 : i32 to vector<16xi32>
        %parallel_loop3A_340 = arith.subi %parallel_loop3A_337, %parallel_loop3A_339 : vector<16xi32>
        %parallel_loop3A_341 = arith.addi %parallel_loop3A_340, %parallel_loop3A_312 : vector<16xi32>
        tpu.vector_store_idx %arg6[%parallel_loop3A_341], %parallel_loop3A_316 masked %parallel_loop3A_318 : memref<32784xf32, #tpu.memory_space<vmem>>[vector<16xi32>], vector<16xf32>, vector<16xi1>
        %parallel_loop3A_342 = tpu.all_reduce %parallel_loop3A_318 {dim = 0 : i64, kind = #tpu.reduction_kind<sum>} : vector<16xi1> -> vector<16xi32>
        %parallel_loop3A_343 = arith.addi %parallel_loop3A_312, %parallel_loop3A_342 : vector<16xi32>
        %parallel_loop3A_344 = arith.constant 0.000000e+00 : f32
        %parallel_loop3A_345 = vector.broadcast %parallel_loop3A_344 : f32 to vector<16xf32>
        %parallel_loop3A_346 = arith.select %parallel_loop3A_318, %parallel_loop3A_316, %parallel_loop3A_345 : vector<16xi1>, vector<16xf32>
        %parallel_loop3A_347 = arith.addf %parallel_loop3A_313, %parallel_loop3A_346 : vector<16xf32>
        scf.yield %parallel_loop3A_343, %parallel_loop3A_347 : vector<16xi32>, vector<16xf32>
      } else {
        scf.yield %parallel_loop3A_312, %parallel_loop3A_313 : vector<16xi32>, vector<16xf32>
      }
      scf.yield %parallel_loop3A_333#0, %parallel_loop3A_333#1 : vector<16xi32>, vector<16xf32>
    } {sc.loop_unroll_factor = 8 : i64, sc.parallel_access}
    %reduce_max3A_260 = arith.constant true
    %reduce_max3A_261 = vector.broadcast %reduce_max3A_260 : i1 to vector<16xi1>
    %reduce_max3A_262 = arith.constant -2147483648 : i32
    %reduce_max3A_263 = vector.broadcast %reduce_max3A_262 : i32 to vector<16xi32>
    %reduce_max3A_264 = arith.xori %parallel_loop3A_259#0, %reduce_max3A_263 : vector<16xi32>
    %reduce_max3A_265 = tpu.scan <max>, %reduce_max3A_264 masked %reduce_max3A_261 : vector<16xi32>, vector<16xi1> -> vector<16xi32>
    %reduce_max3A_266 = arith.xori %reduce_max3A_265, %reduce_max3A_263 : vector<16xi32>
    %reduce_max3A_267 = vector.extract %reduce_max3A_266[15] : i32 from vector<16xi32>
    %reduce_sum3A_268 = arith.constant true
    %reduce_sum3A_269 = vector.broadcast %reduce_sum3A_268 : i1 to vector<16xi1>
    %reduce_sum3A_270 = tpu.scan <sum>, %parallel_loop3A_259#1 masked %reduce_sum3A_269 : vector<16xf32>, vector<16xi1> -> vector<16xf32>
    %reduce_sum3A_271 = vector.extract %reduce_sum3A_270[15] : f32 from vector<16xf32>
    %iota3A_272 = tpu.iota {dimensions = array<i32: 0>} : vector<16xi32>
    %add3A_273 = arith.addi %parallel_loop3A_259#0, %iota3A_272 : vector<16xi32>
    %broadcast_in_dim3A_274 = vector.broadcast %sub3A_251 : f32 to vector<16xf32>
    tpu.vector_store_idx %arg6[%add3A_273], %broadcast_in_dim3A_274 : memref<32784xf32, #tpu.memory_space<vmem>>[vector<16xi32>], vector<16xf32>,
    %add3A_275 = arith.constant 15 : i32
    %add3A_276 = arith.addi %reduce_max3A_267, %add3A_275 : i32
    %shift_right_logical3A_277 = arith.constant 4 : i32
    %shift_right_logical3A_278 = arith.shrui %add3A_276, %shift_right_logical3A_277 : i32
    %while3A_279 = arith.constant 0 : i32
    %while3A_280 = arith.constant 0 : i32
    %while3A_281:6 = scf.while (%while3A_311 = %while3A_279, %while3A_312 = %sub3A_251, %while3A_313 = %reduce_max3A_249, %while3A_314 = %reduce_sum3A_271, %while3A_315 = %reduce_max3A_267, %while3A_316 = %while3A_280) : (i32, f32, f32, f32, i32, i32) -> (i32, f32, f32, f32, i32, i32) {
      %lt3A = arith.constant 30 : i32
      %lt3A_317 = arith.cmpi slt, %while3A_311, %lt3A : i32
      %ne3A = arith.cmpi ne, %while3A_315, %while3A_316 : i32
      %and3A = arith.andi %lt3A_317, %ne3A : i1
      scf.condition(%and3A) %while3A_311, %while3A_312, %while3A_313, %while3A_314, %while3A_315, %while3A_316 : i32, f32, f32, f32, i32, i32
    } do {
    ^bb0(%while3A_311: i32, %while3A_312: f32, %while3A_313: f32, %while3A_314: f32, %while3A_315: i32, %while3A_316: i32):
      %add3A_317 = arith.addf %while3A_312, %while3A_313 : f32
      %mul3A_318 = arith.constant 5.000000e-01 : f32
      %mul3A_319 = arith.mulf %mul3A_318, %add3A_317 : f32
      %broadcast_in_dim3A_320 = arith.constant 0.000000e+00 : f32
      %broadcast_in_dim3A_321 = vector.broadcast %broadcast_in_dim3A_320 : f32 to vector<16xf32>
      %broadcast_in_dim3A_322 = arith.constant 0 : i32
      %broadcast_in_dim3A_323 = vector.broadcast %broadcast_in_dim3A_322 : i32 to vector<16xi32>
      %while3A_324 = arith.constant 0 : i32
      %while3A_325 = arith.subi %shift_right_logical3A_278, %while3A_324 : i32
      %while3A_326 = arith.addi %while3A_324, %while3A_325 : i32
      %while3A_327 = arith.constant 1 : i32
      %while3A_328 = arith.divsi %while3A_325, %while3A_327 : i32
      %while3A_329 = arith.muli %while3A_328, %while3A_327 : i32
      %while3A_330 = arith.addi %while3A_324, %while3A_329 : i32
      %while3A_331 = arith.constant 1 : i32
      %while3A_332:2 = scf.for %while3A_353 = %while3A_324 to %while3A_330 step %while3A_331 iter_args(%while3A_354 = %broadcast_in_dim3A_321, %while3A_355 = %broadcast_in_dim3A_323) -> (vector<16xf32>, vector<16xi32>)  : i32 {
        %mul3A_356 = arith.constant 16 : i32
        %mul3A_357 = arith.muli %while3A_353, %mul3A_356 : i32
        %multiple_of3A = tpu.assume_multiple %mul3A_357, 16 : i32
        %get3A = arith.index_cast %multiple_of3A : i32 to index
        %get3A_358 = tpu.vector_load %arg6[%get3A] {strides = array<i32>} : memref<32784xf32, #tpu.memory_space<vmem>>, vector<16xf32>,
        %gt3A_359 = vector.broadcast %mul3A_319 : f32 to vector<16xf32>
        %gt3A_360 = arith.cmpf ogt, %get3A_358, %gt3A_359 : vector<16xf32>
        %jit3A = arith.constant 0.000000e+00 : f32
        %broadcast_in_dim3A_361 = vector.broadcast %jit3A : f32 to vector<16xf32>
        %select_n3A_362 = arith.select %gt3A_360, %get3A_358, %broadcast_in_dim3A_361 : vector<16xi1>, vector<16xf32>
        %add3A_363 = arith.addf %while3A_354, %select_n3A_362 : vector<16xf32>
        %convert_element_type3A_364 = arith.extui %gt3A_360 : vector<16xi1> to vector<16xi32>
        %add3A_365 = arith.addi %while3A_355, %convert_element_type3A_364 : vector<16xi32>
        scf.yield %add3A_363, %add3A_365 : vector<16xf32>, vector<16xi32>
      }
      %while3A_333 = arith.constant 1 : i32
      %while3A_334:2 = scf.for %while3A_353 = %while3A_330 to %while3A_326 step %while3A_333 iter_args(%while3A_354 = %while3A_332#0, %while3A_355 = %while3A_332#1) -> (vector<16xf32>, vector<16xi32>)  : i32 {
        %mul3A_356 = arith.constant 16 : i32
        %mul3A_357 = arith.muli %while3A_353, %mul3A_356 : i32
        %multiple_of3A = tpu.assume_multiple %mul3A_357, 16 : i32
        %get3A = arith.index_cast %multiple_of3A : i32 to index
        %get3A_358 = tpu.vector_load %arg6[%get3A] {strides = array<i32>} : memref<32784xf32, #tpu.memory_space<vmem>>, vector<16xf32>,
        %gt3A_359 = vector.broadcast %mul3A_319 : f32 to vector<16xf32>
        %gt3A_360 = arith.cmpf ogt, %get3A_358, %gt3A_359 : vector<16xf32>
        %jit3A = arith.constant 0.000000e+00 : f32
        %broadcast_in_dim3A_361 = vector.broadcast %jit3A : f32 to vector<16xf32>
        %select_n3A_362 = arith.select %gt3A_360, %get3A_358, %broadcast_in_dim3A_361 : vector<16xi1>, vector<16xf32>
        %add3A_363 = arith.addf %while3A_354, %select_n3A_362 : vector<16xf32>
        %convert_element_type3A_364 = arith.extui %gt3A_360 : vector<16xi1> to vector<16xi32>
        %add3A_365 = arith.addi %while3A_355, %convert_element_type3A_364 : vector<16xi32>
        scf.yield %add3A_363, %add3A_365 : vector<16xf32>, vector<16xi32>
      }
      %reduce_sum3A_335 = arith.constant true
      %reduce_sum3A_336 = vector.broadcast %reduce_sum3A_335 : i1 to vector<16xi1>
      %reduce_sum3A_337 = tpu.scan <sum>, %while3A_334#0 masked %reduce_sum3A_336 : vector<16xf32>, vector<16xi1> -> vector<16xf32>
      %reduce_sum3A_338 = vector.extract %reduce_sum3A_337[15] : f32 from vector<16xf32>
      %reduce_sum3A_339 = arith.constant true
      %reduce_sum3A_340 = vector.broadcast %reduce_sum3A_339 : i1 to vector<16xi1>
      %reduce_sum3A_341 = tpu.scan <sum>, %while3A_334#1 masked %reduce_sum3A_340 : vector<16xi32>, vector<16xi1> -> vector<16xi32>
      %reduce_sum3A_342 = vector.extract %reduce_sum3A_341[15] : i32 from vector<16xi32>
      %convert_element_type3A_343 = arith.sitofp %reduce_sum3A_342 : i32 to f32
      %mul3A_344 = arith.mulf %mul3A_319, %convert_element_type3A_343 : f32
      %sub3A_345 = arith.subf %reduce_sum3A_338, %mul3A_344 : f32
      %gt3A = arith.constant 1.000000e+00 : f32
      %gt3A_346 = arith.cmpf ogt, %sub3A_345, %gt3A : f32
      %add3A_347 = arith.constant 1 : i32
      %add3A_348 = arith.addi %while3A_311, %add3A_347 : i32
      %select_n3A = arith.select %gt3A_346, %mul3A_319, %while3A_312 : f32
      %select_n3A_349 = arith.select %gt3A_346, %while3A_313, %mul3A_319 : f32
      %select_n3A_350 = arith.select %gt3A_346, %reduce_sum3A_338, %while3A_314 : f32
      %select_n3A_351 = arith.select %gt3A_346, %reduce_sum3A_342, %while3A_315 : i32
      %select_n3A_352 = arith.select %gt3A_346, %while3A_316, %reduce_sum3A_342 : i32
      scf.yield %add3A_348, %select_n3A, %select_n3A_349, %select_n3A_350, %select_n3A_351, %select_n3A_352 : i32, f32, f32, f32, i32, i32
    }
    %sub3A_282 = arith.constant 1.000000e+00 : f32
    %sub3A_283 = arith.subf %while3A_281#3, %sub3A_282 : f32
    %broadcast_in_dim3A_284 = vector.broadcast %sub3A_283 : f32 to vector<16xf32>
    %broadcast_in_dim3A_285 = vector.broadcast %while3A_281#4 : i32 to vector<16xi32>
    %convert_element_type3A_286 = arith.sitofp %broadcast_in_dim3A_285 : vector<16xi32> to vector<16xf32>
    %div3A_287 = arith.divf %broadcast_in_dim3A_284, %convert_element_type3A_286 : vector<16xf32>
    %parallel_loop3A_288 = arith.constant 0 : i32
    %parallel_loop3A_289 = arith.constant 32768 : i32
    %parallel_loop3A_290 = arith.constant 16 : i32
    scf.for %parallel_loop3A_311 = %parallel_loop3A_288 to %parallel_loop3A_289 step %parallel_loop3A_290  : i32 {
      %parallel_loop3A_312 = tpu.assume_multiple %parallel_loop3A_311, 16 : i32
      %parallel_loop3A_313 = arith.index_cast %parallel_loop3A_312 : i32 to index
      %parallel_loop3A_314 = tpu.vector_load %arg5[%parallel_loop3A_313] {strides = array<i32>} : memref<32768xf32, #tpu.memory_space<vmem>>, vector<16xf32>,
      %parallel_loop3A_315 = arith.subf %parallel_loop3A_314, %div3A_287 : vector<16xf32>
      %parallel_loop3A_316 = arith.constant 0.000000e+00 : f32
      %parallel_loop3A_317 = vector.broadcast %parallel_loop3A_316 : f32 to vector<16xf32>
      %parallel_loop3A_318 = arith.maximumf %parallel_loop3A_315, %parallel_loop3A_317 : vector<16xf32>
      %parallel_loop3A_319 = arith.index_cast %parallel_loop3A_312 : i32 to index
      %parallel_loop3A_320 = tpu.vector_load %arg5[%parallel_loop3A_319] {strides = array<i32>} : memref<32768xf32, #tpu.memory_space<vmem>>, vector<16xf32>,
      tpu.vector_store %arg5[%parallel_loop3A_319], %parallel_loop3A_318 {strides = array<i32>} : memref<32768xf32, #tpu.memory_space<vmem>>, vector<16xf32>,
    } {sc.loop_unroll_factor = 8 : i64, sc.parallel_access}
    %add3A_291 = arith.constant 3 : i32
    %add3A_292 = arith.addi %mul3A_2, %add3A_291 : i32
    %dma_start3A_293 = arith.constant 0 : i32
    %dma_start3A_294 = tpu.memref_slice %arg3[%add3A_292, %dma_start3A_293] : memref<128x32768xf32, #tpu.memory_space<hbm>> -> memref<1x32768xf32, #tpu.memory_space<hbm>>
    %dma_start3A_295 = tpu.memref_squeeze %dma_start3A_294 : memref<1x32768xf32, #tpu.memory_space<hbm>> -> memref<32768xf32, #tpu.memory_space<hbm>>
    %dma_start3A_296 = arith.constant 0 : i32
    %dma_start3A_297 = tpu.memref_slice %arg3[%add3A_292, %dma_start3A_296] : memref<128x32768xf32, #tpu.memory_space<hbm>> -> memref<1x32768xf32, #tpu.memory_space<hbm>>
    %dma_start3A_298 = tpu.memref_squeeze %dma_start3A_297 : memref<1x32768xf32, #tpu.memory_space<hbm>> -> memref<32768xf32, #tpu.memory_space<hbm>>
    tpu.enqueue_dma source(%arg5 : memref<32768xf32, #tpu.memory_space<vmem>>) target(%dma_start3A_298 : memref<32768xf32, #tpu.memory_space<hbm>>) target_semaphore(%arg10 : memref<!tpu.dma_semaphore, #tpu.memory_space<semaphore_mem>>)
    %dma_wait3A_299 = arith.constant 0 : i32
    %dma_wait3A_300 = tpu.memref_slice %arg3[%add3A_227, %dma_wait3A_299] : memref<128x32768xf32, #tpu.memory_space<hbm>> -> memref<1x32768xf32, #tpu.memory_space<hbm>>
    %dma_wait3A_301 = tpu.memref_squeeze %dma_wait3A_300 : memref<1x32768xf32, #tpu.memory_space<hbm>> -> memref<32768xf32, #tpu.memory_space<hbm>>
    %dma_wait3A_302 = arith.constant 0 : i32
    %dma_wait3A_303 = tpu.memref_slice %arg3[%add3A_227, %dma_wait3A_302] : memref<128x32768xf32, #tpu.memory_space<hbm>> -> memref<1x32768xf32, #tpu.memory_space<hbm>>
    %dma_wait3A_304 = tpu.memref_squeeze %dma_wait3A_303 : memref<1x32768xf32, #tpu.memory_space<hbm>> -> memref<32768xf32, #tpu.memory_space<hbm>>
    tpu.wait_dma2 semaphore(%arg9 : memref<!tpu.dma_semaphore, #tpu.memory_space<semaphore_mem>>) src(%arg4 : memref<32768xf32, #tpu.memory_space<vmem>>) dst(%dma_wait3A_304 : memref<32768xf32, #tpu.memory_space<hbm>>)
    %dma_wait3A_305 = arith.constant 0 : i32
    %dma_wait3A_306 = tpu.memref_slice %arg3[%add3A_292, %dma_wait3A_305] : memref<128x32768xf32, #tpu.memory_space<hbm>> -> memref<1x32768xf32, #tpu.memory_space<hbm>>
    %dma_wait3A_307 = tpu.memref_squeeze %dma_wait3A_306 : memref<1x32768xf32, #tpu.memory_space<hbm>> -> memref<32768xf32, #tpu.memory_space<hbm>>
    %dma_wait3A_308 = arith.constant 0 : i32
    %dma_wait3A_309 = tpu.memref_slice %arg3[%add3A_292, %dma_wait3A_308] : memref<128x32768xf32, #tpu.memory_space<hbm>> -> memref<1x32768xf32, #tpu.memory_space<hbm>>
    %dma_wait3A_310 = tpu.memref_squeeze %dma_wait3A_309 : memref<1x32768xf32, #tpu.memory_space<hbm>> -> memref<32768xf32, #tpu.memory_space<hbm>>
    tpu.wait_dma2 semaphore(%arg10 : memref<!tpu.dma_semaphore, #tpu.memory_space<semaphore_mem>>) src(%arg5 : memref<32768xf32, #tpu.memory_space<vmem>>) dst(%dma_wait3A_310 : memref<32768xf32, #tpu.memory_space<hbm>>)
    return
  }
}

</mosaic_0001>

<sc_bundles>
// kernel: kernel.3.cloned.1.call-start
scs
__scs_entry_jumppad:
0x0: {  	(pc) =	sbr.rel $0x88, $3  }
0x1: {  	(tag) =	ssettag $0x0;
	lr =	simm.s32 $0x1  }
0x2: {  	[smem:$0x3FA0] =	sst lr;
	_ =	strace $0xD0000000  }
0x3: {  	_ = 	snop  }
0x4: {  	_ = 	snop  }
0x5: {  	_ = 	snop  }
0x6: {  	_ = 	snop  }
0x7: {  	_ = 	snop  }
__scs_overlays_trampoline_lowered:
0x8: {  	[smem:$0x3FAF] =	sst s0  }
0x9: {  	[smem:$0x3FB0] =	sst s1  }
0xa: {  	[smem:$0x3FB1] =	sst s2  }
0xb: {  	[smem:$0x3FB2] =	sst s3  }
0xc: {  	[smem:$0x3FB3] =	sst s4  }
0xd: {  	[smem:$0x3FB4] =	sst s5  }
0xe: {  	[smem:$0x3FB5] =	sst s6  }
0xf: {  	[smem:$0x3FB6] =	sst s7  }
0x10: {  	[smem:$0x3FB7] =	sst s8  }
0x11: {  	[smem:$0x3FB8] =	sst s9;
	s0 =	simm.s32 @!p0 $0x0  }
0x12: {  	s1 =	sld [smem:$0x3F9E];
	s0 =	simm.s32 @p0 $0x1  }
0x13: {  	[smem:$0x3FB9] =	sst s0;
	s0 =	simm.s32 @!p1 $0x0  }
0x14: {  	s2 =	sld [smem:$0x3F9D];
	s0 =	simm.s32 @p1 $0x1  }
0x15: {  	[smem:$0x3FBA] =	sst s0;
	s0 =	simm.s32 @!p2 $0x0  }
0x16: {  	s3 =	sld [smem:$0x3FDB];
	s0 =	simm.s32 @p2 $0x1  }
0x17: {  	s4 =	simm.s32 $0x1BF5;
	[smem:$0x3FBC] =	sst s0  }
0x18: {  	s0 =	sld [smem:$0x3F9F];
	_ =	swait.ge [sflag:s4], $0x0  }
0x19: {  	s7 =	sld [smem:$0x3FA0]  }
0x1a: {  	s8 =	sadd.s32 $0xFFFFE003, lr  }
0x1b: {  	s9 =	sadd.s32 $0xFFFFFEF7, lr;
	s5 =	simm.s32 $0xFFFFFFFF;
	p2 =	slt.u32 s8, $0xFFFFF086  }
0x1c: {  	p1 =	slt.u32 s9, $0xF7A;
	s5 =	simm.s32 @!p2 $0x0  }
0x1d: {  	s5 =	simm.s32 @p1 $0x1;
	p0 =	seq.s32 s7, s2  }
0x1e: {  	s7 =	smul.u32 @!p0 $0xF7A, s2;
	p2 =	seq.s32 @!p0 s5, $0x0  }
0x1f: {  	s9 =	smul.u32 $0xF7A, s1;
	s8 =	simm.s32 @!p0 $0x1BF5;
	p2 =	por !p2, p0  }
0x20: {  	[sflag:s8] =	ssyncset.s32 @!p0 $0xFFFFF086;
	s6 =	sadd.s32 @!p0 s3, s7;
	s7 =	simm.s32 @!p0 $0x108  }
0x21: {  	s3 =	sadd.s32 s3, s9;
	s6 =	sadd.s32 @!p0 $0x88, s6;
	s7 =	simm.s32 @p2 $0x1082  }
0x22: {  	[simem:s7], [sflag:s8] =	dma.local @!p0 [hbm:s6], $0xF7A  }
0x23: {  	s9 =	sor.u32 $0xD0000000, s2;
	s6 =	simm.s32 $0x108;
	_ =	swait.ge @!p0 [sflag:s8], $0x0  }
0x24: {  	s3 =	sadd.s32 $0x88, s3;
	s6 =	simm.s32 @!p1 $0x1082;
	[sflag:s4] =	ssyncset.s32 $0xFFFFF086  }
0x25: {  	[simem:s6], [sflag:s4] =	dma.local [hbm:s3], $0xF7A  }
0x26: {  	[smem:$0x3FA0] =	sst s1;
	(tag) =	ssettag s2;
	_ =	strace s9  }
0x27: {  	s1 =	sld [smem:$0x3FB0]  }
0x28: {  	s2 =	sld [smem:$0x3FB1]  }
0x29: {  	s4 =	sld [smem:$0x3FB3]  }
0x2a: {  	p0 =	seq.s32 s5, $0x0;
	s5 =	sld [smem:$0x3FB4]  }
0x2b: {  	s6 =	sld [smem:$0x3FB5]  }
0x2c: {  	s7 =	sld [smem:$0x3FB6]  }
0x2d: {  	s3 =	simm.s32 $0x108;
	s8 =	sld [smem:$0x3FB7]  }
0x2e: {  	s3 =	simm.s32 @!p0 $0x1082;
	s9 =	sld [smem:$0x3FB8]  }
0x2f: {  	lr =	sadd.s32 s0, s3;
	s0 =	sld [smem:$0x3FAF]  }
0x30: {  	s3 =	sld [smem:$0x3FB2]  }
0x31: {  	[smem:$0x3FBB] =	sst s10  }
0x32: {  	s10 =	sld [smem:$0x3FB9];
	_ =	sdelay $0x3  }
0x33: {  	p0 =	seq.s32 s10, $0x1;
	s10 =	sld [smem:$0x3FBB];
	_ =	sdelay $0x3  }
0x34: {  	[smem:$0x3FBB] =	sst s10  }
0x35: {  	s10 =	sld [smem:$0x3FBA];
	_ =	sdelay $0x3  }
0x36: {  	p1 =	seq.s32 s10, $0x1;
	s10 =	sld [smem:$0x3FBB];
	_ =	sdelay $0x3  }
0x37: {  	[smem:$0x3FBB] =	sst s10  }
0x38: {  	s10 =	sld [smem:$0x3FBC]  }
0x39: {  	_ = 	snop;
	(pc) =	sbr.ind lr, $3  }
0x3a: {  	_ = 	snop  }
0x3b: {  	_ = 	snop  }
0x3c: {  	p2 =	seq.s32 s10, $0x1;
	s10 =	sld [smem:$0x3FBB]  }
0x3d: {  	_ =	shalt  }
0x3e: {  	_ =	shalt  }
0x3f: {  	_ =	shalt  }
0x40: {  	_ =	shalt  }
0x41: {  	_ =	shalt  }
0x42: {  	_ =	shalt  }
0x43: {  	_ =	shalt  }
0x44: {  	_ =	shalt  }
0x45: {  	_ =	shalt  }
0x46: {  	_ =	shalt  }
0x47: {  	_ =	shalt  }
0x48: {  	_ =	shalt  }
0x49: {  	_ =	shalt  }
0x4a: {  	_ =	shalt  }
0x4b: {  	_ =	shalt  }
0x4c: {  	_ =	shalt  }
0x4d: {  	_ =	shalt  }
0x4e: {  	_ =	shalt  }
0x4f: {  	_ =	shalt  }
0x50: {  	_ =	shalt  }
0x51: {  	_ =	shalt  }
0x52: {  	_ =	shalt  }
0x53: {  	_ =	shalt  }
0x54: {  	_ =	shalt  }
0x55: {  	_ =	shalt  }
0x56: {  	_ =	shalt  }
0x57: {  	_ =	shalt  }
0x58: {  	_ =	shalt  }
0x59: {  	_ =	shalt  }
0x5a: {  	_ =	shalt  }
0x5b: {  	_ =	shalt  }
0x5c: {  	_ =	shalt  }
0x5d: {  	_ =	shalt  }
0x5e: {  	_ =	shalt  }
0x5f: {  	_ =	shalt  }
0x60: {  	_ =	shalt  }
0x61: {  	_ =	shalt  }
0x62: {  	_ =	shalt  }
0x63: {  	_ =	shalt  }
0x64: {  	_ =	shalt  }
0x65: {  	_ =	shalt  }
0x66: {  	_ =	shalt  }
0x67: {  	_ =	shalt  }
0x68: {  	_ =	shalt  }
0x69: {  	_ =	shalt  }
0x6a: {  	_ =	shalt  }
0x6b: {  	_ =	shalt  }
0x6c: {  	_ =	shalt  }
0x6d: {  	_ =	shalt  }
0x6e: {  	_ =	shalt  }
0x6f: {  	_ =	shalt  }
0x70: {  	_ =	shalt  }
0x71: {  	_ =	shalt  }
0x72: {  	_ =	shalt  }
0x73: {  	_ =	shalt  }
0x74: {  	_ =	shalt  }
0x75: {  	_ =	shalt  }
0x76: {  	_ =	shalt  }
0x77: {  	_ =	shalt  }
0x78: {  	_ =	shalt  }
0x79: {  	_ =	shalt  }
0x7a: {  	_ =	shalt  }
0x7b: {  	_ =	shalt  }
0x7c: {  	_ =	shalt  }
0x7d: {  	_ =	shalt  }
0x7e: {  	_ =	shalt  }
0x7f: {  	_ =	shalt  }
0x80: {  	_ =	shalt  }
0x81: {  	_ =	shalt  }
0x82: {  	_ =	shalt  }
0x83: {  	_ =	shalt  }
0x84: {  	_ =	shalt  }
0x85: {  	_ =	shalt  }
0x86: {  	_ =	shalt  }
0x87: {  	_ =	shalt  }
.Lfunc_end0:
.L_simem_size_0:
called_computation_lowered:
.L_overlay_start_0:
0x88: {  	s2 =	sld [smem:$0x3FD9]  }
0x89: {  	s3 =	sld [smem:$0x3FFE];
	_ =	sdelay $0x1  }
0x8a: {  	s1 =	srdreg.scid  }
0x8b: {  	s0 =	sand.u32 $0x1, s1  }
0x8c: {  	s18 =	sshll.u32 s0, $0xA;
	s2 =	sadd.s32 s3, s2  }
0x8d: {  	s2 =	sadd.s32 s2, s18  }
0x8e: {  	[smem:$0x3FC7] =	sst s2  }
0x8f: {  	_ = 	snop  }
0x90: {  	s2 =	sld [smem:$0x3FC9]  }
0x91: {  	s19 =	sld [smem:$0x3FD0];
	(tm) =	ssettm $0x1  }
0x92: {  	s4 =	sld [smem:$0x3FFB];
	_ =	sdelay $0x3  }
0x93: {  	_ =	strace s4  }
0x94: {  	s4 =	sld [smem:$0x3FFC];
	_ =	sdelay $0x3  }
0x95: {  	_ =	strace s4  }
0x96: {  	s4 =	sld [smem:$0x3FFD];
	_ =	sdelay $0x3  }
0x97: {  	_ =	strace s4  }
0x98: {  	_ =	strace $0x8FFFFFFF  }
0x99: {  	s20 =	sld [smem:$0x3FDB];
	_ =	sdelay $0x1  }
0x9a: {  	s5 =	simm.s32 $_scs_section_size  }
0x9b: {  	s6 =	simm.s32 $_size__tile_overlayer_lowered;
	s7 =	simm.s32 $_tile_overlayer_lowered  }
0x9c: {  	s23 =	simm.s32 $0x1BFF;
	s22 =	sshll.u32 s7, $0x1;
	s4 =	sadd.s32 s5, s20  }
0x9d: {  	s8 =	simm.s32 $0x0;
	s21 =	sshll.u32 s6, $0x1;
	s6 =	sadd.s32 s22, s4  }
0x9e: {  	[timem:s8], [sflag:s23] =	dma.local [hbm:s6], s21  }
0x9f: {  	_ =	swait.ge [sflag:s23], s21  }
0xa0: {  	s5 =	ssub.s32 $0x0, s21;
	[sflag:s23] =	ssyncset.done $0x0  }
0xa1: {  	[sflag:s23] =	ssyncadd.s32 s5;
	_ =	sdelay $0x1  }
0xa2: {  	s24 =	simm.s32 $0x1B8B  }
0xa3: {  	_ =	swait.ge [sflag:s24], $0x1  }
0xa4: {  	[sflag:s24] =	ssyncset.done $0x0  }
0xa5: {  	s25 =	simm.s32 $0x1B8E;
	[sflag:s24] =	ssyncadd.s32 $0xFFFFFFFF  }
0xa6: {  	s26 =	simm.s32 $execute0_lowered;
	[smem:$0x3FD2] =	sst s25  }
0xa7: {  	s5 =	sshll.u32 s26, $0x1;
	_ =	strace $0x80000046;
	[dreg:$0x1] =	wrdreg $0xFFFFFFFF  }
0xa8: {  	s28 =	simm.s32 $_size_execute0_lowered;
	s4 =	sadd.s32 s4, s5;
	[dreg:$0x0] =	wrdreg $0x0  }
0xa9: {  	s5 =	sshll.u32 s28, $0x1;
	[dreg:$0x2] =	wrdreg s4  }
0xaa: {  	[dreg:$0x3] =	wrdreg s5  }
0xab: {  	[dreg:$0x4] =	wrdreg $0xC0  }
0xac: {  	_ =	task [dreg:s8], $0x5FFFF  }
0xad: {  	[dreg:$0x1] =	wrdreg $0xFFFFFFFF  }
0xae: {  	[dreg:$0x0] =	wrdreg $0x60  }
0xaf: {  	[dreg:$0x2] =	wrdreg s2  }
0xb0: {  	[dreg:$0x3] =	wrdreg s19  }
0xb1: {  	[dreg:$0x4] =	wrdreg $0x9  }
0xb2: {  	_ =	task.clear_ibuf [dreg:s8], $0x5FFFF;
	_ =	strace $0x90000046  }
0xb3: {  	s29 =	simm.s32 $0x9;
	_ =	strace $0x80000048  }
0xb4: {  	_ =	swait.ge [sflag:s29], $0x1  }
0xb5: {  	[sflag:s29] =	ssyncadd.s32 $0xFFFFFFFF  }
0xb6: {  	_ =	strace $0x90000048  }
0xb7: {  	_ =	sfence  }
0xb8: {  	s30 =	sld [smem:$0x0];
	_ =	sdelay $0x2  }
0xb9: {  	s31 =	sshll.u32 s1, $0xD;
	s1 =	sshrl.u32 s1, $0x2  }
0xba: {  	s3 =	sand.u32 $0x4000, s31;
	s1 =	sadd.s32 s1, s30  }
0xbb: {  	s0 =	sor.u32 s3, s0;
	s1 =	sshll.u32 s1, $0x11  }
0xbc: {  	s0 =	sor.u32 s1, s0  }
0xbd: {  	s0 =	sadd.s32 $0x8F2B, s0  }
0xbe: {  	[sflag:s0] =	ssyncadd.remote.s32 $0x1  }
0xbf: {  	_ =	sfence.sel $0xFFFF  }
0xc0: {  	[dreg:$0x0] =	wrdreg $0xFFFFFFFF;
	(pc) =	sbr.abs _section_cstart, $3  }
0xc1: {  	[dreg:$0x1] =	wrdreg $0xFFFFFFFF  }
0xc2: {  	_ =	task.clear_ibuf [dreg:s8], $0x2FFFF;
	_ =	strace $0x9FFFFFFF  }
0xc3: {  	(tm) =	ssettm $0x7FFFFFFF  }
tec
execute0_lowered:
.L_overlay_start_1:
0x0: {  	(tag) =	ssettag $0x1  }
0x1: {  	s8 =	rddreg [dreg:$0x0]  }
0x2: {  	s10 =	rddreg [dreg:$0x1]  }
0x3: {  	s2 =	srdreg.scid;
	s1 =	stileid.u32;
	s13 =	simm.s32 $0x400  }
0x4: {  	s14 =	simm.s32 $0x1;
	s15 =	simm.s32 $0x8000;
	s16 =	simm.s32 $0x10000  }
0x5: {  	s17 =	simm.s32 $0x2;
	s18 =	simm.s32 $0x3;
	s19 =	simm.s32 $0x4  }
0x6: {  	s20 =	simm.s32 $0x0;
	s3 =	sand.u32 $0x1, s2;
	s2 =	simm.s32 $0x0  }
0x7: {  	s4 =	sshll.u32 s1, $0xF;
	s5 =	sshll.u32 s3, $0x6;
	s3 =	ssub.s32 $0x2, s3  }
0x8: {  	[smem:$0x7FF] =	sst s2;
	s6 =	sor.u32 s5, s4;
	s31 =	sshrl.u32 s3, $0x1  }
0x9: {  	_ =	strace $0x80000047;
	s7 =	sor.u32 $0x10, s6;
	s11 =	ssub.s32 s3, s31  }
0xa: {  	s3 =	sadd.s32 s8, s6;
	s5 =	sadd.s32 s10, s6;
	s9 =	sor.u32 $0x20, s6  }
0xb: {  	s12 =	sor.u32 $0x30, s6;
	s4 =	sadd.s32 s8, s7;
	s6 =	sadd.s32 s8, s9  }
0xc: {  	s7 =	sadd.s32 s10, s7;
	s8 =	sadd.s32 s8, s12;
	s9 =	sadd.s32 s10, s9  }
0xd: {  	v0 =	vimm.f32 $0.0e+00;
	v1 =	vlaneseq.u32;
	v2 =	vimm.s32 $0x0;
	s10 =	sadd.s32 s10, s12;
	s11 =	smax.u32 s11, $0x1;
	s12 =	simm.s32 $0x80  }
.LBB2_1:
0xe: {  	[tilespmem:s2], [sflag:$0x1] =	stream.strided.gather [hbm4b:s3+s12], $0x8000, s13, s12, $0x38;
	[tilespmem:$0x18080] =	vst v63  }
0xf: {  	_ =	swait.ge [sflag:s14], $0x8000  }
0x10: {  	[sflag:s14] =	ssyncset.done $0x0  }
0x11: {  	s22 =	simm.s32 $0x40;
	[sflag:s14] =	ssyncadd.s32 $0xFFFF8000  }
0x12: {  	[tilespmem:s15], [sflag:$0x2] =	stream.strided.gather [hbm4b:s4+s12], $0x8000, s13, s12, $0x38;
	[tilespmem:$0x18080] =	vst v63  }
0x13: {  	v5 =	vld [tilespmem:s22+$0xFFFFFFC0]  }
0x14: {  	v6 =	vld [tilespmem:s22+$0xFFFFFFD0]  }
0x15: {  	v7 =	vld [tilespmem:s22+$0xFFFFFFE0]  }
0x16: {  	v3 =	vld [tilespmem:s22+$0xFFFFFFF0]  }
0x17: {  	v8 =	vimm.f32 $-Inf;
	v4 =	vld [tilespmem:s22+$0x0]  }
0x18: {  	v8 =	vmax.f32 v8, v5;
	v5 =	vld [tilespmem:s22+$0x10]  }
0x19: {  	v8 =	vmax.f32 v8, v6;
	v6 =	vld [tilespmem:s22+$0x20]  }
0x1a: {  	s21 =	simm.s32 $0x0;
	v8 =	vmax.f32 v8, v7;
	v7 =	vld [tilespmem:s22+$0x30];
	s22 =	simm.s32 $0xC0  }
.LBB2_2:
0x1b: {  	v9 =	vld [tilespmem:s22+$0xFFFFFFC0];
	s21 =	sadd.s32 $0x80, s21;
	v3 =	vmax.f32 v8, v3  }
0x1c: {  	v8 =	vld [tilespmem:s22+$0xFFFFFFD0];
	p0 =	slt.u32 s21, $0x7F80;
	v3 =	vmax.f32 v3, v4  }
0x1d: {  	v10 =	vld [tilespmem:s22+$0xFFFFFFE0];
	v4 =	vmax.f32 v3, v5  }
.Ltmp0:
0x1e: {  	v3 =	vld [tilespmem:s22+$0xFFFFFFF0];
	v5 =	vmax.f32 v4, v6;
	(pc) =	sbr.rel @p0 .LBB2_2-.Ltmp0, $4  }
0x1f: {  	v4 =	vld [tilespmem:s22+$0x0];
	v5 =	vmax.f32 v5, v7  }
0x20: {  	v6 =	vmax.f32 v5, v9;
	v5 =	vld [tilespmem:s22+$0x10]  }
0x21: {  	v7 =	vmax.f32 v6, v8;
	v6 =	vld [tilespmem:s22+$0x20]  }
0x22: {  	v8 =	vmax.f32 v7, v10;
	v7 =	vld [tilespmem:s22+$0x30];
	s22 =	sadd.s32 $0x80, s22  }
0x23: {  	v3 =	vmax.f32 v8, v3  }
0x24: {  	v3 =	vmax.f32 v3, v4  }
0x25: {  	v3 =	vmax.f32 v3, v5  }
0x26: {  	v3 =	vmax.f32 v3, v6  }
0x27: {  	v3 =	vmax.f32 v3, v7  }
0x28: {  	(xrf0) =	vmax.scan.msk.f32 $0xffff, v3;
	_ =	sdelay $0x5  }
0x29: {  	v3, _, _ =	vpop (xrf0)  }
0x2a: {  	(v2sf) =	vpush v3, $0xF;
	_ =	sdelay $0xc  }
0x2b: {  	s23 =	simm.s32 $0x40  }
0x2c: {  	v4 =	vld [tilespmem:s23+$0xFFFFFFC0]  }
0x2d: {  	s22 =	spop (v2sf)  }
0x2e: {  	v7 =	vld [tilespmem:s23+$0x20];
	s21 =	sadd.f32 $-1.000000000e+00, s22  }
0x2f: {  	v5 =	vld [tilespmem:s23+$0xFFFFFFD0]  }
0x30: {  	v3 =	vmov s21  }
0x31: {  	vm0 =	vgt.f32 v4, v3  }
0x32: {  	v6 =	vld [tilespmem:s23+$0xFFFFFFF0];
	v8 =	vsel vm0, $0x3F800000, v0  }
0x33: {  	vm0 =	vgt.f32 v7, v3;
	(xrf0) =	vmax.scan.msk.f32 $0xffff, v8;
	v8 =	vld [tilespmem:s23+$0xFFFFFFE0]  }
0x34: {  	vm1 =	vgt.f32 v5, v3;
	v10 =	vsel vm0, $0x3F800000, v0  }
0x35: {  	v9 =	vld [tilespmem:s23+$0x10];
	v11 =	vsel vm1, $0x3F800000, v0;
	(xrf0) =	vmax.scan.msk.f32 $0xffff, v10  }
0x36: {  	(xrf0) =	vmax.scan.msk.f32 $0xffff, v11  }
0x37: {  	vm0 =	vgt.f32 v6, v3  }
0x38: {  	v10 =	vsel vm0, $0x3F800000, v0;
	vm0 =	vgt.f32 v8, v3  }
0x39: {  	(xrf0) =	vmax.scan.msk.f32 $0xffff, v10;
	v10 =	vsel vm0, $0x3F800000, v0  }
0x3a: {  	vm1 =	vgt.f32 v9, v3;
	v11, _, _ =	vpop (xrf0)  }
0x3b: {  	(v2sf) =	vpush v11, $0xF;
	v11 =	vsel vm1, $0x3F800000, v0;
	(xrf0) =	vmax.scan.msk.f32 $0xffff, v10;
	v12, _, _ =	vpop (xrf0)  }
0x3c: {  	(xrf0) =	vmax.scan.msk.f32 $0xffff, v11;
	v10, _, _ =	vpop (xrf0)  }
0x3d: {  	(v2sf) =	vpush v10, $0xF  }
0x3e: {  	v11 =	vld [tilespmem:s23+$0x0]  }
0x3f: {  	v10, _, _ =	vpop (xrf0)  }
0x40: {  	(v2sf) =	vpush v10, $0xF  }
0x41: {  	v10 =	vld [tilespmem:s23+$0x30];
	(v2sf) =	vpush v12, $0xF;
	v13, _, _ =	vpop (xrf0)  }
0x42: {  	(v2sf) =	vpush v13, $0xF;
	v12, _, _ =	vpop (xrf0)  }
0x43: {  	vm0 =	vgt.f32 v11, v3;
	(v2sf) =	vpush v12, $0xF  }
0x44: {  	v12 =	vsel vm0, $0x3F800000, v0  }
0x45: {  	(xrf0) =	vmax.scan.msk.f32 $0xffff, v12  }
0x46: {  	vm0 =	vgt.f32 v10, v3  }
0x47: {  	v12 =	vsel vm0, $0x3F800000, v0  }
0x48: {  	(xrf0) =	vmax.scan.msk.f32 $0xffff, v12;
	_ =	sdelay $0x1  }
0x49: {  	s29 =	spop (v2sf)  }
0x4a: {  	v12, _, _ =	vpop (xrf0);
	p5 =	sgt.f32 s29, $0.0e+00  }
0x4b: {  	(v2sf) =	vpush v12, $0xF;
	s30 =	spop (v2sf)  }
0x4c: {  	v13 =	vimm.f32 $0.0e+00;
	vm3 =	vgt.f32 @p5 v4, v3;
	p1 =	sgt.f32 s30, $0.0e+00  }
0x4d: {  	v12 =	vimm.s32 $0x0;
	v15, _, _ =	vpop (xrf0);
	v14 =	vnsel @p5 vm3, $0x0, v4;
	v16 =	vmpcnt.ones.xlane @p5 vm3  }
0x4e: {  	s23 =	simm.s32 $0x0;
	(v2sf) =	vpush v15, $0xF;
	v15 =	vimm.s32 @p5 $0x0;
	s31 =	spop (v2sf);
	v14 =	vadd.f32 @p5 v14, v13;
	s0 =	simm.s32 @!p1 $0x0  }
0x4f: {  	v15 =	vsel @p5 vm3, $0x1, v15;
	p0 =	sgt.f32 s31, $0.0e+00;
	s26 =	spop (v2sf);
	v16 =	vadd.s32 @p5 v12, v16;
	vm0 =	vgt.f32 @p1 v5, v3;
	s0 =	simm.s32 @p1 $0x1  }
0x50: {  	v17 =	vimm.s32 @p1 $0x0;
	v20 =	vpsel p5, v14, v13;
	v13 =	vpsel p5, v16, v12;
	s24 =	spop (v2sf);
	p1 =	por p1, p1;
	[smem:$0x7FD] =	sst s0  }
0x51: {  	(xrf0) =	vadd.scan.msk.s32 @p5 $0xffff, v15;
	v16 =	vimm.s32 @p0 $0x0;
	v15 =	vmpcnt.ones.xlane @p1 vm0;
	v18 =	vnsel @p1 vm0, $0x0, v5;
	p2 =	sgt.f32 s24, $0.0e+00;
	s24 =	simm.s32 $0xC0;
	s25 =	spop (v2sf)  }
.LBB2_4:
0x52: {  	_ =	sdelay $0x3  }
0x53: {  	v14 =	vld [tilespmem:s24+$0xFFFFFFC0]  }
0x54: {  	v17 =	vsel @p1 vm0, $0x1, v17;
	v21 =	vadd.f32 @p1 v18, v20;
	vm2 =	vgt.f32 @p0 v6, v3;
	v18 =	vld [tilespmem:s24+$0x10];
	p6 =	sgt.f32 s26, $0.0e+00  }
0x55: {  	vm1 =	vmmov vm3;
	vm4 =	vgt.f32 @p2 v8, v3;
	v16 =	vsel @p0 vm2, $0x1, v16;
	v19, _, _ =	vpop @p5 (xrf0);
	(xrf0) =	vadd.scan.msk.s32 @p1 $0xffff, v17  }
0x56: {  	s23 =	sadd.s32 $0x80, s23;
	p3 =	por p5, p5;
	v22 =	vpsel p1, v21, v20;
	vm5 =	vgt.f32 @p6 v7, v3;
	v20 =	vimm.s32 @p6 $0x0;
	v17 =	vld [tilespmem:s24+$0x20];
	(xrf0) =	vadd.scan.msk.s32 @p0 $0xffff, v16  }
0x57: {  	s28 =	sld [smem:$0x7FD];
	s0 =	simm.s32 @!p3 $0x0;
	v23 =	vmpcnt.ones.xlane @p0 vm2;
	v27 =	vadd.s32 @p1 v13, v15;
	v15 =	vld [tilespmem:s24+$0xFFFFFFD0];
	v20 =	vsel @p6 vm5, $0x1, v20;
	s31 =	spop (v2sf)  }
0x58: {  	v24 =	vnsel @p0 vm2, $0x0, v6;
	v26 =	vimm.s32 @p2 $0x0;
	s0 =	simm.s32 @p3 $0x1;
	p3 =	slt.u32 s23, $0x7F80;
	vm3 =	vgt.f32 v14, v3;
	(xrf0) =	vadd.scan.msk.s32 @p6 $0xffff, v20;
	p5 =	sgt.f32 s31, $0.0e+00  }
0x59: {  	v25 =	vnsel @p2 vm4, $0x0, v8;
	[smem:$0x7FB] =	sst s0;
	s0 =	simm.s32 @!p3 $0x0;
	v16 =	vld [tilespmem:s24+$0xFFFFFFF0];
	v33 =	vsel vm3, $0x3F800000, v0;
	vm3 =	vgt.f32 v18, v3  }
0x5a: {  	s0 =	simm.s32 @p3 $0x1;
	p3 =	seq.s32 s28, $0x1;
	v20 =	vld [tilespmem:s24+$0xFFFFFFE0];
	v32 =	vsel vm3, $0x3F800000, v0;
	(xrf0) =	vmax.scan.msk.f32 $0xffff, v33;
	v29 =	vimm.s32 @p5 $0x0;
	vm3 =	vgt.f32 @p5 v11, v3  }
0x5b: {  	v25 =	vadd.f32 @p2 v25, v22;
	vm8 =	vgt.f32 v17, v3;
	v30, _, _ =	vpop @p3 (xrf0);
	v29 =	vsel @p5 vm3, $0x1, v29  }
0x5c: {  	v31 =	vmpcnt.ones.xlane @p2 vm4;
	vm9 =	vgt.f32 v15, v3;
	v37 =	vsel vm8, $0x3F800000, v0;
	v34, _, _ =	vpop @p0 (xrf0);
	(xrf0) =	vadd.scan.msk.s32 @p5 $0xffff, v29  }
0x5d: {  	v27 =	vpsel p1, v27, v13;
	v25 =	vpsel p2, v25, v22;
	v39 =	vsel vm9, $0x3F800000, v0;
	(xrf0) =	vmax.scan.msk.f32 $0xffff, v37  }
0x5e: {  	v21 =	vld [tilespmem:s24+$0x0];
	v31 =	vadd.s32 @p2 v27, v31;
	v24 =	vadd.f32 @p0 v24, v25;
	vm7 =	vgt.f32 v16, v3;
	p3 =	sgt.f32 s25, $0.0e+00;
	v35, _, _ =	vpop @p6 (xrf0);
	(xrf0) =	vmax.scan.msk.f32 $0xffff, v39  }
0x5f: {  	v22 =	vld [tilespmem:s24+$0x30];
	vm14 =	vgt.f32 v20, v3;
	v36 =	vsel vm7, $0x3F800000, v0;
	v33 =	vnsel @p5 vm3, $0x0, v11  }
0x60: {  	v55 =	vsel vm14, $0x3F800000, v0;
	vm7 =	vgt.f32 @p3 v9, v3;
	v56, _, _ =	vpop (xrf0);
	(xrf0) =	vmax.scan.msk.f32 $0xffff, v36;
	v36 =	vimm.s32 @p3 $0x0  }
0x61: {  	v31 =	vpsel p2, v31, v27;
	v24 =	vpsel p0, v24, v25;
	(xrf0) =	vmax.scan.msk.f32 $0xffff, v55;
	v29 =	vsel @p3 vm7, $0x1, v36  }
0x62: {  	v26 =	vsel @p2 vm4, $0x1, v26;
	v23 =	vadd.s32 @p0 v31, v23;
	(xrf0) =	vadd.scan.msk.s32 @p3 $0xffff, v29;
	v29 =	vadd.f32 @p5 v33, v24;
	v33, _, _ =	vpop @p5 (xrf0)  }
0x63: {  	v28 =	vnsel @p6 vm5, $0x0, v7;
	[smem:$0x7FC] =	sst s0;
	vm6 =	vgt.f32 v21, v3;
	v23 =	vpsel p0, v23, v31;
	s0 =	spop (v2sf);
	v57, _, _ =	vpop (xrf0)  }
0x64: {  	v38 =	vsel vm6, $0x3F800000, v0;
	vm15 =	vgt.f32 v22, v3;
	p4 =	sgt.f32 s0, $0.0e+00;
	(v2sf) =	vpush v56, $0xF;
	(xrf0) =	vmax.scan.msk.f32 $0xffff, v32;
	v58, _, _ =	vpop (xrf0)  }
0x65: {  	v59 =	vsel vm15, $0x3F800000, v0;
	v25 =	vnsel @p3 vm7, $0x0, v9;
	(xrf0) =	vmax.scan.msk.f32 $0xffff, v38;
	(v2sf) =	vpush v58, $0xF  }
0x66: {  	vm6 =	vgt.f32 @p4 v10, v3;
	v24 =	vpsel p5, v29, v24;
	v29 =	vimm.s32 @p4 $0x0;
	(xrf0) =	vadd.scan.msk.s32 @p2 $0xffff, v26;
	v60, _, _ =	vpop (xrf0)  }
0x67: {  	v33 =	vadd.s32 @p5 v33, v23;
	v29 =	vsel @p4 vm6, $0x1, v29;
	v26 =	vmpcnt.ones.xlane @p5 vm3;
	v40, _, _ =	vpop (xrf0);
	(xrf0) =	vmax.scan.msk.f32 $0xffff, v59  }
0x68: {  	v13 =	vadd.s32 @p1 v30, v13;
	v25 =	vadd.f32 @p3 v25, v24;
	v33 =	vadd.s32 @p5 $0xFFFFFFFF, v33;
	v37, _, _ =	vpop @p3 (xrf0);
	(xrf0) =	vadd.scan.msk.s32 @p4 $0xffff, v29  }
0x69: {  	v36 =	vmpcnt.ones.xlane @p3 vm7;
	v32 =	vmpcnt.ones.xlane @p6 vm5;
	v26 =	vadd.s32 @p5 v23, v26  }
0x6a: {  	(v2sf) =	vpush v60, $0xF;
	v24 =	vpsel p3, v25, v24;
	v23 =	vpsel p5, v26, v23;
	v61, _, _ =	vpop (xrf0)  }
0x6b: {  	(v2sf) =	vpush v57, $0xF;
	v25 =	vadd.s32 @p3 v37, v23;
	v36 =	vadd.s32 @p3 v23, v36;
	v62, _, _ =	vpop (xrf0)  }
0x6c: {  	s25 =	simm.s32 @p5 $0x10000;
	(v2sf) =	vpush v40, $0xF;
	v25 =	vadd.s32 @p3 $0xFFFFFFFF, v25;
	v23 =	vpsel p3, v36, v23;
	v29, _, _ =	vpop @p2 (xrf0)  }
0x6d: {  	v28 =	vadd.f32 @p6 v28, v24;
	(v2sf) =	vpush v61, $0xF;
	[tilespmem:v33+s25+$0x0] =	vst.idx.msk @p5 vm3, v11;
	v32 =	vadd.s32 @p6 v23, v32;
	v63, _, _ =	vpop (xrf0)  }
0x6e: {  	s30 =	sld [smem:$0x7FB];
	v27 =	vadd.s32 @p2 v29, v27;
	v29 =	vadd.s32 @p6 v35, v23;
	v23 =	vpsel p6, v32, v23;
	v11, _, _ =	vpop @p4 (xrf0)  }
0x6f: {  	v39 =	vnsel @p4 vm6, $0x0, v10;
	v24 =	vpsel p6, v28, v24;
	v28 =	vadd.s32 @p4 v11, v23  }
0x70: {  	s26 =	simm.s32 @p3 $0x10000;
	v27 =	vadd.s32 @p2 $0xFFFFFFFF, v27;
	v11 =	vmovc v21;
	v21 =	vadd.s32 @p4 $0xFFFFFFFF, v28;
	v28 =	vadd.f32 @p4 v39, v24  }
0x71: {  	v26 =	vadd.s32 @p0 v34, v31;
	[tilespmem:v25+s26+$0x0] =	vst.idx.msk @p3 vm7, v9;
	v25 =	vadd.s32 @p1 $0xFFFFFFFF, v13;
	p3 =	seq.s32 s30, $0x1  }
0x72: {  	v13 =	vadd.s32 @p0 $0xFFFFFFFF, v26;
	v24 =	vpsel p4, v28, v24;
	v28 =	vadd.s32 @p3 v19, v12  }
0x73: {  	s29 =	spop (v2sf);
	v26 =	vadd.s32 @p3 $0xFFFFFFFF, v28  }
0x74: {  	p5 =	sgt.f32 s29, $0.0e+00;
	s25 =	simm.s32 @p2 $0x10000;
	v29 =	vadd.s32 @p6 $0xFFFFFFFF, v29;
	s31 =	spop (v2sf)  }
0x75: {  	[tilespmem:v27+s25+$0x0] =	vst.idx.msk @p2 vm4, v8;
	p2 =	sgt.f32 s31, $0.0e+00;
	s31 =	sld [smem:$0x7FC]  }
0x76: {  	s28 =	simm.s32 @p0 $0x10000;
	v38 =	vmpcnt.ones.xlane @p4 vm6  }
0x77: {  	(v2sf) =	vpush v62, $0xF;
	vm3 =	vgt.f32 @p5 v14, v3;
	[tilespmem:v13+s28+$0x0] =	vst.idx.msk @p0 vm2, v6;
	s28 =	simm.s32 @p3 $0x10000  }
0x78: {  	v32 =	vadd.s32 @p4 v23, v38;
	v9 =	vmovc v18;
	v18 =	vimm.s32 @p5 $0x0;
	s25 =	simm.s32 @p6 $0x10000;
	v19 =	vnsel @p5 vm3, $0x0, v14;
	[tilespmem:v26+s28+$0x0] =	vst.idx.msk @p3 vm1, v4;
	p3 =	seq.s32 s31, $0x1  }
.Ltmp1:
0x79: {  	v18 =	vsel @p5 vm3, $0x1, v18;
	[tilespmem:v29+s25+$0x0] =	vst.idx.msk @p6 vm5, v7;
	v7 =	vmovc v17;
	v17 =	vmpcnt.ones.xlane @p5 vm3;
	v19 =	vadd.f32 @p5 v19, v24;
	s0 =	spop (v2sf);
	(pc) =	sbr.rel @p3 .LBB2_4-.Ltmp1, $4  }
0x7a: {  	s29 =	simm.s32 @p1 $0x10000;
	(v2sf) =	vpush v63, $0xF;
	v23 =	vpsel p4, v32, v23;
	(xrf0) =	vadd.scan.msk.s32 @p5 $0xffff, v18;
	s25 =	simm.s32 @p4 $0x10000;
	s26 =	spop (v2sf)  }
0x7b: {  	v8 =	vmovc v20;
	v12 =	vmovc v23;
	v6 =	vmov v16;
	v17 =	vadd.s32 @p5 v23, v17;
	v20 =	vpsel p5, v19, v24;
	p0 =	sgt.f32 s0, $0.0e+00;
	s30 =	spop (v2sf);
	s0 =	simm.s32 @!p2 $0x0  }
0x7c: {  	[tilespmem:v25+s29+$0x0] =	vst.idx.msk @p1 vm0, v5;
	v5 =	vmovc v15;
	v13 =	vpsel p5, v17, v23;
	v17 =	vimm.s32 @p2 $0x0;
	vm0 =	vgt.f32 @p2 v15, v3;
	p1 =	por p2, p2;
	s0 =	simm.s32 @p2 $0x1;
	p2 =	sgt.f32 s30, $0.0e+00  }
0x7d: {  	s24 =	sadd.s32 $0x80, s24;
	[tilespmem:v21+s25+$0x0] =	vst.idx.msk @p4 vm6, v10;
	v10 =	vmovc v22;
	v4 =	vmovc v14;
	v15 =	vmpcnt.ones.xlane @p1 vm0;
	v18 =	vnsel @p1 vm0, $0x0, v5;
	v16 =	vimm.s32 @p0 $0x0;
	s25 =	spop (v2sf);
	[smem:$0x7FD] =	sst s0  }
0x7e: {  	_ =	sdelay $0x3  }
0x7f: {  	v14 =	vadd.f32 @p1 v18, v20  }
0x80: {  	vm2 =	vgt.f32 @p2 v8, v3  }
0x81: {  	v18 =	vnsel @p2 vm2, $0x0, v8;
	v14 =	vpsel p1, v14, v20  }
0x82: {  	p3 =	sgt.f32 s26, $0.0e+00;
	v18 =	vadd.f32 @p2 v18, v14  }
0x83: {  	vm1 =	vgt.f32 @p0 v6, v3;
	s23 =	spop (v2sf)  }
0x84: {  	v17 =	vsel @p1 vm0, $0x1, v17;
	v20 =	vnsel @p0 vm1, $0x0, v6;
	s0 =	simm.s32 @!p3 $0x0;
	v14 =	vpsel p2, v18, v14;
	p4 =	sgt.f32 s23, $0.0e+00  }
0x85: {  	v19 =	vmpcnt.ones.xlane @p0 vm1;
	v15 =	vadd.s32 @p1 v13, v15;
	s0 =	simm.s32 @p3 $0x1;
	v20 =	vadd.f32 @p0 v20, v14  }
0x86: {  	p6 =	sgt.f32 s25, $0.0e+00;
	v22 =	vmpcnt.ones.xlane @p2 vm2;
	vm4 =	vgt.f32 @p3 v7, v3;
	[smem:$0x7FA] =	sst s0;
	s0 =	simm.s32 @!p4 $0x0;
	vm5 =	vgt.f32 @p4 v11, v3  }
0x87: {  	v15 =	vpsel p1, v15, v13;
	v14 =	vpsel p0, v20, v14;
	s0 =	simm.s32 @p4 $0x1;
	v23 =	vnsel @p4 vm5, $0x0, v11  }
0x88: {  	vm6 =	vgt.f32 @p6 v9, v3;
	v22 =	vadd.s32 @p2 v15, v22;
	[smem:$0x7F9] =	sst s0;
	v23 =	vadd.f32 @p4 v23, v14  }
0x89: {  	v25 =	vnsel @p6 vm6, $0x0, v9;
	v22 =	vpsel p2, v22, v15;
	v18 =	vimm.s32 @p3 $0x0;
	s0 =	sld [smem:$0x7F9]  }
0x8a: {  	v19 =	vadd.s32 @p0 v22, v19;
	s30 =	sld [smem:$0x7FA];
	v14 =	vpsel p4, v23, v14;
	v23 =	vmpcnt.ones.xlane @p4 vm5  }
0x8b: {  	v18 =	vsel @p3 vm4, $0x1, v18;
	v19 =	vpsel p0, v19, v22;
	v25 =	vadd.f32 @p6 v25, v14  }
0x8c: {  	v20 =	vnsel @p3 vm4, $0x0, v7;
	v24 =	vimm.s32 @p4 $0x0;
	s29 =	spop (v2sf);
	v23 =	vadd.s32 @p4 v19, v23;
	p3 =	seq.s32 s0, $0x1  }
0x8d: {  	v24 =	vsel @p4 vm5, $0x1, v24;
	s31 =	sld [smem:$0x7F9];
	p4 =	sgt.f32 s29, $0.0e+00;
	v14 =	vpsel p6, v25, v14;
	v23 =	vpsel p3, v23, v19;
	p3 =	seq.s32 s30, $0x1  }
0x8e: {  	v16 =	vsel @p0 vm1, $0x1, v16;
	(xrf0) =	vadd.scan.msk.s32 @p1 $0xffff, v17;
	v27 =	vmpcnt.ones.xlane @p6 vm6;
	s23 =	sld [smem:$0x7FA];
	v20 =	vadd.f32 @p3 v20, v14  }
0x8f: {  	v21 =	vimm.s32 @p2 $0x0;
	(xrf0) =	vadd.scan.msk.s32 @p0 $0xffff, v16;
	v16 =	vmpcnt.ones.xlane @p3 vm4;
	vm7 =	vgt.f32 @p4 v10, v3  }
0x90: {  	v25 =	vadd.s32 @p6 v23, v27;
	(xrf0) =	vadd.scan.msk.s32 @p3 $0xffff, v18;
	v18 =	vnsel @p4 vm7, $0x0, v10;
	v14 =	vpsel p3, v20, v14;
	p3 =	seq.s32 s31, $0x1  }
0x91: {  	v26 =	vimm.s32 @p6 $0x0;
	v25 =	vpsel p6, v25, v23;
	(xrf0) =	vadd.scan.msk.s32 @p3 $0xffff, v24;
	p3 =	seq.s32 s23, $0x1;
	v18 =	vadd.f32 @p4 v18, v14  }
0x92: {  	s24 =	sld [smem:$0x7FD];
	v17 =	vsel @p6 vm6, $0x1, v26;
	v20 =	vmpcnt.ones.xlane @p4 vm7;
	v16 =	vadd.s32 @p3 v25, v16  }
0x93: {  	v21 =	vsel @p2 vm2, $0x1, v21;
	(xrf0) =	vadd.scan.msk.s32 @p6 $0xffff, v17;
	v16 =	vpsel p3, v16, v25;
	v14 =	vpsel p4, v18, v14  }
0x94: {  	s25 =	sld [smem:$0x7FA];
	v17 =	vimm.s32 @p4 $0x0;
	(xrf0) =	vadd.scan.msk.s32 @p2 $0xffff, v21;
	v20 =	vadd.s32 @p4 v16, v20  }
0x95: {  	s26 =	sld [smem:$0x7F9];
	v17 =	vsel @p4 vm7, $0x1, v17;
	p3 =	seq.s32 s24, $0x1;
	(xrf2) =	vadd.scan.msk.f32 $0xffff, v14;
	v18, _, _ =	vpop @p5 (xrf0);
	v20 =	vpsel p4, v20, v16  }
0x96: {  	(xrf0) =	vadd.scan.msk.s32 @p4 $0xffff, v17;
	v14, _, _ =	vpop @p3 (xrf0);
	v61 =	vxor.u32 $0x80000000, v20  }
0x97: {  	p3 =	seq.s32 s25, $0x1;
	v21, _, _ =	vpop @p0 (xrf0);
	(xrf0) =	vmax.scan.msk.u32 $0xffff, v61  }
0x98: {  	v17, _, _ =	vpop @p3 (xrf0);
	p3 =	seq.s32 s26, $0x1  }
0x99: {  	v24, _, _ =	vpop @p3 (xrf0)  }
0x9a: {  	v26, _, _ =	vpop @p6 (xrf0)  }
0x9b: {  	v27, _, _ =	vpop @p2 (xrf0)  }
0x9c: {  	v28, _, _ =	vpop @p4 (xrf0)  }
0x9d: {  	s28 =	sld [smem:$0x7FA];
	v29, _, _ =	vpop (xrf0)  }
0x9e: {  	s29 =	sld [smem:$0x7FA];
	v19 =	vadd.s32 @p3 v24, v19;
	(v2sf) =	vpush v29, $0xF  }
0x9f: {  	s30 =	sld [smem:$0x7F9];
	v19 =	vadd.s32 @p3 $0xFFFFFFFF, v19;
	v23 =	vadd.s32 @p6 v26, v23  }
0xa0: {  	p3 =	seq.s32 s28, $0x1;
	v15 =	vadd.s32 @p2 v27, v15;
	v23 =	vadd.s32 @p6 $0xFFFFFFFF, v23  }
0xa1: {  	v17 =	vadd.s32 @p3 v17, v25;
	p3 =	seq.s32 s29, $0x1;
	v15 =	vadd.s32 @p2 $0xFFFFFFFF, v15  }
0xa2: {  	v17 =	vadd.s32 @p3 $0xFFFFFFFF, v17;
	p3 =	seq.s32 s30, $0x1  }
0xa3: {  	v62, _, _ =	vpop (xrf2);
	s23 =	simm.s32 @p3 $0x10000  }
0xa4: {  	(v2sf) =	vpush v62, $0xF;
	[tilespmem:v19+s23+$0x0] =	vst.idx.msk @p3 vm5, v11;
	s23 =	simm.s32 @p6 $0x10000  }
0xa5: {  	[tilespmem:v23+s23+$0x0] =	vst.idx.msk @p6 vm6, v9;
	s23 =	simm.s32 @p2 $0x10000  }
0xa6: {  	[tilespmem:v15+s23+$0x0] =	vst.idx.msk @p2 vm2, v8  }
0xa7: {  	v16 =	vadd.s32 @p4 v28, v16;
	s31 =	sld [smem:$0x7FA]  }
0xa8: {  	v21 =	vadd.s32 @p0 v21, v22;
	v16 =	vadd.s32 @p4 $0xFFFFFFFF, v16  }
0xa9: {  	v11 =	vadd.s32 @p1 v14, v13;
	v13 =	vadd.s32 @p0 $0xFFFFFFFF, v21  }
0xaa: {  	p2 =	seq.s32 s31, $0x1  }
0xab: {  	p3 =	por p5, p5;
	s23 =	simm.s32 @p2 $0x10000  }
0xac: {  	vm3 =	vmmov vm3;
	v9 =	vadd.s32 @p1 $0xFFFFFFFF, v11;
	v11 =	vadd.s32 @p3 v18, v12;
	[tilespmem:v17+s23+$0x0] =	vst.idx.msk @p2 vm4, v7;
	s23 =	simm.s32 @p4 $0x10000  }
0xad: {  	v8 =	vadd.s32 @p3 $0xFFFFFFFF, v11;
	[tilespmem:v16+s23+$0x0] =	vst.idx.msk @p4 vm7, v10;
	s23 =	simm.s32 @p0 $0x10000;
	s26 =	spop (v2sf)  }
0xae: {  	v63 =	vadd.s32 v1, v20;
	[tilespmem:v13+s23+$0x0] =	vst.idx.msk @p0 vm1, v6;
	p0 =	seq.s32 s26, $0x80000000  }
.Ltmp2:
0xaf: {  	_ = 	snop;
	(pc) =	sbr.rel @p0 .LBB2_14-.Ltmp2, $4  }
0xb0: {  	s23 =	simm.s32 @p1 $0x10000  }
0xb1: {  	[tilespmem:v9+s23+$0x0] =	vst.idx.msk @p1 vm0, v5;
	s23 =	simm.s32 @p3 $0x10000  }
0xb2: {  	[tilespmem:v8+s23+$0x0] =	vst.idx.msk @p3 vm3, v4  }
0xb3: {  	s24 =	simm.s32 $0x0;
	[tilespmem:v63+s16+$0x0] =	vst.idx.msk $0xffff, v3;
	s23 =	spop (v2sf)  }
.Ltmp3:
0xb4: {  	(pc) =	sbr.rel .LBB2_7-.Ltmp3, $3  }
0xb5: {  	_ =	sdelay $0x1  }
0xb6: {  	s24 =	sadd.s32 $0x8000000F, s26;
	s29 =	simm.s32 $0x0  }
0xb7: {  	s25 =	sshrl.u32 s24, $0x4;
	s24 =	sxor.u32 $0x80000000, s26;
	s26 =	simm.s32 $0x0  }
.LBB2_8:
0xb8: {  	v3 =	vimm.s32 $0x0;
	v4 =	vimm.f32 $0.0e+00  }
.LBB2_12:
0xb9: {  	(xrf2) =	vadd.scan.msk.f32 $0xffff, v4;
	_ =	sdelay $0x4  }
0xba: {  	(xrf0) =	vadd.scan.msk.s32 $0xffff, v3;
	_ =	sdelay $0x4  }
0xbb: {  	v3, _, _ =	vpop (xrf2)  }
0xbc: {  	(v2sf) =	vpush v3, $0xF;
	v3, _, _ =	vpop (xrf0)  }
0xbd: {  	(v2sf) =	vpush v3, $0xF;
	_ =	sdelay $0xd  }
0xbe: {  	s30 =	spop (v2sf)  }
0xbf: {  	s31 =	spop (v2sf)  }
0xc0: {  	s0 =	scvt.s32.f32 s31;
	_ =	sdelay $0x1  }
0xc1: {  	s0 =	smul.f32 s0, s28;
	_ =	sdelay $0x1  }
0xc2: {  	s0 =	ssub.f32 s30, s0;
	_ =	sdelay $0x1  }
0xc3: {  	p1 =	sgt.f32 s0, $1.000000000e+00;
	_ =	sdelay $0x1  }
0xc4: {  	p0 =	sgt.u32 s26, $0x1C;
	s24 =	smov.u32 @p1 s31;
	s31 =	smov.u32 @p1 s29  }
0xc5: {  	p2 =	sne.s32 @!p0 s24, s31  }
0xc6: {  	p2 =	por p0, !p2  }
.Ltmp4:
0xc7: {  	_ = 	snop;
	(pc) =	sbr.rel @p2 .LBB2_13-.Ltmp4, $3  }
0xc8: {  	_ =	sdelay $0x1  }
0xc9: {  	s26 =	sadd.s32 $0x1, s26;
	s21 =	smov.u32 @p1 s28;
	s28 =	smov.u32 @p1 s22  }
0xca: {  	s23 =	smov.u32 @p1 s30;
	s29 =	smov.u32 s31;
	s22 =	smov.u32 s28  }
.LBB2_7:
0xcb: {  	p0 =	seq.s32 s25, $0x0  }
.Ltmp5:
0xcc: {  	_ = 	snop;
	(pc) =	sbr.rel @p0 .LBB2_8-.Ltmp5, $3  }
0xcd: {  	_ = 	snop  }
0xce: {  	s28 =	sadd.f32 s22, s21;
	_ =	sdelay $0x1  }
0xcf: {  	s28 =	smul.f32 $5.000000000e-01, s28  }
0xd0: {  	s30 =	simm.s32 $0x10000  }
0xd1: {  	p0 =	sne.s32 s25, $0x1;
	v3 =	vld [tilespmem:s30+$0x0]  }
.Ltmp6:
0xd2: {  	_ = 	snop;
	(pc) =	sbr.rel @!p0 .LBB2_11-.Ltmp6, $3  }
0xd3: {  	_ =	sdelay $0x1  }
0xd4: {  	v6 =	vmov s28  }
0xd5: {  	v4 =	vimm.f32 $0.0e+00;
	v5 =	vimm.s32 $0x0;
	s31 =	simm.s32 $0x10010;
	s30 =	sadd.s32 $0xFFFFFFFF, s25;
	vm0 =	vgt.f32 v3, v6  }
.LBB2_10:
0xd6: {  	p0 =	sne.s32 s30, $0x1;
	s30 =	sadd.s32 $0xFFFFFFFF, s30;
	v7 =	vnsel vm0, $0x0, v3;
	v3 =	vld [tilespmem:s31+$0x0];
	v8 =	vsel vm0, $0x1, v2  }
.Ltmp7:
0xd7: {  	v4 =	vadd.f32 v7, v4;
	v5 =	vadd.s32 v8, v5;
	(pc) =	sbr.rel @p0 .LBB2_10-.Ltmp7, $2  }
0xd8: {  	_ =	sdelay $0x2  }
0xd9: {  	s31 =	sadd.s32 $0x10, s31;
	vm0 =	vgt.f32 v3, v6  }
.LBB2_11:
.Ltmp8:
0xda: {  	(pc) =	sbr.rel .LBB2_12-.Ltmp8, $4  }
0xdb: {  	_ = 	snop  }
0xdc: {  	v3 =	vnsel vm0, $0x0, v3  }
0xdd: {  	v6 =	vsel vm0, $0x1, v2;
	v4 =	vadd.f32 v3, v4  }
0xde: {  	v3 =	vadd.s32 v6, v5  }
.LBB2_13:
0xdf: {  	s23 =	smov.u32 @p0 s23;
	s24 =	smov.u32 @p0 s24  }
.LBB2_14:
0xe0: {  	v3 =	vmov s24  }
0xe1: {  	v3 =	vcvt.s32.f32 v3;
	_ =	sdelay $0x1  }
0xe2: {  	v3 =	vbroadcast v3, $0x0;
	_ =	sdelay $0x1  }
0xe3: {  	(erf) = vrcp.f32 v3;
	_ =	sdelay $0x5  }
0xe4: {  	s21 =	simm.s32 $0x40  }
0xe5: {  	v5 =	vld [tilespmem:s21+$0x30]  }
0xe6: {  	s0 =	sadd.f32 $-1.000000000e+00, s23;
	v7 =	vld [tilespmem:s21+$0xFFFFFFD0]  }
0xe7: {  	v9 =	vld [tilespmem:s21+$0xFFFFFFE0];
	v3 =	vpop (erf)  }
0xe8: {  	v8 =	vld [tilespmem:s21+$0xFFFFFFF0];
	v3 =	vmul.f32 s0, v3  }
0xe9: {  	v6 =	vld [tilespmem:s21+$0x0]  }
0xea: {  	v4 =	vld [tilespmem:s21+$0x10];
	v11 =	vsub.f32 v5, v3  }
0xeb: {  	v5 =	vld [tilespmem:s21+$0x20];
	v10 =	vsub.f32 v7, v3  }
0xec: {  	s22 =	simm.s32 $0x0;
	s23 =	simm.s32 $0xC0;
	v7 =	vld [tilespmem:s21+$0xFFFFFFC0];
	v9 =	vsub.f32 v9, v3;
	v11 =	vmax.f32 v11, $0.0e+00  }
.LBB2_15:
0xed: {  	v12 =	vld [tilespmem:s23+$0x30];
	s22 =	sadd.s32 $0x80, s22;
	v10 =	vmax.f32 v10, $0.0e+00;
	v8 =	vsub.f32 v8, v3;
	[tilespmem:s21+$0x30] =	vst v11  }
0xee: {  	v11 =	vld [tilespmem:s23+$0xFFFFFFD0];
	p0 =	slt.u32 s22, $0x7F80;
	[tilespmem:s21+$0xFFFFFFD0] =	vst v10;
	v9 =	vmax.f32 v9, $0.0e+00;
	v6 =	vsub.f32 v6, v3  }
0xef: {  	v13 =	vld [tilespmem:s23+$0xFFFFFFE0];
	[tilespmem:s21+$0xFFFFFFE0] =	vst v9;
	v9 =	vmax.f32 v8, $0.0e+00;
	v4 =	vsub.f32 v4, v3  }
.Ltmp9:
0xf0: {  	v8 =	vld [tilespmem:s23+$0xFFFFFFF0];
	[tilespmem:s21+$0xFFFFFFF0] =	vst v9;
	v9 =	vmax.f32 v6, $0.0e+00;
	v5 =	vsub.f32 v5, v3;
	(pc) =	sbr.rel @p0 .LBB2_15-.Ltmp9, $4  }
0xf1: {  	v6 =	vld [tilespmem:s23+$0x0];
	v7 =	vsub.f32 v7, v3;
	[tilespmem:s21+$0x0] =	vst v9;
	v9 =	vmax.f32 v4, $0.0e+00  }
0xf2: {  	v4 =	vld [tilespmem:s23+$0x10];
	v12 =	vsub.f32 v12, v3;
	[tilespmem:s21+$0x10] =	vst v9;
	v9 =	vmax.f32 v5, $0.0e+00  }
0xf3: {  	v10 =	vsub.f32 v11, v3;
	v5 =	vld [tilespmem:s23+$0x20];
	v14 =	vmax.f32 v7, $0.0e+00;
	[tilespmem:s21+$0x20] =	vst v9  }
0xf4: {  	v7 =	vld [tilespmem:s23+$0xFFFFFFC0];
	v9 =	vsub.f32 v13, v3;
	v11 =	vmax.f32 v12, $0.0e+00;
	[tilespmem:s21+$0xFFFFFFC0] =	vst v14;
	s21 =	smov.u32 s23;
	s23 =	sadd.s32 $0x80, s23  }
0xf5: {  	v10 =	vmax.f32 v10, $0.0e+00;
	v8 =	vsub.f32 v8, v3;
	[tilespmem:s21+$0x30] =	vst v11  }
0xf6: {  	[tilespmem:s21+$0xFFFFFFD0] =	vst v10;
	v9 =	vmax.f32 v9, $0.0e+00;
	v6 =	vsub.f32 v6, v3  }
0xf7: {  	[tilespmem:s21+$0xFFFFFFE0] =	vst v9;
	v8 =	vmax.f32 v8, $0.0e+00;
	v4 =	vsub.f32 v4, v3  }
0xf8: {  	[tilespmem:s21+$0xFFFFFFF0] =	vst v8;
	v6 =	vmax.f32 v6, $0.0e+00;
	v5 =	vsub.f32 v5, v3  }
0xf9: {  	v3 =	vsub.f32 v7, v3;
	[tilespmem:s21+$0x0] =	vst v6;
	v4 =	vmax.f32 v4, $0.0e+00  }
0xfa: {  	[tilespmem:s21+$0x10] =	vst v4;
	v4 =	vmax.f32 v5, $0.0e+00  }
0xfb: {  	v3 =	vmax.f32 v3, $0.0e+00;
	[tilespmem:s21+$0x20] =	vst v4  }
0xfc: {  	[tilespmem:s21+$0xFFFFFFC0] =	vst v3  }
0xfd: {  	[hbm4b:s5+s12] =	stream.strided.scatter [tilespmem:s2], [sflag:$0x3], $0x8000, s13, s12, $0x38;
	[tilespmem:$0x18080] =	vst v63  }
0xfe: {  	_ =	swait.ge [sflag:s17], $0x8000  }
0xff: {  	[sflag:s17] =	ssyncset.done $0x0  }
0x100: {  	[sflag:s17] =	ssyncadd.s32 $0xFFFF8000  }
0x101: {  	_ =	swait.ge [sflag:s18], $0x8000  }
0x102: {  	[sflag:s18] =	ssyncset.done $0x0  }
0x103: {  	s0 =	simm.s32 $0x8040;
	[sflag:s18] =	ssyncadd.s32 $0xFFFF8000  }
0x104: {  	[tilespmem:s2], [sflag:$0x1] =	stream.strided.gather [hbm4b:s6+s12], $0x8000, s13, s12, $0x38;
	[tilespmem:$0x18080] =	vst v63  }
0x105: {  	v5 =	vld [tilespmem:s0+$0xFFFFFFC0]  }
0x106: {  	v6 =	vld [tilespmem:s0+$0xFFFFFFD0]  }
0x107: {  	v7 =	vld [tilespmem:s0+$0xFFFFFFE0]  }
0x108: {  	v3 =	vld [tilespmem:s0+$0xFFFFFFF0]  }
0x109: {  	v8 =	vimm.f32 $-Inf;
	v4 =	vld [tilespmem:s0+$0x0]  }
0x10a: {  	v8 =	vmax.f32 v8, v5;
	v5 =	vld [tilespmem:s0+$0x10]  }
0x10b: {  	v8 =	vmax.f32 v8, v6;
	v6 =	vld [tilespmem:s0+$0x20]  }
0x10c: {  	s22 =	simm.s32 $0x80C0;
	s21 =	simm.s32 $0x0;
	v8 =	vmax.f32 v8, v7;
	v7 =	vld [tilespmem:s0+$0x30]  }
.LBB2_17:
0x10d: {  	v9 =	vld [tilespmem:s22+$0xFFFFFFC0];
	s21 =	sadd.s32 $0x80, s21;
	v3 =	vmax.f32 v8, v3  }
0x10e: {  	v8 =	vld [tilespmem:s22+$0xFFFFFFD0];
	p0 =	slt.u32 s21, $0x7F80;
	v3 =	vmax.f32 v3, v4  }
0x10f: {  	v10 =	vld [tilespmem:s22+$0xFFFFFFE0];
	v4 =	vmax.f32 v3, v5  }
.Ltmp10:
0x110: {  	v3 =	vld [tilespmem:s22+$0xFFFFFFF0];
	v5 =	vmax.f32 v4, v6;
	(pc) =	sbr.rel @p0 .LBB2_17-.Ltmp10, $4  }
0x111: {  	v4 =	vld [tilespmem:s22+$0x0];
	v5 =	vmax.f32 v5, v7  }
0x112: {  	v6 =	vmax.f32 v5, v9;
	v5 =	vld [tilespmem:s22+$0x10]  }
0x113: {  	v7 =	vmax.f32 v6, v8;
	v6 =	vld [tilespmem:s22+$0x20]  }
0x114: {  	v8 =	vmax.f32 v7, v10;
	v7 =	vld [tilespmem:s22+$0x30];
	s22 =	sadd.s32 $0x80, s22  }
0x115: {  	v3 =	vmax.f32 v8, v3  }
0x116: {  	v3 =	vmax.f32 v3, v4  }
0x117: {  	v3 =	vmax.f32 v3, v5  }
0x118: {  	v3 =	vmax.f32 v3, v6  }
0x119: {  	v3 =	vmax.f32 v3, v7  }
0x11a: {  	(xrf0) =	vmax.scan.msk.f32 $0xffff, v3;
	_ =	sdelay $0x5  }
0x11b: {  	v3, _, _ =	vpop (xrf0)  }
0x11c: {  	(v2sf) =	vpush v3, $0xF;
	_ =	sdelay $0xc  }
0x11d: {  	s0 =	simm.s32 $0x8040  }
0x11e: {  	v4 =	vld [tilespmem:s0+$0xFFFFFFC0]  }
0x11f: {  	s22 =	spop (v2sf)  }
0x120: {  	v7 =	vld [tilespmem:s0+$0x20];
	s21 =	sadd.f32 $-1.000000000e+00, s22  }
0x121: {  	v5 =	vld [tilespmem:s0+$0xFFFFFFD0]  }
0x122: {  	v3 =	vmov s21  }
0x123: {  	vm0 =	vgt.f32 v4, v3  }
0x124: {  	v6 =	vld [tilespmem:s0+$0xFFFFFFF0];
	v8 =	vsel vm0, $0x3F800000, v0  }
0x125: {  	vm0 =	vgt.f32 v7, v3;
	(xrf0) =	vmax.scan.msk.f32 $0xffff, v8;
	v8 =	vld [tilespmem:s0+$0xFFFFFFE0]  }
0x126: {  	vm1 =	vgt.f32 v5, v3;
	v10 =	vsel vm0, $0x3F800000, v0  }
0x127: {  	v9 =	vld [tilespmem:s0+$0x10];
	v11 =	vsel vm1, $0x3F800000, v0;
	(xrf0) =	vmax.scan.msk.f32 $0xffff, v10  }
0x128: {  	(xrf0) =	vmax.scan.msk.f32 $0xffff, v11  }
0x129: {  	vm0 =	vgt.f32 v6, v3  }
0x12a: {  	v10 =	vsel vm0, $0x3F800000, v0;
	vm0 =	vgt.f32 v8, v3  }
0x12b: {  	(xrf0) =	vmax.scan.msk.f32 $0xffff, v10;
	v10 =	vsel vm0, $0x3F800000, v0  }
0x12c: {  	vm1 =	vgt.f32 v9, v3;
	v11, _, _ =	vpop (xrf0)  }
0x12d: {  	(v2sf) =	vpush v11, $0xF;
	v11 =	vsel vm1, $0x3F800000, v0;
	(xrf0) =	vmax.scan.msk.f32 $0xffff, v10;
	v12, _, _ =	vpop (xrf0)  }
0x12e: {  	(xrf0) =	vmax.scan.msk.f32 $0xffff, v11;
	v10, _, _ =	vpop (xrf0)  }
0x12f: {  	(v2sf) =	vpush v10, $0xF  }
0x130: {  	v11 =	vld [tilespmem:s0+$0x0]  }
0x131: {  	v10, _, _ =	vpop (xrf0)  }
0x132: {  	(v2sf) =	vpush v10, $0xF  }
0x133: {  	v10 =	vld [tilespmem:s0+$0x30];
	(v2sf) =	vpush v12, $0xF;
	v13, _, _ =	vpop (xrf0)  }
0x134: {  	(v2sf) =	vpush v13, $0xF;
	v12, _, _ =	vpop (xrf0)  }
0x135: {  	vm0 =	vgt.f32 v11, v3;
	(v2sf) =	vpush v12, $0xF  }
0x136: {  	v12 =	vsel vm0, $0x3F800000, v0  }
0x137: {  	(xrf0) =	vmax.scan.msk.f32 $0xffff, v12  }
0x138: {  	vm0 =	vgt.f32 v10, v3  }
0x139: {  	v12 =	vsel vm0, $0x3F800000, v0  }
0x13a: {  	(xrf0) =	vmax.scan.msk.f32 $0xffff, v12;
	_ =	sdelay $0x1  }
0x13b: {  	s28 =	spop (v2sf)  }
0x13c: {  	v12, _, _ =	vpop (xrf0);
	p5 =	sgt.f32 s28, $0.0e+00  }
0x13d: {  	(v2sf) =	vpush v12, $0xF;
	s29 =	spop (v2sf)  }
0x13e: {  	v13 =	vimm.f32 $0.0e+00;
	vm3 =	vgt.f32 @p5 v4, v3;
	p1 =	sgt.f32 s29, $0.0e+00  }
0x13f: {  	v12 =	vimm.s32 $0x0;
	v15, _, _ =	vpop (xrf0);
	v14 =	vnsel @p5 vm3, $0x0, v4;
	v16 =	vmpcnt.ones.xlane @p5 vm3  }
0x140: {  	s23 =	simm.s32 $0x0;
	(v2sf) =	vpush v15, $0xF;
	v15 =	vimm.s32 @p5 $0x0;
	s30 =	spop (v2sf);
	v14 =	vadd.f32 @p5 v14, v13;
	s24 =	simm.s32 @!p1 $0x0  }
0x141: {  	v15 =	vsel @p5 vm3, $0x1, v15;
	p0 =	sgt.f32 s30, $0.0e+00;
	s26 =	spop (v2sf);
	v16 =	vadd.s32 @p5 v12, v16;
	vm0 =	vgt.f32 @p1 v5, v3;
	s24 =	simm.s32 @p1 $0x1  }
0x142: {  	v17 =	vimm.s32 @p1 $0x0;
	v20 =	vpsel p5, v14, v13;
	v13 =	vpsel p5, v16, v12;
	s31 =	spop (v2sf);
	p1 =	por p1, p1;
	[smem:$0x7F8] =	sst s24  }
0x143: {  	(xrf0) =	vadd.scan.msk.s32 @p5 $0xffff, v15;
	v16 =	vimm.s32 @p0 $0x0;
	v15 =	vmpcnt.ones.xlane @p1 vm0;
	v18 =	vnsel @p1 vm0, $0x0, v5;
	p2 =	sgt.f32 s31, $0.0e+00;
	s24 =	simm.s32 $0x80C0;
	s25 =	spop (v2sf)  }
.LBB2_19:
0x144: {  	_ =	sdelay $0x2  }
0x145: {  	v14 =	vld [tilespmem:s24+$0xFFFFFFC0]  }
0x146: {  	v17 =	vsel @p1 vm0, $0x1, v17;
	v21 =	vadd.f32 @p1 v18, v20;
	vm2 =	vgt.f32 @p0 v6, v3  }
0x147: {  	vm1 =	vmmov vm3;
	v18 =	vld [tilespmem:s24+$0x10];
	p6 =	sgt.f32 s26, $0.0e+00;
	vm4 =	vgt.f32 @p2 v8, v3;
	v23 =	vmpcnt.ones.xlane @p0 vm2  }
0x148: {  	v24 =	vnsel @p0 vm2, $0x0, v6;
	v16 =	vsel @p0 vm2, $0x1, v16;
	v27 =	vadd.s32 @p1 v13, v15;
	v15 =	vld [tilespmem:s24+$0xFFFFFFD0];
	v19, _, _ =	vpop @p5 (xrf0);
	(xrf0) =	vadd.scan.msk.s32 @p1 $0xffff, v17  }
0x149: {  	s23 =	sadd.s32 $0x80, s23;
	p3 =	por p5, p5;
	v22 =	vpsel p1, v21, v20;
	vm5 =	vgt.f32 @p6 v7, v3;
	v20 =	vimm.s32 @p6 $0x0;
	v17 =	vld [tilespmem:s24+$0x20];
	(xrf0) =	vadd.scan.msk.s32 @p0 $0xffff, v16  }
0x14a: {  	s30 =	sld [smem:$0x7F8];
	s0 =	simm.s32 @!p3 $0x0;
	v26 =	vimm.s32 @p2 $0x0;
	v20 =	vsel @p6 vm5, $0x1, v20;
	vm3 =	vgt.f32 v14, v3;
	v16 =	vld [tilespmem:s24+$0xFFFFFFF0];
	s28 =	spop (v2sf)  }
0x14b: {  	s0 =	simm.s32 @p3 $0x1;
	p3 =	slt.u32 s23, $0x7F80;
	v25 =	vnsel @p2 vm4, $0x0, v8;
	v27 =	vpsel p1, v27, v13;
	v33 =	vsel vm3, $0x3F800000, v0;
	(xrf0) =	vadd.scan.msk.s32 @p6 $0xffff, v20;
	v20 =	vld [tilespmem:s24+$0xFFFFFFE0];
	p5 =	sgt.f32 s28, $0.0e+00  }
0x14c: {  	v31 =	vmpcnt.ones.xlane @p2 vm4;
	[smem:$0x7F6] =	sst s0;
	s0 =	simm.s32 @!p3 $0x0;
	v25 =	vadd.f32 @p2 v25, v22;
	vm3 =	vgt.f32 v18, v3;
	(xrf0) =	vmax.scan.msk.f32 $0xffff, v33  }
0x14d: {  	s0 =	simm.s32 @p3 $0x1;
	p3 =	seq.s32 s30, $0x1;
	v32 =	vsel vm3, $0x3F800000, v0;
	v29 =	vimm.s32 @p5 $0x0;
	vm3 =	vgt.f32 @p5 v11, v3  }
0x14e: {  	v31 =	vadd.s32 @p2 v27, v31;
	vm8 =	vgt.f32 v17, v3;
	v30, _, _ =	vpop @p3 (xrf0);
	v29 =	vsel @p5 vm3, $0x1, v29  }
0x14f: {  	v21 =	vld [tilespmem:s24+$0x0];
	v25 =	vpsel p2, v25, v22;
	vm9 =	vgt.f32 v15, v3;
	v37 =	vsel vm8, $0x3F800000, v0;
	v34, _, _ =	vpop @p0 (xrf0);
	(xrf0) =	vadd.scan.msk.s32 @p5 $0xffff, v29  }
0x150: {  	v22 =	vld [tilespmem:s24+$0x30];
	v39 =	vsel vm9, $0x3F800000, v0;
	vm7 =	vgt.f32 v16, v3;
	p3 =	sgt.f32 s25, $0.0e+00;
	vm14 =	vgt.f32 v20, v3;
	(xrf0) =	vmax.scan.msk.f32 $0xffff, v37  }
0x151: {  	v24 =	vadd.f32 @p0 v24, v25;
	v36 =	vsel vm7, $0x3F800000, v0;
	v35, _, _ =	vpop @p6 (xrf0);
	v55 =	vsel vm14, $0x3F800000, v0;
	(xrf0) =	vmax.scan.msk.f32 $0xffff, v39  }
0x152: {  	vm7 =	vgt.f32 @p3 v9, v3;
	v56, _, _ =	vpop (xrf0);
	v33 =	vnsel @p5 vm3, $0x0, v11;
	(xrf0) =	vmax.scan.msk.f32 $0xffff, v36;
	v36 =	vimm.s32 @p3 $0x0  }
0x153: {  	v26 =	vsel @p2 vm4, $0x1, v26;
	v31 =	vpsel p2, v31, v27;
	(xrf0) =	vmax.scan.msk.f32 $0xffff, v55;
	v29 =	vsel @p3 vm7, $0x1, v36  }
0x154: {  	v23 =	vadd.s32 @p0 v31, v23;
	vm6 =	vgt.f32 v21, v3;
	v24 =	vpsel p0, v24, v25;
	s29 =	spop (v2sf);
	(xrf0) =	vadd.scan.msk.s32 @p3 $0xffff, v29  }
0x155: {  	v23 =	vpsel p0, v23, v31;
	vm15 =	vgt.f32 v22, v3;
	p4 =	sgt.f32 s29, $0.0e+00;
	v29 =	vadd.f32 @p5 v33, v24;
	v33, _, _ =	vpop @p5 (xrf0)  }
0x156: {  	v38 =	vsel vm6, $0x3F800000, v0;
	v59 =	vsel vm15, $0x3F800000, v0;
	(v2sf) =	vpush v56, $0xF;
	(xrf0) =	vmax.scan.msk.f32 $0xffff, v32;
	v57, _, _ =	vpop (xrf0)  }
0x157: {  	v25 =	vnsel @p3 vm7, $0x0, v9;
	vm6 =	vgt.f32 @p4 v10, v3;
	(xrf0) =	vmax.scan.msk.f32 $0xffff, v38;
	v24 =	vpsel p5, v29, v24;
	v58, _, _ =	vpop (xrf0)  }
0x158: {  	v29 =	vimm.s32 @p4 $0x0;
	v33 =	vadd.s32 @p5 v33, v23;
	(xrf0) =	vadd.scan.msk.s32 @p2 $0xffff, v26;
	(v2sf) =	vpush v58, $0xF;
	v60, _, _ =	vpop (xrf0)  }
0x159: {  	v29 =	vsel @p4 vm6, $0x1, v29;
	v26 =	vmpcnt.ones.xlane @p5 vm3;
	v40, _, _ =	vpop (xrf0);
	(v2sf) =	vpush v60, $0xF;
	(xrf0) =	vmax.scan.msk.f32 $0xffff, v59  }
0x15a: {  	v25 =	vadd.f32 @p3 v25, v24;
	v33 =	vadd.s32 @p5 $0xFFFFFFFF, v33;
	v37, _, _ =	vpop @p3 (xrf0);
	(xrf0) =	vadd.scan.msk.s32 @p4 $0xffff, v29  }
0x15b: {  	v28 =	vnsel @p6 vm5, $0x0, v7;
	v36 =	vmpcnt.ones.xlane @p3 vm7;
	v26 =	vadd.s32 @p5 v23, v26  }
0x15c: {  	v32 =	vmpcnt.ones.xlane @p6 vm5;
	v24 =	vpsel p3, v25, v24;
	v23 =	vpsel p5, v26, v23;
	v61, _, _ =	vpop (xrf0)  }
0x15d: {  	(v2sf) =	vpush v57, $0xF;
	v25 =	vadd.s32 @p3 v37, v23;
	v36 =	vadd.s32 @p3 v23, v36;
	v62, _, _ =	vpop (xrf0)  }
0x15e: {  	[smem:$0x7F7] =	sst s0;
	s0 =	simm.s32 @p5 $0x10000;
	(v2sf) =	vpush v40, $0xF;
	v25 =	vadd.s32 @p3 $0xFFFFFFFF, v25;
	v23 =	vpsel p3, v36, v23;
	v29, _, _ =	vpop @p2 (xrf0)  }
0x15f: {  	v28 =	vadd.f32 @p6 v28, v24;
	(v2sf) =	vpush v61, $0xF;
	[tilespmem:v33+s0+$0x0] =	vst.idx.msk @p5 vm3, v11;
	v32 =	vadd.s32 @p6 v23, v32;
	v63, _, _ =	vpop (xrf0)  }
0x160: {  	s26 =	sld [smem:$0x7F6];
	v27 =	vadd.s32 @p2 v29, v27;
	v29 =	vadd.s32 @p6 v35, v23;
	v23 =	vpsel p6, v32, v23;
	v11, _, _ =	vpop @p4 (xrf0)  }
0x161: {  	v39 =	vnsel @p4 vm6, $0x0, v10;
	v24 =	vpsel p6, v28, v24;
	v28 =	vadd.s32 @p4 v11, v23  }
0x162: {  	v13 =	vadd.s32 @p1 v30, v13;
	s25 =	simm.s32 @p3 $0x10000;
	v11 =	vmovc v21;
	v21 =	vadd.s32 @p4 $0xFFFFFFFF, v28;
	v28 =	vadd.f32 @p4 v39, v24  }
0x163: {  	v26 =	vadd.s32 @p0 v34, v31;
	v27 =	vadd.s32 @p2 $0xFFFFFFFF, v27;
	[tilespmem:v25+s25+$0x0] =	vst.idx.msk @p3 vm7, v9;
	v25 =	vadd.s32 @p1 $0xFFFFFFFF, v13;
	p3 =	seq.s32 s26, $0x1  }
0x164: {  	v13 =	vadd.s32 @p0 $0xFFFFFFFF, v26;
	v24 =	vpsel p4, v28, v24;
	v28 =	vadd.s32 @p3 v19, v12  }
0x165: {  	s31 =	spop (v2sf);
	v26 =	vadd.s32 @p3 $0xFFFFFFFF, v28  }
0x166: {  	p5 =	sgt.f32 s31, $0.0e+00;
	v29 =	vadd.s32 @p6 $0xFFFFFFFF, v29  }
0x167: {  	s0 =	simm.s32 @p2 $0x10000;
	s31 =	sld [smem:$0x7F7];
	s28 =	spop (v2sf)  }
0x168: {  	v38 =	vmpcnt.ones.xlane @p4 vm6;
	s25 =	simm.s32 @p0 $0x10000;
	[tilespmem:v27+s0+$0x0] =	vst.idx.msk @p2 vm4, v8;
	s29 =	spop (v2sf)  }
0x169: {  	(v2sf) =	vpush v62, $0xF;
	vm3 =	vgt.f32 @p5 v14, v3;
	[tilespmem:v13+s25+$0x0] =	vst.idx.msk @p0 vm2, v6;
	p0 =	sgt.f32 s29, $0.0e+00;
	s29 =	simm.s32 @p3 $0x10000  }
0x16a: {  	v32 =	vadd.s32 @p4 v23, v38;
	v9 =	vmovc v18;
	v18 =	vimm.s32 @p5 $0x0;
	s0 =	simm.s32 @p6 $0x10000;
	v19 =	vnsel @p5 vm3, $0x0, v14;
	[tilespmem:v26+s29+$0x0] =	vst.idx.msk @p3 vm1, v4;
	p3 =	seq.s32 s31, $0x1  }
.Ltmp11:
0x16b: {  	v18 =	vsel @p5 vm3, $0x1, v18;
	[tilespmem:v29+s0+$0x0] =	vst.idx.msk @p6 vm5, v7;
	v7 =	vmovc v17;
	v17 =	vmpcnt.ones.xlane @p5 vm3;
	v19 =	vadd.f32 @p5 v19, v24;
	p2 =	sgt.f32 s28, $0.0e+00;
	(pc) =	sbr.rel @p3 .LBB2_19-.Ltmp11, $4  }
0x16c: {  	(v2sf) =	vpush v63, $0xF;
	v23 =	vpsel p4, v32, v23;
	(xrf0) =	vadd.scan.msk.s32 @p5 $0xffff, v18;
	s0 =	simm.s32 @p4 $0x10000;
	s26 =	spop (v2sf)  }
0x16d: {  	v8 =	vmovc v20;
	v12 =	vmovc v23;
	v6 =	vmov v16;
	v17 =	vadd.s32 @p5 v23, v17;
	v20 =	vpsel p5, v19, v24;
	s28 =	simm.s32 @p1 $0x10000;
	s30 =	spop (v2sf);
	s25 =	simm.s32 @!p2 $0x0  }
0x16e: {  	v13 =	vpsel p5, v17, v23;
	[tilespmem:v25+s28+$0x0] =	vst.idx.msk @p1 vm0, v5;
	v5 =	vmovc v15;
	v17 =	vimm.s32 @p2 $0x0;
	vm0 =	vgt.f32 @p2 v15, v3;
	p1 =	por p2, p2;
	s25 =	simm.s32 @p2 $0x1;
	p2 =	sgt.f32 s30, $0.0e+00  }
0x16f: {  	s24 =	sadd.s32 $0x80, s24;
	[tilespmem:v21+s0+$0x0] =	vst.idx.msk @p4 vm6, v10;
	v10 =	vmovc v22;
	v4 =	vmovc v14;
	v15 =	vmpcnt.ones.xlane @p1 vm0;
	v18 =	vnsel @p1 vm0, $0x0, v5;
	v16 =	vimm.s32 @p0 $0x0;
	[smem:$0x7F8] =	sst s25;
	s25 =	spop (v2sf)  }
0x170: {  	_ =	sdelay $0x3  }
0x171: {  	v14 =	vadd.f32 @p1 v18, v20  }
0x172: {  	vm2 =	vgt.f32 @p2 v8, v3  }
0x173: {  	v18 =	vnsel @p2 vm2, $0x0, v8;
	v14 =	vpsel p1, v14, v20  }
0x174: {  	p3 =	sgt.f32 s26, $0.0e+00;
	v18 =	vadd.f32 @p2 v18, v14  }
0x175: {  	vm1 =	vgt.f32 @p0 v6, v3;
	s28 =	spop (v2sf)  }
0x176: {  	v17 =	vsel @p1 vm0, $0x1, v17;
	v20 =	vnsel @p0 vm1, $0x0, v6;
	s0 =	simm.s32 @!p3 $0x0;
	v14 =	vpsel p2, v18, v14;
	p4 =	sgt.f32 s28, $0.0e+00  }
0x177: {  	v19 =	vmpcnt.ones.xlane @p0 vm1;
	v15 =	vadd.s32 @p1 v13, v15;
	s0 =	simm.s32 @p3 $0x1;
	v20 =	vadd.f32 @p0 v20, v14  }
0x178: {  	p6 =	sgt.f32 s25, $0.0e+00;
	v22 =	vmpcnt.ones.xlane @p2 vm2;
	vm4 =	vgt.f32 @p3 v7, v3;
	[smem:$0x7F5] =	sst s0;
	s0 =	simm.s32 @!p4 $0x0;
	vm5 =	vgt.f32 @p4 v11, v3  }
0x179: {  	v15 =	vpsel p1, v15, v13;
	v14 =	vpsel p0, v20, v14;
	s0 =	simm.s32 @p4 $0x1;
	v23 =	vnsel @p4 vm5, $0x0, v11  }
0x17a: {  	vm6 =	vgt.f32 @p6 v9, v3;
	v22 =	vadd.s32 @p2 v15, v22;
	[smem:$0x7F4] =	sst s0;
	v23 =	vadd.f32 @p4 v23, v14  }
0x17b: {  	v25 =	vnsel @p6 vm6, $0x0, v9;
	v22 =	vpsel p2, v22, v15;
	v18 =	vimm.s32 @p3 $0x0;
	s30 =	sld [smem:$0x7F4]  }
0x17c: {  	v19 =	vadd.s32 @p0 v22, v19;
	s31 =	sld [smem:$0x7F5];
	v14 =	vpsel p4, v23, v14;
	v23 =	vmpcnt.ones.xlane @p4 vm5  }
0x17d: {  	v18 =	vsel @p3 vm4, $0x1, v18;
	v19 =	vpsel p0, v19, v22;
	v25 =	vadd.f32 @p6 v25, v14  }
0x17e: {  	v20 =	vnsel @p3 vm4, $0x0, v7;
	v24 =	vimm.s32 @p4 $0x0;
	s29 =	spop (v2sf);
	v23 =	vadd.s32 @p4 v19, v23;
	p3 =	seq.s32 s30, $0x1  }
0x17f: {  	v24 =	vsel @p4 vm5, $0x1, v24;
	s23 =	sld [smem:$0x7F4];
	p4 =	sgt.f32 s29, $0.0e+00;
	v14 =	vpsel p6, v25, v14;
	v23 =	vpsel p3, v23, v19;
	p3 =	seq.s32 s31, $0x1  }
0x180: {  	v16 =	vsel @p0 vm1, $0x1, v16;
	(xrf0) =	vadd.scan.msk.s32 @p1 $0xffff, v17;
	v27 =	vmpcnt.ones.xlane @p6 vm6;
	s24 =	sld [smem:$0x7F5];
	v20 =	vadd.f32 @p3 v20, v14  }
0x181: {  	v21 =	vimm.s32 @p2 $0x0;
	(xrf0) =	vadd.scan.msk.s32 @p0 $0xffff, v16;
	v16 =	vmpcnt.ones.xlane @p3 vm4;
	vm7 =	vgt.f32 @p4 v10, v3  }
0x182: {  	v25 =	vadd.s32 @p6 v23, v27;
	(xrf0) =	vadd.scan.msk.s32 @p3 $0xffff, v18;
	v18 =	vnsel @p4 vm7, $0x0, v10;
	v14 =	vpsel p3, v20, v14;
	p3 =	seq.s32 s23, $0x1  }
0x183: {  	v26 =	vimm.s32 @p6 $0x0;
	v25 =	vpsel p6, v25, v23;
	(xrf0) =	vadd.scan.msk.s32 @p3 $0xffff, v24;
	p3 =	seq.s32 s24, $0x1;
	v18 =	vadd.f32 @p4 v18, v14  }
0x184: {  	s25 =	sld [smem:$0x7F8];
	v17 =	vsel @p6 vm6, $0x1, v26;
	v20 =	vmpcnt.ones.xlane @p4 vm7;
	v16 =	vadd.s32 @p3 v25, v16  }
0x185: {  	v21 =	vsel @p2 vm2, $0x1, v21;
	(xrf0) =	vadd.scan.msk.s32 @p6 $0xffff, v17;
	v16 =	vpsel p3, v16, v25;
	v14 =	vpsel p4, v18, v14  }
0x186: {  	s26 =	sld [smem:$0x7F5];
	v17 =	vimm.s32 @p4 $0x0;
	(xrf0) =	vadd.scan.msk.s32 @p2 $0xffff, v21;
	v20 =	vadd.s32 @p4 v16, v20  }
0x187: {  	s28 =	sld [smem:$0x7F4];
	v17 =	vsel @p4 vm7, $0x1, v17;
	p3 =	seq.s32 s25, $0x1;
	(xrf2) =	vadd.scan.msk.f32 $0xffff, v14;
	v18, _, _ =	vpop @p5 (xrf0);
	v20 =	vpsel p4, v20, v16  }
0x188: {  	(xrf0) =	vadd.scan.msk.s32 @p4 $0xffff, v17;
	v14, _, _ =	vpop @p3 (xrf0);
	v61 =	vxor.u32 $0x80000000, v20  }
0x189: {  	p3 =	seq.s32 s26, $0x1;
	v21, _, _ =	vpop @p0 (xrf0);
	(xrf0) =	vmax.scan.msk.u32 $0xffff, v61  }
0x18a: {  	v17, _, _ =	vpop @p3 (xrf0);
	p3 =	seq.s32 s28, $0x1  }
0x18b: {  	v24, _, _ =	vpop @p3 (xrf0)  }
0x18c: {  	v26, _, _ =	vpop @p6 (xrf0)  }
0x18d: {  	v27, _, _ =	vpop @p2 (xrf0)  }
0x18e: {  	v28, _, _ =	vpop @p4 (xrf0)  }
0x18f: {  	s29 =	sld [smem:$0x7F5];
	v29, _, _ =	vpop (xrf0)  }
0x190: {  	s30 =	sld [smem:$0x7F5];
	v19 =	vadd.s32 @p3 v24, v19;
	(v2sf) =	vpush v29, $0xF  }
0x191: {  	s31 =	sld [smem:$0x7F4];
	v19 =	vadd.s32 @p3 $0xFFFFFFFF, v19;
	v23 =	vadd.s32 @p6 v26, v23  }
0x192: {  	p3 =	seq.s32 s29, $0x1;
	v15 =	vadd.s32 @p2 v27, v15;
	v23 =	vadd.s32 @p6 $0xFFFFFFFF, v23  }
0x193: {  	v17 =	vadd.s32 @p3 v17, v25;
	p3 =	seq.s32 s30, $0x1;
	v15 =	vadd.s32 @p2 $0xFFFFFFFF, v15  }
0x194: {  	v17 =	vadd.s32 @p3 $0xFFFFFFFF, v17;
	p3 =	seq.s32 s31, $0x1  }
0x195: {  	v62, _, _ =	vpop (xrf2);
	s0 =	simm.s32 @p3 $0x10000  }
0x196: {  	(v2sf) =	vpush v62, $0xF;
	[tilespmem:v19+s0+$0x0] =	vst.idx.msk @p3 vm5, v11;
	s0 =	simm.s32 @p6 $0x10000  }
0x197: {  	[tilespmem:v23+s0+$0x0] =	vst.idx.msk @p6 vm6, v9;
	s0 =	simm.s32 @p2 $0x10000  }
0x198: {  	[tilespmem:v15+s0+$0x0] =	vst.idx.msk @p2 vm2, v8  }
0x199: {  	v16 =	vadd.s32 @p4 v28, v16;
	s0 =	sld [smem:$0x7F5]  }
0x19a: {  	v21 =	vadd.s32 @p0 v21, v22;
	v16 =	vadd.s32 @p4 $0xFFFFFFFF, v16  }
0x19b: {  	v11 =	vadd.s32 @p1 v14, v13;
	v13 =	vadd.s32 @p0 $0xFFFFFFFF, v21  }
0x19c: {  	p2 =	seq.s32 s0, $0x1  }
0x19d: {  	p3 =	por p5, p5;
	s0 =	simm.s32 @p2 $0x10000  }
0x19e: {  	vm3 =	vmmov vm3;
	v9 =	vadd.s32 @p1 $0xFFFFFFFF, v11;
	v11 =	vadd.s32 @p3 v18, v12;
	[tilespmem:v17+s0+$0x0] =	vst.idx.msk @p2 vm4, v7;
	s0 =	simm.s32 @p4 $0x10000  }
0x19f: {  	v8 =	vadd.s32 @p3 $0xFFFFFFFF, v11;
	[tilespmem:v16+s0+$0x0] =	vst.idx.msk @p4 vm7, v10;
	s0 =	simm.s32 @p0 $0x10000;
	s26 =	spop (v2sf)  }
0x1a0: {  	v63 =	vadd.s32 v1, v20;
	[tilespmem:v13+s0+$0x0] =	vst.idx.msk @p0 vm1, v6;
	p0 =	seq.s32 s26, $0x80000000  }
.Ltmp12:
0x1a1: {  	_ = 	snop;
	(pc) =	sbr.rel @p0 .LBB2_29-.Ltmp12, $4  }
0x1a2: {  	s0 =	simm.s32 @p1 $0x10000  }
0x1a3: {  	[tilespmem:v9+s0+$0x0] =	vst.idx.msk @p1 vm0, v5;
	s0 =	simm.s32 @p3 $0x10000  }
0x1a4: {  	[tilespmem:v8+s0+$0x0] =	vst.idx.msk @p3 vm3, v4  }
0x1a5: {  	s24 =	simm.s32 $0x0;
	[tilespmem:v63+s16+$0x0] =	vst.idx.msk $0xffff, v3;
	s23 =	spop (v2sf)  }
.Ltmp13:
0x1a6: {  	(pc) =	sbr.rel .LBB2_22-.Ltmp13, $3  }
0x1a7: {  	_ =	sdelay $0x1  }
0x1a8: {  	s0 =	sadd.s32 $0x8000000F, s26;
	s24 =	sxor.u32 $0x80000000, s26  }
0x1a9: {  	s29 =	simm.s32 $0x0;
	s26 =	simm.s32 $0x0;
	s25 =	sshrl.u32 s0, $0x4  }
.LBB2_23:
0x1aa: {  	v3 =	vimm.s32 $0x0;
	v4 =	vimm.f32 $0.0e+00  }
.LBB2_27:
0x1ab: {  	(xrf2) =	vadd.scan.msk.f32 $0xffff, v4;
	_ =	sdelay $0x4  }
0x1ac: {  	(xrf0) =	vadd.scan.msk.s32 $0xffff, v3;
	_ =	sdelay $0x4  }
0x1ad: {  	v3, _, _ =	vpop (xrf2)  }
0x1ae: {  	(v2sf) =	vpush v3, $0xF;
	v3, _, _ =	vpop (xrf0)  }
0x1af: {  	(v2sf) =	vpush v3, $0xF;
	_ =	sdelay $0xd  }
0x1b0: {  	s0 =	spop (v2sf)  }
0x1b1: {  	s30 =	spop (v2sf)  }
0x1b2: {  	s31 =	scvt.s32.f32 s30;
	_ =	sdelay $0x1  }
0x1b3: {  	s31 =	smul.f32 s31, s28;
	_ =	sdelay $0x1  }
0x1b4: {  	s31 =	ssub.f32 s0, s31;
	_ =	sdelay $0x1  }
0x1b5: {  	p1 =	sgt.f32 s31, $1.000000000e+00;
	_ =	sdelay $0x1  }
0x1b6: {  	p0 =	sgt.u32 s26, $0x1C;
	s24 =	smov.u32 @p1 s30;
	s30 =	smov.u32 @p1 s29  }
0x1b7: {  	p2 =	sne.s32 @!p0 s24, s30  }
0x1b8: {  	p2 =	por p0, !p2  }
.Ltmp14:
0x1b9: {  	_ = 	snop;
	(pc) =	sbr.rel @p2 .LBB2_28-.Ltmp14, $3  }
0x1ba: {  	_ =	sdelay $0x1  }
0x1bb: {  	s26 =	sadd.s32 $0x1, s26;
	s21 =	smov.u32 @p1 s28;
	s28 =	smov.u32 @p1 s22  }
0x1bc: {  	s23 =	smov.u32 @p1 s0;
	s29 =	smov.u32 s30;
	s22 =	smov.u32 s28  }
.LBB2_22:
0x1bd: {  	p0 =	seq.s32 s25, $0x0  }
.Ltmp15:
0x1be: {  	_ = 	snop;
	(pc) =	sbr.rel @p0 .LBB2_23-.Ltmp15, $3  }
0x1bf: {  	_ = 	snop  }
0x1c0: {  	s0 =	sadd.f32 s22, s21;
	_ =	sdelay $0x1  }
0x1c1: {  	s28 =	smul.f32 $5.000000000e-01, s0  }
0x1c2: {  	s0 =	simm.s32 $0x10000  }
0x1c3: {  	p0 =	sne.s32 s25, $0x1;
	v3 =	vld [tilespmem:s0+$0x0]  }
.Ltmp16:
0x1c4: {  	_ = 	snop;
	(pc) =	sbr.rel @!p0 .LBB2_26-.Ltmp16, $3  }
0x1c5: {  	_ =	sdelay $0x1  }
0x1c6: {  	v6 =	vmov s28  }
0x1c7: {  	v4 =	vimm.f32 $0.0e+00;
	v5 =	vimm.s32 $0x0;
	s30 =	sadd.s32 $0xFFFFFFFF, s25;
	s31 =	simm.s32 $0x10010;
	vm0 =	vgt.f32 v3, v6  }
.LBB2_25:
0x1c8: {  	p0 =	sne.s32 s30, $0x1;
	s30 =	sadd.s32 $0xFFFFFFFF, s30;
	v7 =	vnsel vm0, $0x0, v3;
	v3 =	vld [tilespmem:s31+$0x0];
	v8 =	vsel vm0, $0x1, v2  }
.Ltmp17:
0x1c9: {  	v4 =	vadd.f32 v7, v4;
	v5 =	vadd.s32 v8, v5;
	(pc) =	sbr.rel @p0 .LBB2_25-.Ltmp17, $2  }
0x1ca: {  	_ =	sdelay $0x2  }
0x1cb: {  	s31 =	sadd.s32 $0x10, s31;
	vm0 =	vgt.f32 v3, v6  }
.LBB2_26:
.Ltmp18:
0x1cc: {  	(pc) =	sbr.rel .LBB2_27-.Ltmp18, $4  }
0x1cd: {  	_ = 	snop  }
0x1ce: {  	v3 =	vnsel vm0, $0x0, v3  }
0x1cf: {  	v6 =	vsel vm0, $0x1, v2;
	v4 =	vadd.f32 v3, v4  }
0x1d0: {  	v3 =	vadd.s32 v6, v5  }
.LBB2_28:
0x1d1: {  	s23 =	smov.u32 @p0 s23;
	s24 =	smov.u32 @p0 s24  }
.LBB2_29:
0x1d2: {  	v3 =	vmov s24  }
0x1d3: {  	v3 =	vcvt.s32.f32 v3;
	_ =	sdelay $0x1  }
0x1d4: {  	v3 =	vbroadcast v3, $0x0;
	_ =	sdelay $0x1  }
0x1d5: {  	(erf) = vrcp.f32 v3;
	_ =	sdelay $0x5  }
0x1d6: {  	s21 =	simm.s32 $0x8040  }
0x1d7: {  	v5 =	vld [tilespmem:s21+$0x30]  }
0x1d8: {  	s0 =	sadd.f32 $-1.000000000e+00, s23;
	v7 =	vld [tilespmem:s21+$0xFFFFFFD0]  }
0x1d9: {  	v9 =	vld [tilespmem:s21+$0xFFFFFFE0];
	v3 =	vpop (erf)  }
0x1da: {  	v8 =	vld [tilespmem:s21+$0xFFFFFFF0];
	v3 =	vmul.f32 s0, v3  }
0x1db: {  	v6 =	vld [tilespmem:s21+$0x0]  }
0x1dc: {  	v4 =	vld [tilespmem:s21+$0x10];
	v11 =	vsub.f32 v5, v3  }
0x1dd: {  	v5 =	vld [tilespmem:s21+$0x20];
	v10 =	vsub.f32 v7, v3  }
0x1de: {  	s22 =	simm.s32 $0x0;
	s23 =	simm.s32 $0x80C0;
	v7 =	vld [tilespmem:s21+$0xFFFFFFC0];
	v9 =	vsub.f32 v9, v3;
	v11 =	vmax.f32 v11, $0.0e+00  }
.LBB2_30:
0x1df: {  	v12 =	vld [tilespmem:s23+$0x30];
	s22 =	sadd.s32 $0x80, s22;
	v10 =	vmax.f32 v10, $0.0e+00;
	v8 =	vsub.f32 v8, v3;
	[tilespmem:s21+$0x30] =	vst v11  }
0x1e0: {  	v11 =	vld [tilespmem:s23+$0xFFFFFFD0];
	p0 =	slt.u32 s22, $0x7F80;
	[tilespmem:s21+$0xFFFFFFD0] =	vst v10;
	v9 =	vmax.f32 v9, $0.0e+00;
	v6 =	vsub.f32 v6, v3  }
0x1e1: {  	v13 =	vld [tilespmem:s23+$0xFFFFFFE0];
	[tilespmem:s21+$0xFFFFFFE0] =	vst v9;
	v9 =	vmax.f32 v8, $0.0e+00;
	v4 =	vsub.f32 v4, v3  }
.Ltmp19:
0x1e2: {  	v8 =	vld [tilespmem:s23+$0xFFFFFFF0];
	[tilespmem:s21+$0xFFFFFFF0] =	vst v9;
	v9 =	vmax.f32 v6, $0.0e+00;
	v5 =	vsub.f32 v5, v3;
	(pc) =	sbr.rel @p0 .LBB2_30-.Ltmp19, $4  }
0x1e3: {  	v6 =	vld [tilespmem:s23+$0x0];
	v7 =	vsub.f32 v7, v3;
	[tilespmem:s21+$0x0] =	vst v9;
	v9 =	vmax.f32 v4, $0.0e+00  }
0x1e4: {  	v4 =	vld [tilespmem:s23+$0x10];
	v12 =	vsub.f32 v12, v3;
	[tilespmem:s21+$0x10] =	vst v9;
	v9 =	vmax.f32 v5, $0.0e+00  }
0x1e5: {  	v10 =	vsub.f32 v11, v3;
	v5 =	vld [tilespmem:s23+$0x20];
	v14 =	vmax.f32 v7, $0.0e+00;
	[tilespmem:s21+$0x20] =	vst v9  }
0x1e6: {  	v7 =	vld [tilespmem:s23+$0xFFFFFFC0];
	v9 =	vsub.f32 v13, v3;
	v11 =	vmax.f32 v12, $0.0e+00;
	[tilespmem:s21+$0xFFFFFFC0] =	vst v14;
	s21 =	smov.u32 s23;
	s23 =	sadd.s32 $0x80, s23  }
0x1e7: {  	v10 =	vmax.f32 v10, $0.0e+00;
	v8 =	vsub.f32 v8, v3;
	[tilespmem:s21+$0x30] =	vst v11  }
0x1e8: {  	[tilespmem:s21+$0xFFFFFFD0] =	vst v10;
	v9 =	vmax.f32 v9, $0.0e+00;
	v6 =	vsub.f32 v6, v3  }
0x1e9: {  	[tilespmem:s21+$0xFFFFFFE0] =	vst v9;
	v8 =	vmax.f32 v8, $0.0e+00;
	v4 =	vsub.f32 v4, v3  }
0x1ea: {  	[tilespmem:s21+$0xFFFFFFF0] =	vst v8;
	v6 =	vmax.f32 v6, $0.0e+00;
	v5 =	vsub.f32 v5, v3  }
0x1eb: {  	v3 =	vsub.f32 v7, v3;
	[tilespmem:s21+$0x0] =	vst v6;
	v4 =	vmax.f32 v4, $0.0e+00  }
0x1ec: {  	[tilespmem:s21+$0x10] =	vst v4;
	v4 =	vmax.f32 v5, $0.0e+00  }
0x1ed: {  	v3 =	vmax.f32 v3, $0.0e+00;
	[tilespmem:s21+$0x20] =	vst v4  }
0x1ee: {  	[tilespmem:s21+$0xFFFFFFC0] =	vst v3  }
0x1ef: {  	[hbm4b:s7+s12] =	stream.strided.scatter [tilespmem:s15], [sflag:$0x4], $0x8000, s13, s12, $0x38;
	[tilespmem:$0x18080] =	vst v63  }
0x1f0: {  	_ =	swait.ge [sflag:s14], $0x8000  }
0x1f1: {  	[sflag:s14] =	ssyncset.done $0x0  }
0x1f2: {  	[sflag:s14] =	ssyncadd.s32 $0xFFFF8000  }
0x1f3: {  	_ =	swait.ge [sflag:s19], $0x8000  }
0x1f4: {  	[sflag:s19] =	ssyncset.done $0x0  }
0x1f5: {  	s0 =	simm.s32 $0x40;
	[sflag:s19] =	ssyncadd.s32 $0xFFFF8000  }
0x1f6: {  	[tilespmem:s15], [sflag:$0x2] =	stream.strided.gather [hbm4b:s8+s12], $0x8000, s13, s12, $0x38;
	[tilespmem:$0x18080] =	vst v63  }
0x1f7: {  	v5 =	vld [tilespmem:s0+$0xFFFFFFC0]  }
0x1f8: {  	v6 =	vld [tilespmem:s0+$0xFFFFFFD0]  }
0x1f9: {  	v7 =	vld [tilespmem:s0+$0xFFFFFFE0]  }
0x1fa: {  	v3 =	vld [tilespmem:s0+$0xFFFFFFF0]  }
0x1fb: {  	v8 =	vimm.f32 $-Inf;
	v4 =	vld [tilespmem:s0+$0x0]  }
0x1fc: {  	v8 =	vmax.f32 v8, v5;
	v5 =	vld [tilespmem:s0+$0x10]  }
0x1fd: {  	v8 =	vmax.f32 v8, v6;
	v6 =	vld [tilespmem:s0+$0x20]  }
0x1fe: {  	s22 =	simm.s32 $0xC0;
	s21 =	simm.s32 $0x0;
	v8 =	vmax.f32 v8, v7;
	v7 =	vld [tilespmem:s0+$0x30]  }
.LBB2_32:
0x1ff: {  	v9 =	vld [tilespmem:s22+$0xFFFFFFC0];
	s21 =	sadd.s32 $0x80, s21;
	v3 =	vmax.f32 v8, v3  }
0x200: {  	v8 =	vld [tilespmem:s22+$0xFFFFFFD0];
	p0 =	slt.u32 s21, $0x7F80;
	v3 =	vmax.f32 v3, v4  }
0x201: {  	v10 =	vld [tilespmem:s22+$0xFFFFFFE0];
	v4 =	vmax.f32 v3, v5  }
.Ltmp20:
0x202: {  	v3 =	vld [tilespmem:s22+$0xFFFFFFF0];
	v5 =	vmax.f32 v4, v6;
	(pc) =	sbr.rel @p0 .LBB2_32-.Ltmp20, $4  }
0x203: {  	v4 =	vld [tilespmem:s22+$0x0];
	v5 =	vmax.f32 v5, v7  }
0x204: {  	v6 =	vmax.f32 v5, v9;
	v5 =	vld [tilespmem:s22+$0x10]  }
0x205: {  	v7 =	vmax.f32 v6, v8;
	v6 =	vld [tilespmem:s22+$0x20]  }
0x206: {  	v8 =	vmax.f32 v7, v10;
	v7 =	vld [tilespmem:s22+$0x30];
	s22 =	sadd.s32 $0x80, s22  }
0x207: {  	v3 =	vmax.f32 v8, v3  }
0x208: {  	v3 =	vmax.f32 v3, v4  }
0x209: {  	v3 =	vmax.f32 v3, v5  }
0x20a: {  	v3 =	vmax.f32 v3, v6  }
0x20b: {  	v3 =	vmax.f32 v3, v7  }
0x20c: {  	(xrf0) =	vmax.scan.msk.f32 $0xffff, v3;
	_ =	sdelay $0x5  }
0x20d: {  	v3, _, _ =	vpop (xrf0)  }
0x20e: {  	(v2sf) =	vpush v3, $0xF;
	_ =	sdelay $0xc  }
0x20f: {  	s0 =	simm.s32 $0x40  }
0x210: {  	v4 =	vld [tilespmem:s0+$0xFFFFFFC0]  }
0x211: {  	s22 =	spop (v2sf)  }
0x212: {  	v7 =	vld [tilespmem:s0+$0x20];
	s21 =	sadd.f32 $-1.000000000e+00, s22  }
0x213: {  	v5 =	vld [tilespmem:s0+$0xFFFFFFD0]  }
0x214: {  	v3 =	vmov s21  }
0x215: {  	vm0 =	vgt.f32 v4, v3  }
0x216: {  	v6 =	vld [tilespmem:s0+$0xFFFFFFF0];
	v8 =	vsel vm0, $0x3F800000, v0  }
0x217: {  	vm0 =	vgt.f32 v7, v3;
	(xrf0) =	vmax.scan.msk.f32 $0xffff, v8;
	v8 =	vld [tilespmem:s0+$0xFFFFFFE0]  }
0x218: {  	vm1 =	vgt.f32 v5, v3;
	v10 =	vsel vm0, $0x3F800000, v0  }
0x219: {  	v9 =	vld [tilespmem:s0+$0x10];
	v11 =	vsel vm1, $0x3F800000, v0;
	(xrf0) =	vmax.scan.msk.f32 $0xffff, v10  }
0x21a: {  	(xrf0) =	vmax.scan.msk.f32 $0xffff, v11  }
0x21b: {  	vm0 =	vgt.f32 v6, v3  }
0x21c: {  	v10 =	vsel vm0, $0x3F800000, v0;
	vm0 =	vgt.f32 v8, v3  }
0x21d: {  	(xrf0) =	vmax.scan.msk.f32 $0xffff, v10;
	v10 =	vsel vm0, $0x3F800000, v0  }
0x21e: {  	vm1 =	vgt.f32 v9, v3;
	v11, _, _ =	vpop (xrf0)  }
0x21f: {  	(v2sf) =	vpush v11, $0xF;
	v11 =	vsel vm1, $0x3F800000, v0;
	(xrf0) =	vmax.scan.msk.f32 $0xffff, v10;
	v12, _, _ =	vpop (xrf0)  }
0x220: {  	(xrf0) =	vmax.scan.msk.f32 $0xffff, v11;
	v10, _, _ =	vpop (xrf0)  }
0x221: {  	(v2sf) =	vpush v10, $0xF  }
0x222: {  	v11 =	vld [tilespmem:s0+$0x0]  }
0x223: {  	v10, _, _ =	vpop (xrf0)  }
0x224: {  	(v2sf) =	vpush v10, $0xF  }
0x225: {  	v10 =	vld [tilespmem:s0+$0x30];
	(v2sf) =	vpush v12, $0xF;
	v13, _, _ =	vpop (xrf0)  }
0x226: {  	(v2sf) =	vpush v13, $0xF;
	v12, _, _ =	vpop (xrf0)  }
0x227: {  	vm0 =	vgt.f32 v11, v3;
	(v2sf) =	vpush v12, $0xF  }
0x228: {  	v12 =	vsel vm0, $0x3F800000, v0  }
0x229: {  	(xrf0) =	vmax.scan.msk.f32 $0xffff, v12  }
0x22a: {  	vm0 =	vgt.f32 v10, v3  }
0x22b: {  	v12 =	vsel vm0, $0x3F800000, v0  }
0x22c: {  	(xrf0) =	vmax.scan.msk.f32 $0xffff, v12;
	_ =	sdelay $0x1  }
0x22d: {  	s28 =	spop (v2sf)  }
0x22e: {  	v12, _, _ =	vpop (xrf0);
	p5 =	sgt.f32 s28, $0.0e+00  }
0x22f: {  	(v2sf) =	vpush v12, $0xF;
	s29 =	spop (v2sf)  }
0x230: {  	v13 =	vimm.f32 $0.0e+00;
	vm3 =	vgt.f32 @p5 v4, v3;
	p1 =	sgt.f32 s29, $0.0e+00  }
0x231: {  	v12 =	vimm.s32 $0x0;
	v15, _, _ =	vpop (xrf0);
	v14 =	vnsel @p5 vm3, $0x0, v4;
	v16 =	vmpcnt.ones.xlane @p5 vm3  }
0x232: {  	s23 =	simm.s32 $0x0;
	(v2sf) =	vpush v15, $0xF;
	v15 =	vimm.s32 @p5 $0x0;
	s30 =	spop (v2sf);
	v14 =	vadd.f32 @p5 v14, v13;
	s24 =	simm.s32 @!p1 $0x0  }
0x233: {  	v15 =	vsel @p5 vm3, $0x1, v15;
	p0 =	sgt.f32 s30, $0.0e+00;
	s26 =	spop (v2sf);
	v16 =	vadd.s32 @p5 v12, v16;
	vm0 =	vgt.f32 @p1 v5, v3;
	s24 =	simm.s32 @p1 $0x1  }
0x234: {  	v17 =	vimm.s32 @p1 $0x0;
	v20 =	vpsel p5, v14, v13;
	v13 =	vpsel p5, v16, v12;
	s31 =	spop (v2sf);
	p1 =	por p1, p1;
	[smem:$0x7F3] =	sst s24  }
0x235: {  	(xrf0) =	vadd.scan.msk.s32 @p5 $0xffff, v15;
	v16 =	vimm.s32 @p0 $0x0;
	v15 =	vmpcnt.ones.xlane @p1 vm0;
	v18 =	vnsel @p1 vm0, $0x0, v5;
	p2 =	sgt.f32 s31, $0.0e+00;
	s24 =	simm.s32 $0xC0;
	s25 =	spop (v2sf)  }
.LBB2_34:
0x236: {  	_ =	sdelay $0x2  }
0x237: {  	v14 =	vld [tilespmem:s24+$0xFFFFFFC0]  }
0x238: {  	v17 =	vsel @p1 vm0, $0x1, v17;
	v21 =	vadd.f32 @p1 v18, v20;
	vm2 =	vgt.f32 @p0 v6, v3  }
0x239: {  	vm1 =	vmmov vm3;
	v18 =	vld [tilespmem:s24+$0x10];
	p6 =	sgt.f32 s26, $0.0e+00;
	vm4 =	vgt.f32 @p2 v8, v3;
	v23 =	vmpcnt.ones.xlane @p0 vm2  }
0x23a: {  	v24 =	vnsel @p0 vm2, $0x0, v6;
	v16 =	vsel @p0 vm2, $0x1, v16;
	v27 =	vadd.s32 @p1 v13, v15;
	v15 =	vld [tilespmem:s24+$0xFFFFFFD0];
	v19, _, _ =	vpop @p5 (xrf0);
	(xrf0) =	vadd.scan.msk.s32 @p1 $0xffff, v17  }
0x23b: {  	s23 =	sadd.s32 $0x80, s23;
	p3 =	por p5, p5;
	v22 =	vpsel p1, v21, v20;
	vm5 =	vgt.f32 @p6 v7, v3;
	v20 =	vimm.s32 @p6 $0x0;
	v17 =	vld [tilespmem:s24+$0x20];
	(xrf0) =	vadd.scan.msk.s32 @p0 $0xffff, v16  }
0x23c: {  	s30 =	sld [smem:$0x7F3];
	s0 =	simm.s32 @!p3 $0x0;
	v26 =	vimm.s32 @p2 $0x0;
	v20 =	vsel @p6 vm5, $0x1, v20;
	vm3 =	vgt.f32 v14, v3;
	v16 =	vld [tilespmem:s24+$0xFFFFFFF0];
	s28 =	spop (v2sf)  }
0x23d: {  	s0 =	simm.s32 @p3 $0x1;
	p3 =	slt.u32 s23, $0x7F80;
	v25 =	vnsel @p2 vm4, $0x0, v8;
	v27 =	vpsel p1, v27, v13;
	v33 =	vsel vm3, $0x3F800000, v0;
	(xrf0) =	vadd.scan.msk.s32 @p6 $0xffff, v20;
	v20 =	vld [tilespmem:s24+$0xFFFFFFE0];
	p5 =	sgt.f32 s28, $0.0e+00  }
0x23e: {  	v31 =	vmpcnt.ones.xlane @p2 vm4;
	[smem:$0x7F1] =	sst s0;
	s0 =	simm.s32 @!p3 $0x0;
	v25 =	vadd.f32 @p2 v25, v22;
	vm3 =	vgt.f32 v18, v3;
	(xrf0) =	vmax.scan.msk.f32 $0xffff, v33  }
0x23f: {  	s0 =	simm.s32 @p3 $0x1;
	p3 =	seq.s32 s30, $0x1;
	v32 =	vsel vm3, $0x3F800000, v0;
	v29 =	vimm.s32 @p5 $0x0;
	vm3 =	vgt.f32 @p5 v11, v3  }
0x240: {  	v31 =	vadd.s32 @p2 v27, v31;
	vm8 =	vgt.f32 v17, v3;
	v30, _, _ =	vpop @p3 (xrf0);
	v29 =	vsel @p5 vm3, $0x1, v29  }
0x241: {  	v21 =	vld [tilespmem:s24+$0x0];
	v25 =	vpsel p2, v25, v22;
	vm9 =	vgt.f32 v15, v3;
	v37 =	vsel vm8, $0x3F800000, v0;
	v34, _, _ =	vpop @p0 (xrf0);
	(xrf0) =	vadd.scan.msk.s32 @p5 $0xffff, v29  }
0x242: {  	v22 =	vld [tilespmem:s24+$0x30];
	v39 =	vsel vm9, $0x3F800000, v0;
	vm7 =	vgt.f32 v16, v3;
	p3 =	sgt.f32 s25, $0.0e+00;
	vm14 =	vgt.f32 v20, v3;
	(xrf0) =	vmax.scan.msk.f32 $0xffff, v37  }
0x243: {  	v24 =	vadd.f32 @p0 v24, v25;
	v36 =	vsel vm7, $0x3F800000, v0;
	v35, _, _ =	vpop @p6 (xrf0);
	v55 =	vsel vm14, $0x3F800000, v0;
	(xrf0) =	vmax.scan.msk.f32 $0xffff, v39  }
0x244: {  	vm7 =	vgt.f32 @p3 v9, v3;
	v56, _, _ =	vpop (xrf0);
	v33 =	vnsel @p5 vm3, $0x0, v11;
	(xrf0) =	vmax.scan.msk.f32 $0xffff, v36;
	v36 =	vimm.s32 @p3 $0x0  }
0x245: {  	v26 =	vsel @p2 vm4, $0x1, v26;
	v31 =	vpsel p2, v31, v27;
	(xrf0) =	vmax.scan.msk.f32 $0xffff, v55;
	v29 =	vsel @p3 vm7, $0x1, v36  }
0x246: {  	v23 =	vadd.s32 @p0 v31, v23;
	vm6 =	vgt.f32 v21, v3;
	v24 =	vpsel p0, v24, v25;
	s29 =	spop (v2sf);
	(xrf0) =	vadd.scan.msk.s32 @p3 $0xffff, v29  }
0x247: {  	v23 =	vpsel p0, v23, v31;
	vm15 =	vgt.f32 v22, v3;
	p4 =	sgt.f32 s29, $0.0e+00;
	v29 =	vadd.f32 @p5 v33, v24;
	v33, _, _ =	vpop @p5 (xrf0)  }
0x248: {  	v38 =	vsel vm6, $0x3F800000, v0;
	v59 =	vsel vm15, $0x3F800000, v0;
	(v2sf) =	vpush v56, $0xF;
	(xrf0) =	vmax.scan.msk.f32 $0xffff, v32;
	v57, _, _ =	vpop (xrf0)  }
0x249: {  	v25 =	vnsel @p3 vm7, $0x0, v9;
	vm6 =	vgt.f32 @p4 v10, v3;
	(xrf0) =	vmax.scan.msk.f32 $0xffff, v38;
	v24 =	vpsel p5, v29, v24;
	v58, _, _ =	vpop (xrf0)  }
0x24a: {  	v29 =	vimm.s32 @p4 $0x0;
	v33 =	vadd.s32 @p5 v33, v23;
	(xrf0) =	vadd.scan.msk.s32 @p2 $0xffff, v26;
	(v2sf) =	vpush v58, $0xF;
	v60, _, _ =	vpop (xrf0)  }
0x24b: {  	v29 =	vsel @p4 vm6, $0x1, v29;
	v26 =	vmpcnt.ones.xlane @p5 vm3;
	v40, _, _ =	vpop (xrf0);
	(v2sf) =	vpush v60, $0xF;
	(xrf0) =	vmax.scan.msk.f32 $0xffff, v59  }
0x24c: {  	v25 =	vadd.f32 @p3 v25, v24;
	v33 =	vadd.s32 @p5 $0xFFFFFFFF, v33;
	v37, _, _ =	vpop @p3 (xrf0);
	(xrf0) =	vadd.scan.msk.s32 @p4 $0xffff, v29  }
0x24d: {  	v28 =	vnsel @p6 vm5, $0x0, v7;
	v36 =	vmpcnt.ones.xlane @p3 vm7;
	v26 =	vadd.s32 @p5 v23, v26  }
0x24e: {  	v32 =	vmpcnt.ones.xlane @p6 vm5;
	v24 =	vpsel p3, v25, v24;
	v23 =	vpsel p5, v26, v23;
	v61, _, _ =	vpop (xrf0)  }
0x24f: {  	(v2sf) =	vpush v57, $0xF;
	v25 =	vadd.s32 @p3 v37, v23;
	v36 =	vadd.s32 @p3 v23, v36;
	v62, _, _ =	vpop (xrf0)  }
0x250: {  	[smem:$0x7F2] =	sst s0;
	s0 =	simm.s32 @p5 $0x10000;
	(v2sf) =	vpush v40, $0xF;
	v25 =	vadd.s32 @p3 $0xFFFFFFFF, v25;
	v23 =	vpsel p3, v36, v23;
	v29, _, _ =	vpop @p2 (xrf0)  }
0x251: {  	v28 =	vadd.f32 @p6 v28, v24;
	(v2sf) =	vpush v61, $0xF;
	[tilespmem:v33+s0+$0x0] =	vst.idx.msk @p5 vm3, v11;
	v32 =	vadd.s32 @p6 v23, v32;
	v63, _, _ =	vpop (xrf0)  }
0x252: {  	s26 =	sld [smem:$0x7F1];
	v27 =	vadd.s32 @p2 v29, v27;
	v29 =	vadd.s32 @p6 v35, v23;
	v23 =	vpsel p6, v32, v23;
	v11, _, _ =	vpop @p4 (xrf0)  }
0x253: {  	v39 =	vnsel @p4 vm6, $0x0, v10;
	v24 =	vpsel p6, v28, v24;
	v28 =	vadd.s32 @p4 v11, v23  }
0x254: {  	v13 =	vadd.s32 @p1 v30, v13;
	s25 =	simm.s32 @p3 $0x10000;
	v11 =	vmovc v21;
	v21 =	vadd.s32 @p4 $0xFFFFFFFF, v28;
	v28 =	vadd.f32 @p4 v39, v24  }
0x255: {  	v26 =	vadd.s32 @p0 v34, v31;
	v27 =	vadd.s32 @p2 $0xFFFFFFFF, v27;
	[tilespmem:v25+s25+$0x0] =	vst.idx.msk @p3 vm7, v9;
	v25 =	vadd.s32 @p1 $0xFFFFFFFF, v13;
	p3 =	seq.s32 s26, $0x1  }
0x256: {  	v13 =	vadd.s32 @p0 $0xFFFFFFFF, v26;
	v24 =	vpsel p4, v28, v24;
	v28 =	vadd.s32 @p3 v19, v12  }
0x257: {  	s31 =	spop (v2sf);
	v26 =	vadd.s32 @p3 $0xFFFFFFFF, v28  }
0x258: {  	p5 =	sgt.f32 s31, $0.0e+00;
	v29 =	vadd.s32 @p6 $0xFFFFFFFF, v29  }
0x259: {  	s0 =	simm.s32 @p2 $0x10000;
	s31 =	sld [smem:$0x7F2];
	s28 =	spop (v2sf)  }
0x25a: {  	v38 =	vmpcnt.ones.xlane @p4 vm6;
	s25 =	simm.s32 @p0 $0x10000;
	[tilespmem:v27+s0+$0x0] =	vst.idx.msk @p2 vm4, v8;
	s29 =	spop (v2sf)  }
0x25b: {  	(v2sf) =	vpush v62, $0xF;
	vm3 =	vgt.f32 @p5 v14, v3;
	[tilespmem:v13+s25+$0x0] =	vst.idx.msk @p0 vm2, v6;
	p0 =	sgt.f32 s29, $0.0e+00;
	s29 =	simm.s32 @p3 $0x10000  }
0x25c: {  	v32 =	vadd.s32 @p4 v23, v38;
	v9 =	vmovc v18;
	v18 =	vimm.s32 @p5 $0x0;
	s0 =	simm.s32 @p6 $0x10000;
	v19 =	vnsel @p5 vm3, $0x0, v14;
	[tilespmem:v26+s29+$0x0] =	vst.idx.msk @p3 vm1, v4;
	p3 =	seq.s32 s31, $0x1  }
.Ltmp21:
0x25d: {  	v18 =	vsel @p5 vm3, $0x1, v18;
	[tilespmem:v29+s0+$0x0] =	vst.idx.msk @p6 vm5, v7;
	v7 =	vmovc v17;
	v17 =	vmpcnt.ones.xlane @p5 vm3;
	v19 =	vadd.f32 @p5 v19, v24;
	p2 =	sgt.f32 s28, $0.0e+00;
	(pc) =	sbr.rel @p3 .LBB2_34-.Ltmp21, $4  }
0x25e: {  	(v2sf) =	vpush v63, $0xF;
	v23 =	vpsel p4, v32, v23;
	(xrf0) =	vadd.scan.msk.s32 @p5 $0xffff, v18;
	s0 =	simm.s32 @p4 $0x10000;
	s26 =	spop (v2sf)  }
0x25f: {  	v8 =	vmovc v20;
	v12 =	vmovc v23;
	v6 =	vmov v16;
	v17 =	vadd.s32 @p5 v23, v17;
	v20 =	vpsel p5, v19, v24;
	s28 =	simm.s32 @p1 $0x10000;
	s30 =	spop (v2sf);
	s25 =	simm.s32 @!p2 $0x0  }
0x260: {  	v13 =	vpsel p5, v17, v23;
	[tilespmem:v25+s28+$0x0] =	vst.idx.msk @p1 vm0, v5;
	v5 =	vmovc v15;
	v17 =	vimm.s32 @p2 $0x0;
	vm0 =	vgt.f32 @p2 v15, v3;
	p1 =	por p2, p2;
	s25 =	simm.s32 @p2 $0x1;
	p2 =	sgt.f32 s30, $0.0e+00  }
0x261: {  	s24 =	sadd.s32 $0x80, s24;
	[tilespmem:v21+s0+$0x0] =	vst.idx.msk @p4 vm6, v10;
	v10 =	vmovc v22;
	v4 =	vmovc v14;
	v15 =	vmpcnt.ones.xlane @p1 vm0;
	v18 =	vnsel @p1 vm0, $0x0, v5;
	v16 =	vimm.s32 @p0 $0x0;
	[smem:$0x7F3] =	sst s25;
	s25 =	spop (v2sf)  }
0x262: {  	_ =	sdelay $0x3  }
0x263: {  	v14 =	vadd.f32 @p1 v18, v20  }
0x264: {  	vm2 =	vgt.f32 @p2 v8, v3  }
0x265: {  	v18 =	vnsel @p2 vm2, $0x0, v8;
	v14 =	vpsel p1, v14, v20  }
0x266: {  	p3 =	sgt.f32 s26, $0.0e+00;
	v18 =	vadd.f32 @p2 v18, v14  }
0x267: {  	vm1 =	vgt.f32 @p0 v6, v3;
	s28 =	spop (v2sf)  }
0x268: {  	v17 =	vsel @p1 vm0, $0x1, v17;
	v20 =	vnsel @p0 vm1, $0x0, v6;
	s0 =	simm.s32 @!p3 $0x0;
	v14 =	vpsel p2, v18, v14;
	p4 =	sgt.f32 s28, $0.0e+00  }
0x269: {  	v19 =	vmpcnt.ones.xlane @p0 vm1;
	v15 =	vadd.s32 @p1 v13, v15;
	s0 =	simm.s32 @p3 $0x1;
	v20 =	vadd.f32 @p0 v20, v14  }
0x26a: {  	p6 =	sgt.f32 s25, $0.0e+00;
	v22 =	vmpcnt.ones.xlane @p2 vm2;
	vm4 =	vgt.f32 @p3 v7, v3;
	[smem:$0x7F0] =	sst s0;
	s0 =	simm.s32 @!p4 $0x0;
	vm5 =	vgt.f32 @p4 v11, v3  }
0x26b: {  	v15 =	vpsel p1, v15, v13;
	v14 =	vpsel p0, v20, v14;
	s0 =	simm.s32 @p4 $0x1;
	v23 =	vnsel @p4 vm5, $0x0, v11  }
0x26c: {  	vm6 =	vgt.f32 @p6 v9, v3;
	v22 =	vadd.s32 @p2 v15, v22;
	[smem:$0x7EF] =	sst s0;
	v23 =	vadd.f32 @p4 v23, v14  }
0x26d: {  	v25 =	vnsel @p6 vm6, $0x0, v9;
	v22 =	vpsel p2, v22, v15;
	v18 =	vimm.s32 @p3 $0x0;
	s30 =	sld [smem:$0x7EF]  }
0x26e: {  	v19 =	vadd.s32 @p0 v22, v19;
	s31 =	sld [smem:$0x7F0];
	v14 =	vpsel p4, v23, v14;
	v23 =	vmpcnt.ones.xlane @p4 vm5  }
0x26f: {  	v18 =	vsel @p3 vm4, $0x1, v18;
	v19 =	vpsel p0, v19, v22;
	v25 =	vadd.f32 @p6 v25, v14  }
0x270: {  	v20 =	vnsel @p3 vm4, $0x0, v7;
	v24 =	vimm.s32 @p4 $0x0;
	s29 =	spop (v2sf);
	v23 =	vadd.s32 @p4 v19, v23;
	p3 =	seq.s32 s30, $0x1  }
0x271: {  	v24 =	vsel @p4 vm5, $0x1, v24;
	s23 =	sld [smem:$0x7EF];
	p4 =	sgt.f32 s29, $0.0e+00;
	v14 =	vpsel p6, v25, v14;
	v23 =	vpsel p3, v23, v19;
	p3 =	seq.s32 s31, $0x1  }
0x272: {  	v16 =	vsel @p0 vm1, $0x1, v16;
	(xrf0) =	vadd.scan.msk.s32 @p1 $0xffff, v17;
	v27 =	vmpcnt.ones.xlane @p6 vm6;
	s24 =	sld [smem:$0x7F0];
	v20 =	vadd.f32 @p3 v20, v14  }
0x273: {  	v21 =	vimm.s32 @p2 $0x0;
	(xrf0) =	vadd.scan.msk.s32 @p0 $0xffff, v16;
	v16 =	vmpcnt.ones.xlane @p3 vm4;
	vm7 =	vgt.f32 @p4 v10, v3  }
0x274: {  	v25 =	vadd.s32 @p6 v23, v27;
	(xrf0) =	vadd.scan.msk.s32 @p3 $0xffff, v18;
	v18 =	vnsel @p4 vm7, $0x0, v10;
	v14 =	vpsel p3, v20, v14;
	p3 =	seq.s32 s23, $0x1  }
0x275: {  	v26 =	vimm.s32 @p6 $0x0;
	v25 =	vpsel p6, v25, v23;
	(xrf0) =	vadd.scan.msk.s32 @p3 $0xffff, v24;
	p3 =	seq.s32 s24, $0x1;
	v18 =	vadd.f32 @p4 v18, v14  }
0x276: {  	s25 =	sld [smem:$0x7F3];
	v17 =	vsel @p6 vm6, $0x1, v26;
	v20 =	vmpcnt.ones.xlane @p4 vm7;
	v16 =	vadd.s32 @p3 v25, v16  }
0x277: {  	v21 =	vsel @p2 vm2, $0x1, v21;
	(xrf0) =	vadd.scan.msk.s32 @p6 $0xffff, v17;
	v16 =	vpsel p3, v16, v25;
	v14 =	vpsel p4, v18, v14  }
0x278: {  	s26 =	sld [smem:$0x7F0];
	v17 =	vimm.s32 @p4 $0x0;
	(xrf0) =	vadd.scan.msk.s32 @p2 $0xffff, v21;
	v20 =	vadd.s32 @p4 v16, v20  }
0x279: {  	s28 =	sld [smem:$0x7EF];
	v17 =	vsel @p4 vm7, $0x1, v17;
	p3 =	seq.s32 s25, $0x1;
	(xrf2) =	vadd.scan.msk.f32 $0xffff, v14;
	v18, _, _ =	vpop @p5 (xrf0);
	v20 =	vpsel p4, v20, v16  }
0x27a: {  	(xrf0) =	vadd.scan.msk.s32 @p4 $0xffff, v17;
	v14, _, _ =	vpop @p3 (xrf0);
	v61 =	vxor.u32 $0x80000000, v20  }
0x27b: {  	p3 =	seq.s32 s26, $0x1;
	v21, _, _ =	vpop @p0 (xrf0);
	(xrf0) =	vmax.scan.msk.u32 $0xffff, v61  }
0x27c: {  	v17, _, _ =	vpop @p3 (xrf0);
	p3 =	seq.s32 s28, $0x1  }
0x27d: {  	v24, _, _ =	vpop @p3 (xrf0)  }
0x27e: {  	v26, _, _ =	vpop @p6 (xrf0)  }
0x27f: {  	v27, _, _ =	vpop @p2 (xrf0)  }
0x280: {  	v28, _, _ =	vpop @p4 (xrf0)  }
0x281: {  	s29 =	sld [smem:$0x7F0];
	v29, _, _ =	vpop (xrf0)  }
0x282: {  	s30 =	sld [smem:$0x7F0];
	v19 =	vadd.s32 @p3 v24, v19;
	(v2sf) =	vpush v29, $0xF  }
0x283: {  	s31 =	sld [smem:$0x7EF];
	v19 =	vadd.s32 @p3 $0xFFFFFFFF, v19;
	v23 =	vadd.s32 @p6 v26, v23  }
0x284: {  	p3 =	seq.s32 s29, $0x1;
	v15 =	vadd.s32 @p2 v27, v15;
	v23 =	vadd.s32 @p6 $0xFFFFFFFF, v23  }
0x285: {  	v17 =	vadd.s32 @p3 v17, v25;
	p3 =	seq.s32 s30, $0x1;
	v15 =	vadd.s32 @p2 $0xFFFFFFFF, v15  }
0x286: {  	v17 =	vadd.s32 @p3 $0xFFFFFFFF, v17;
	p3 =	seq.s32 s31, $0x1  }
0x287: {  	v62, _, _ =	vpop (xrf2);
	s0 =	simm.s32 @p3 $0x10000  }
0x288: {  	(v2sf) =	vpush v62, $0xF;
	[tilespmem:v19+s0+$0x0] =	vst.idx.msk @p3 vm5, v11;
	s0 =	simm.s32 @p6 $0x10000  }
0x289: {  	[tilespmem:v23+s0+$0x0] =	vst.idx.msk @p6 vm6, v9;
	s0 =	simm.s32 @p2 $0x10000  }
0x28a: {  	[tilespmem:v15+s0+$0x0] =	vst.idx.msk @p2 vm2, v8  }
0x28b: {  	v16 =	vadd.s32 @p4 v28, v16;
	s0 =	sld [smem:$0x7F0]  }
0x28c: {  	v21 =	vadd.s32 @p0 v21, v22;
	v16 =	vadd.s32 @p4 $0xFFFFFFFF, v16  }
0x28d: {  	v11 =	vadd.s32 @p1 v14, v13;
	v13 =	vadd.s32 @p0 $0xFFFFFFFF, v21  }
0x28e: {  	p2 =	seq.s32 s0, $0x1  }
0x28f: {  	p3 =	por p5, p5;
	s0 =	simm.s32 @p2 $0x10000  }
0x290: {  	vm3 =	vmmov vm3;
	v9 =	vadd.s32 @p1 $0xFFFFFFFF, v11;
	v11 =	vadd.s32 @p3 v18, v12;
	[tilespmem:v17+s0+$0x0] =	vst.idx.msk @p2 vm4, v7;
	s0 =	simm.s32 @p4 $0x10000  }
0x291: {  	v8 =	vadd.s32 @p3 $0xFFFFFFFF, v11;
	[tilespmem:v16+s0+$0x0] =	vst.idx.msk @p4 vm7, v10;
	s0 =	simm.s32 @p0 $0x10000;
	s26 =	spop (v2sf)  }
0x292: {  	v63 =	vadd.s32 v1, v20;
	[tilespmem:v13+s0+$0x0] =	vst.idx.msk @p0 vm1, v6;
	p0 =	seq.s32 s26, $0x80000000  }
.Ltmp22:
0x293: {  	_ = 	snop;
	(pc) =	sbr.rel @p0 .LBB2_44-.Ltmp22, $4  }
0x294: {  	s0 =	simm.s32 @p1 $0x10000  }
0x295: {  	[tilespmem:v9+s0+$0x0] =	vst.idx.msk @p1 vm0, v5;
	s0 =	simm.s32 @p3 $0x10000  }
0x296: {  	[tilespmem:v8+s0+$0x0] =	vst.idx.msk @p3 vm3, v4  }
0x297: {  	s24 =	simm.s32 $0x0;
	[tilespmem:v63+s16+$0x0] =	vst.idx.msk $0xffff, v3;
	s23 =	spop (v2sf)  }
.Ltmp23:
0x298: {  	(pc) =	sbr.rel .LBB2_37-.Ltmp23, $3  }
0x299: {  	_ =	sdelay $0x1  }
0x29a: {  	s0 =	sadd.s32 $0x8000000F, s26;
	s24 =	sxor.u32 $0x80000000, s26  }
0x29b: {  	s29 =	simm.s32 $0x0;
	s26 =	simm.s32 $0x0;
	s25 =	sshrl.u32 s0, $0x4  }
.LBB2_38:
0x29c: {  	v3 =	vimm.s32 $0x0;
	v4 =	vimm.f32 $0.0e+00  }
.LBB2_42:
0x29d: {  	(xrf2) =	vadd.scan.msk.f32 $0xffff, v4;
	_ =	sdelay $0x4  }
0x29e: {  	(xrf0) =	vadd.scan.msk.s32 $0xffff, v3;
	_ =	sdelay $0x4  }
0x29f: {  	v3, _, _ =	vpop (xrf2)  }
0x2a0: {  	(v2sf) =	vpush v3, $0xF;
	v3, _, _ =	vpop (xrf0)  }
0x2a1: {  	(v2sf) =	vpush v3, $0xF;
	_ =	sdelay $0xd  }
0x2a2: {  	s0 =	spop (v2sf)  }
0x2a3: {  	s30 =	spop (v2sf)  }
0x2a4: {  	s31 =	scvt.s32.f32 s30;
	_ =	sdelay $0x1  }
0x2a5: {  	s31 =	smul.f32 s31, s28;
	_ =	sdelay $0x1  }
0x2a6: {  	s31 =	ssub.f32 s0, s31;
	_ =	sdelay $0x1  }
0x2a7: {  	p1 =	sgt.f32 s31, $1.000000000e+00;
	_ =	sdelay $0x1  }
0x2a8: {  	p0 =	sgt.u32 s26, $0x1C;
	s24 =	smov.u32 @p1 s30;
	s30 =	smov.u32 @p1 s29  }
0x2a9: {  	p2 =	sne.s32 @!p0 s24, s30  }
0x2aa: {  	p2 =	por p0, !p2  }
.Ltmp24:
0x2ab: {  	_ = 	snop;
	(pc) =	sbr.rel @p2 .LBB2_43-.Ltmp24, $3  }
0x2ac: {  	_ =	sdelay $0x1  }
0x2ad: {  	s26 =	sadd.s32 $0x1, s26;
	s21 =	smov.u32 @p1 s28;
	s28 =	smov.u32 @p1 s22  }
0x2ae: {  	s23 =	smov.u32 @p1 s0;
	s29 =	smov.u32 s30;
	s22 =	smov.u32 s28  }
.LBB2_37:
0x2af: {  	p0 =	seq.s32 s25, $0x0  }
.Ltmp25:
0x2b0: {  	_ = 	snop;
	(pc) =	sbr.rel @p0 .LBB2_38-.Ltmp25, $3  }
0x2b1: {  	_ = 	snop  }
0x2b2: {  	s0 =	sadd.f32 s22, s21;
	_ =	sdelay $0x1  }
0x2b3: {  	s28 =	smul.f32 $5.000000000e-01, s0  }
0x2b4: {  	s0 =	simm.s32 $0x10000  }
0x2b5: {  	p0 =	sne.s32 s25, $0x1;
	v3 =	vld [tilespmem:s0+$0x0]  }
.Ltmp26:
0x2b6: {  	_ = 	snop;
	(pc) =	sbr.rel @!p0 .LBB2_41-.Ltmp26, $3  }
0x2b7: {  	_ =	sdelay $0x1  }
0x2b8: {  	v6 =	vmov s28  }
0x2b9: {  	v4 =	vimm.f32 $0.0e+00;
	v5 =	vimm.s32 $0x0;
	s30 =	sadd.s32 $0xFFFFFFFF, s25;
	s31 =	simm.s32 $0x10010;
	vm0 =	vgt.f32 v3, v6  }
.LBB2_40:
0x2ba: {  	p0 =	sne.s32 s30, $0x1;
	s30 =	sadd.s32 $0xFFFFFFFF, s30;
	v7 =	vnsel vm0, $0x0, v3;
	v3 =	vld [tilespmem:s31+$0x0];
	v8 =	vsel vm0, $0x1, v2  }
.Ltmp27:
0x2bb: {  	v4 =	vadd.f32 v7, v4;
	v5 =	vadd.s32 v8, v5;
	(pc) =	sbr.rel @p0 .LBB2_40-.Ltmp27, $2  }
0x2bc: {  	_ =	sdelay $0x2  }
0x2bd: {  	s31 =	sadd.s32 $0x10, s31;
	vm0 =	vgt.f32 v3, v6  }
.LBB2_41:
.Ltmp28:
0x2be: {  	(pc) =	sbr.rel .LBB2_42-.Ltmp28, $4  }
0x2bf: {  	_ = 	snop  }
0x2c0: {  	v3 =	vnsel vm0, $0x0, v3  }
0x2c1: {  	v6 =	vsel vm0, $0x1, v2;
	v4 =	vadd.f32 v3, v4  }
0x2c2: {  	v3 =	vadd.s32 v6, v5  }
.LBB2_43:
0x2c3: {  	s23 =	smov.u32 @p0 s23;
	s24 =	smov.u32 @p0 s24  }
.LBB2_44:
0x2c4: {  	v3 =	vmov s24  }
0x2c5: {  	v3 =	vcvt.s32.f32 v3;
	_ =	sdelay $0x1  }
0x2c6: {  	v3 =	vbroadcast v3, $0x0;
	_ =	sdelay $0x1  }
0x2c7: {  	(erf) = vrcp.f32 v3;
	_ =	sdelay $0x5  }
0x2c8: {  	s21 =	simm.s32 $0x40  }
0x2c9: {  	v5 =	vld [tilespmem:s21+$0x30]  }
0x2ca: {  	s0 =	sadd.f32 $-1.000000000e+00, s23;
	v7 =	vld [tilespmem:s21+$0xFFFFFFD0]  }
0x2cb: {  	v9 =	vld [tilespmem:s21+$0xFFFFFFE0];
	v3 =	vpop (erf)  }
0x2cc: {  	v8 =	vld [tilespmem:s21+$0xFFFFFFF0];
	v3 =	vmul.f32 s0, v3  }
0x2cd: {  	v6 =	vld [tilespmem:s21+$0x0]  }
0x2ce: {  	v4 =	vld [tilespmem:s21+$0x10];
	v11 =	vsub.f32 v5, v3  }
0x2cf: {  	v5 =	vld [tilespmem:s21+$0x20];
	v10 =	vsub.f32 v7, v3  }
0x2d0: {  	s22 =	simm.s32 $0x0;
	s23 =	simm.s32 $0xC0;
	v7 =	vld [tilespmem:s21+$0xFFFFFFC0];
	v9 =	vsub.f32 v9, v3;
	v11 =	vmax.f32 v11, $0.0e+00  }
.LBB2_45:
0x2d1: {  	v12 =	vld [tilespmem:s23+$0x30];
	s22 =	sadd.s32 $0x80, s22;
	v10 =	vmax.f32 v10, $0.0e+00;
	v8 =	vsub.f32 v8, v3;
	[tilespmem:s21+$0x30] =	vst v11  }
0x2d2: {  	v11 =	vld [tilespmem:s23+$0xFFFFFFD0];
	p0 =	slt.u32 s22, $0x7F80;
	[tilespmem:s21+$0xFFFFFFD0] =	vst v10;
	v9 =	vmax.f32 v9, $0.0e+00;
	v6 =	vsub.f32 v6, v3  }
0x2d3: {  	v13 =	vld [tilespmem:s23+$0xFFFFFFE0];
	[tilespmem:s21+$0xFFFFFFE0] =	vst v9;
	v9 =	vmax.f32 v8, $0.0e+00;
	v4 =	vsub.f32 v4, v3  }
.Ltmp29:
0x2d4: {  	v8 =	vld [tilespmem:s23+$0xFFFFFFF0];
	[tilespmem:s21+$0xFFFFFFF0] =	vst v9;
	v9 =	vmax.f32 v6, $0.0e+00;
	v5 =	vsub.f32 v5, v3;
	(pc) =	sbr.rel @p0 .LBB2_45-.Ltmp29, $4  }
0x2d5: {  	v6 =	vld [tilespmem:s23+$0x0];
	v7 =	vsub.f32 v7, v3;
	[tilespmem:s21+$0x0] =	vst v9;
	v9 =	vmax.f32 v4, $0.0e+00  }
0x2d6: {  	v4 =	vld [tilespmem:s23+$0x10];
	v12 =	vsub.f32 v12, v3;
	[tilespmem:s21+$0x10] =	vst v9;
	v9 =	vmax.f32 v5, $0.0e+00  }
0x2d7: {  	v10 =	vsub.f32 v11, v3;
	v5 =	vld [tilespmem:s23+$0x20];
	v14 =	vmax.f32 v7, $0.0e+00;
	[tilespmem:s21+$0x20] =	vst v9  }
0x2d8: {  	v7 =	vld [tilespmem:s23+$0xFFFFFFC0];
	v9 =	vsub.f32 v13, v3;
	v11 =	vmax.f32 v12, $0.0e+00;
	[tilespmem:s21+$0xFFFFFFC0] =	vst v14;
	s21 =	smov.u32 s23;
	s23 =	sadd.s32 $0x80, s23  }
0x2d9: {  	v10 =	vmax.f32 v10, $0.0e+00;
	v8 =	vsub.f32 v8, v3;
	[tilespmem:s21+$0x30] =	vst v11  }
0x2da: {  	[tilespmem:s21+$0xFFFFFFD0] =	vst v10;
	v9 =	vmax.f32 v9, $0.0e+00;
	v6 =	vsub.f32 v6, v3  }
0x2db: {  	[tilespmem:s21+$0xFFFFFFE0] =	vst v9;
	v8 =	vmax.f32 v8, $0.0e+00;
	v4 =	vsub.f32 v4, v3  }
0x2dc: {  	[tilespmem:s21+$0xFFFFFFF0] =	vst v8;
	v6 =	vmax.f32 v6, $0.0e+00;
	v5 =	vsub.f32 v5, v3  }
0x2dd: {  	v3 =	vsub.f32 v7, v3;
	[tilespmem:s21+$0x0] =	vst v6;
	v4 =	vmax.f32 v4, $0.0e+00  }
0x2de: {  	[tilespmem:s21+$0x10] =	vst v4;
	v4 =	vmax.f32 v5, $0.0e+00  }
0x2df: {  	v3 =	vmax.f32 v3, $0.0e+00;
	[tilespmem:s21+$0x20] =	vst v4  }
0x2e0: {  	[tilespmem:s21+$0xFFFFFFC0] =	vst v3  }
0x2e1: {  	[hbm4b:s9+s12] =	stream.strided.scatter [tilespmem:s2], [sflag:$0x3], $0x8000, s13, s12, $0x38;
	[tilespmem:$0x18080] =	vst v63  }
0x2e2: {  	_ =	swait.ge [sflag:s17], $0x8000  }
0x2e3: {  	[sflag:s17] =	ssyncset.done $0x0  }
0x2e4: {  	s0 =	simm.s32 $0x8040;
	[sflag:s17] =	ssyncadd.s32 $0xFFFF8000  }
0x2e5: {  	v5 =	vld [tilespmem:s0+$0xFFFFFFC0]  }
0x2e6: {  	v6 =	vld [tilespmem:s0+$0xFFFFFFD0]  }
0x2e7: {  	v7 =	vld [tilespmem:s0+$0xFFFFFFE0]  }
0x2e8: {  	v3 =	vld [tilespmem:s0+$0xFFFFFFF0]  }
0x2e9: {  	v8 =	vimm.f32 $-Inf;
	v4 =	vld [tilespmem:s0+$0x0]  }
0x2ea: {  	v8 =	vmax.f32 v8, v5;
	v5 =	vld [tilespmem:s0+$0x10]  }
0x2eb: {  	v8 =	vmax.f32 v8, v6;
	v6 =	vld [tilespmem:s0+$0x20]  }
0x2ec: {  	s22 =	simm.s32 $0x80C0;
	s21 =	simm.s32 $0x0;
	v8 =	vmax.f32 v8, v7;
	v7 =	vld [tilespmem:s0+$0x30]  }
.LBB2_47:
0x2ed: {  	v9 =	vld [tilespmem:s22+$0xFFFFFFC0];
	s21 =	sadd.s32 $0x80, s21;
	v3 =	vmax.f32 v8, v3  }
0x2ee: {  	v8 =	vld [tilespmem:s22+$0xFFFFFFD0];
	p0 =	slt.u32 s21, $0x7F80;
	v3 =	vmax.f32 v3, v4  }
0x2ef: {  	v10 =	vld [tilespmem:s22+$0xFFFFFFE0];
	v4 =	vmax.f32 v3, v5  }
.Ltmp30:
0x2f0: {  	v3 =	vld [tilespmem:s22+$0xFFFFFFF0];
	v5 =	vmax.f32 v4, v6;
	(pc) =	sbr.rel @p0 .LBB2_47-.Ltmp30, $4  }
0x2f1: {  	v4 =	vld [tilespmem:s22+$0x0];
	v5 =	vmax.f32 v5, v7  }
0x2f2: {  	v6 =	vmax.f32 v5, v9;
	v5 =	vld [tilespmem:s22+$0x10]  }
0x2f3: {  	v7 =	vmax.f32 v6, v8;
	v6 =	vld [tilespmem:s22+$0x20]  }
0x2f4: {  	v8 =	vmax.f32 v7, v10;
	v7 =	vld [tilespmem:s22+$0x30];
	s22 =	sadd.s32 $0x80, s22  }
0x2f5: {  	v3 =	vmax.f32 v8, v3  }
0x2f6: {  	v3 =	vmax.f32 v3, v4  }
0x2f7: {  	v3 =	vmax.f32 v3, v5  }
0x2f8: {  	v3 =	vmax.f32 v3, v6  }
0x2f9: {  	v3 =	vmax.f32 v3, v7  }
0x2fa: {  	(xrf0) =	vmax.scan.msk.f32 $0xffff, v3;
	_ =	sdelay $0x5  }
0x2fb: {  	v3, _, _ =	vpop (xrf0)  }
0x2fc: {  	(v2sf) =	vpush v3, $0xF;
	_ =	sdelay $0xc  }
0x2fd: {  	s0 =	simm.s32 $0x8040  }
0x2fe: {  	v4 =	vld [tilespmem:s0+$0xFFFFFFC0]  }
0x2ff: {  	s22 =	spop (v2sf)  }
0x300: {  	v7 =	vld [tilespmem:s0+$0x20];
	s21 =	sadd.f32 $-1.000000000e+00, s22  }
0x301: {  	v5 =	vld [tilespmem:s0+$0xFFFFFFD0]  }
0x302: {  	v3 =	vmov s21  }
0x303: {  	vm0 =	vgt.f32 v4, v3  }
0x304: {  	v6 =	vld [tilespmem:s0+$0xFFFFFFF0];
	v8 =	vsel vm0, $0x3F800000, v0  }
0x305: {  	vm0 =	vgt.f32 v7, v3;
	(xrf0) =	vmax.scan.msk.f32 $0xffff, v8;
	v8 =	vld [tilespmem:s0+$0xFFFFFFE0]  }
0x306: {  	vm1 =	vgt.f32 v5, v3;
	v10 =	vsel vm0, $0x3F800000, v0  }
0x307: {  	v9 =	vld [tilespmem:s0+$0x10];
	v11 =	vsel vm1, $0x3F800000, v0;
	(xrf0) =	vmax.scan.msk.f32 $0xffff, v10  }
0x308: {  	(xrf0) =	vmax.scan.msk.f32 $0xffff, v11  }
0x309: {  	vm0 =	vgt.f32 v6, v3  }
0x30a: {  	v10 =	vsel vm0, $0x3F800000, v0;
	vm0 =	vgt.f32 v8, v3  }
0x30b: {  	(xrf0) =	vmax.scan.msk.f32 $0xffff, v10;
	v10 =	vsel vm0, $0x3F800000, v0  }
0x30c: {  	vm1 =	vgt.f32 v9, v3;
	v11, _, _ =	vpop (xrf0)  }
0x30d: {  	(v2sf) =	vpush v11, $0xF;
	v11 =	vsel vm1, $0x3F800000, v0;
	(xrf0) =	vmax.scan.msk.f32 $0xffff, v10;
	v12, _, _ =	vpop (xrf0)  }
0x30e: {  	(xrf0) =	vmax.scan.msk.f32 $0xffff, v11;
	v10, _, _ =	vpop (xrf0)  }
0x30f: {  	(v2sf) =	vpush v10, $0xF  }
0x310: {  	v11 =	vld [tilespmem:s0+$0x0]  }
0x311: {  	v10, _, _ =	vpop (xrf0)  }
0x312: {  	(v2sf) =	vpush v10, $0xF  }
0x313: {  	v10 =	vld [tilespmem:s0+$0x30];
	(v2sf) =	vpush v12, $0xF;
	v13, _, _ =	vpop (xrf0)  }
0x314: {  	(v2sf) =	vpush v13, $0xF;
	v12, _, _ =	vpop (xrf0)  }
0x315: {  	vm0 =	vgt.f32 v11, v3;
	(v2sf) =	vpush v12, $0xF  }
0x316: {  	v12 =	vsel vm0, $0x3F800000, v0  }
0x317: {  	(xrf0) =	vmax.scan.msk.f32 $0xffff, v12  }
0x318: {  	vm0 =	vgt.f32 v10, v3  }
0x319: {  	v12 =	vsel vm0, $0x3F800000, v0  }
0x31a: {  	(xrf0) =	vmax.scan.msk.f32 $0xffff, v12;
	_ =	sdelay $0x1  }
0x31b: {  	s28 =	spop (v2sf)  }
0x31c: {  	v12, _, _ =	vpop (xrf0);
	p5 =	sgt.f32 s28, $0.0e+00  }
0x31d: {  	(v2sf) =	vpush v12, $0xF;
	s29 =	spop (v2sf)  }
0x31e: {  	v13 =	vimm.f32 $0.0e+00;
	vm3 =	vgt.f32 @p5 v4, v3;
	p1 =	sgt.f32 s29, $0.0e+00  }
0x31f: {  	v12 =	vimm.s32 $0x0;
	v15, _, _ =	vpop (xrf0);
	v14 =	vnsel @p5 vm3, $0x0, v4;
	v16 =	vmpcnt.ones.xlane @p5 vm3  }
0x320: {  	s23 =	simm.s32 $0x0;
	(v2sf) =	vpush v15, $0xF;
	v15 =	vimm.s32 @p5 $0x0;
	s30 =	spop (v2sf);
	v14 =	vadd.f32 @p5 v14, v13;
	s24 =	simm.s32 @!p1 $0x0  }
0x321: {  	v15 =	vsel @p5 vm3, $0x1, v15;
	p0 =	sgt.f32 s30, $0.0e+00;
	s26 =	spop (v2sf);
	v16 =	vadd.s32 @p5 v12, v16;
	vm0 =	vgt.f32 @p1 v5, v3;
	s24 =	simm.s32 @p1 $0x1  }
0x322: {  	v17 =	vimm.s32 @p1 $0x0;
	v20 =	vpsel p5, v14, v13;
	v13 =	vpsel p5, v16, v12;
	s31 =	spop (v2sf);
	p1 =	por p1, p1;
	[smem:$0x7EE] =	sst s24  }
0x323: {  	(xrf0) =	vadd.scan.msk.s32 @p5 $0xffff, v15;
	v16 =	vimm.s32 @p0 $0x0;
	v15 =	vmpcnt.ones.xlane @p1 vm0;
	v18 =	vnsel @p1 vm0, $0x0, v5;
	p2 =	sgt.f32 s31, $0.0e+00;
	s24 =	simm.s32 $0x80C0;
	s25 =	spop (v2sf)  }
.LBB2_49:
0x324: {  	_ =	sdelay $0x2  }
0x325: {  	v14 =	vld [tilespmem:s24+$0xFFFFFFC0]  }
0x326: {  	v17 =	vsel @p1 vm0, $0x1, v17;
	v21 =	vadd.f32 @p1 v18, v20;
	vm2 =	vgt.f32 @p0 v6, v3  }
0x327: {  	vm1 =	vmmov vm3;
	v18 =	vld [tilespmem:s24+$0x10];
	p6 =	sgt.f32 s26, $0.0e+00;
	vm4 =	vgt.f32 @p2 v8, v3;
	v23 =	vmpcnt.ones.xlane @p0 vm2  }
0x328: {  	v24 =	vnsel @p0 vm2, $0x0, v6;
	v16 =	vsel @p0 vm2, $0x1, v16;
	v27 =	vadd.s32 @p1 v13, v15;
	v15 =	vld [tilespmem:s24+$0xFFFFFFD0];
	v19, _, _ =	vpop @p5 (xrf0);
	(xrf0) =	vadd.scan.msk.s32 @p1 $0xffff, v17  }
0x329: {  	s23 =	sadd.s32 $0x80, s23;
	p3 =	por p5, p5;
	v22 =	vpsel p1, v21, v20;
	vm5 =	vgt.f32 @p6 v7, v3;
	v20 =	vimm.s32 @p6 $0x0;
	v17 =	vld [tilespmem:s24+$0x20];
	(xrf0) =	vadd.scan.msk.s32 @p0 $0xffff, v16  }
0x32a: {  	s30 =	sld [smem:$0x7EE];
	s0 =	simm.s32 @!p3 $0x0;
	v26 =	vimm.s32 @p2 $0x0;
	v20 =	vsel @p6 vm5, $0x1, v20;
	vm3 =	vgt.f32 v14, v3;
	v16 =	vld [tilespmem:s24+$0xFFFFFFF0];
	s28 =	spop (v2sf)  }
0x32b: {  	s0 =	simm.s32 @p3 $0x1;
	p3 =	slt.u32 s23, $0x7F80;
	v25 =	vnsel @p2 vm4, $0x0, v8;
	v27 =	vpsel p1, v27, v13;
	v33 =	vsel vm3, $0x3F800000, v0;
	(xrf0) =	vadd.scan.msk.s32 @p6 $0xffff, v20;
	v20 =	vld [tilespmem:s24+$0xFFFFFFE0];
	p5 =	sgt.f32 s28, $0.0e+00  }
0x32c: {  	v31 =	vmpcnt.ones.xlane @p2 vm4;
	[smem:$0x7EC] =	sst s0;
	s0 =	simm.s32 @!p3 $0x0;
	v25 =	vadd.f32 @p2 v25, v22;
	vm3 =	vgt.f32 v18, v3;
	(xrf0) =	vmax.scan.msk.f32 $0xffff, v33  }
0x32d: {  	s0 =	simm.s32 @p3 $0x1;
	p3 =	seq.s32 s30, $0x1;
	v32 =	vsel vm3, $0x3F800000, v0;
	v29 =	vimm.s32 @p5 $0x0;
	vm3 =	vgt.f32 @p5 v11, v3  }
0x32e: {  	v31 =	vadd.s32 @p2 v27, v31;
	vm8 =	vgt.f32 v17, v3;
	v30, _, _ =	vpop @p3 (xrf0);
	v29 =	vsel @p5 vm3, $0x1, v29  }
0x32f: {  	v21 =	vld [tilespmem:s24+$0x0];
	v25 =	vpsel p2, v25, v22;
	vm9 =	vgt.f32 v15, v3;
	v37 =	vsel vm8, $0x3F800000, v0;
	v34, _, _ =	vpop @p0 (xrf0);
	(xrf0) =	vadd.scan.msk.s32 @p5 $0xffff, v29  }
0x330: {  	v22 =	vld [tilespmem:s24+$0x30];
	v39 =	vsel vm9, $0x3F800000, v0;
	vm7 =	vgt.f32 v16, v3;
	p3 =	sgt.f32 s25, $0.0e+00;
	vm14 =	vgt.f32 v20, v3;
	(xrf0) =	vmax.scan.msk.f32 $0xffff, v37  }
0x331: {  	v24 =	vadd.f32 @p0 v24, v25;
	v36 =	vsel vm7, $0x3F800000, v0;
	v35, _, _ =	vpop @p6 (xrf0);
	v55 =	vsel vm14, $0x3F800000, v0;
	(xrf0) =	vmax.scan.msk.f32 $0xffff, v39  }
0x332: {  	vm7 =	vgt.f32 @p3 v9, v3;
	v56, _, _ =	vpop (xrf0);
	v33 =	vnsel @p5 vm3, $0x0, v11;
	(xrf0) =	vmax.scan.msk.f32 $0xffff, v36;
	v36 =	vimm.s32 @p3 $0x0  }
0x333: {  	v26 =	vsel @p2 vm4, $0x1, v26;
	v31 =	vpsel p2, v31, v27;
	(xrf0) =	vmax.scan.msk.f32 $0xffff, v55;
	v29 =	vsel @p3 vm7, $0x1, v36  }
0x334: {  	v23 =	vadd.s32 @p0 v31, v23;
	vm6 =	vgt.f32 v21, v3;
	v24 =	vpsel p0, v24, v25;
	s29 =	spop (v2sf);
	(xrf0) =	vadd.scan.msk.s32 @p3 $0xffff, v29  }
0x335: {  	v23 =	vpsel p0, v23, v31;
	vm15 =	vgt.f32 v22, v3;
	p4 =	sgt.f32 s29, $0.0e+00;
	v29 =	vadd.f32 @p5 v33, v24;
	v33, _, _ =	vpop @p5 (xrf0)  }
0x336: {  	v38 =	vsel vm6, $0x3F800000, v0;
	v59 =	vsel vm15, $0x3F800000, v0;
	(v2sf) =	vpush v56, $0xF;
	(xrf0) =	vmax.scan.msk.f32 $0xffff, v32;
	v57, _, _ =	vpop (xrf0)  }
0x337: {  	v25 =	vnsel @p3 vm7, $0x0, v9;
	vm6 =	vgt.f32 @p4 v10, v3;
	(xrf0) =	vmax.scan.msk.f32 $0xffff, v38;
	v24 =	vpsel p5, v29, v24;
	v58, _, _ =	vpop (xrf0)  }
0x338: {  	v29 =	vimm.s32 @p4 $0x0;
	v33 =	vadd.s32 @p5 v33, v23;
	(xrf0) =	vadd.scan.msk.s32 @p2 $0xffff, v26;
	(v2sf) =	vpush v58, $0xF;
	v60, _, _ =	vpop (xrf0)  }
0x339: {  	v29 =	vsel @p4 vm6, $0x1, v29;
	v26 =	vmpcnt.ones.xlane @p5 vm3;
	v40, _, _ =	vpop (xrf0);
	(v2sf) =	vpush v60, $0xF;
	(xrf0) =	vmax.scan.msk.f32 $0xffff, v59  }
0x33a: {  	v25 =	vadd.f32 @p3 v25, v24;
	v33 =	vadd.s32 @p5 $0xFFFFFFFF, v33;
	v37, _, _ =	vpop @p3 (xrf0);
	(xrf0) =	vadd.scan.msk.s32 @p4 $0xffff, v29  }
0x33b: {  	v28 =	vnsel @p6 vm5, $0x0, v7;
	v36 =	vmpcnt.ones.xlane @p3 vm7;
	v26 =	vadd.s32 @p5 v23, v26  }
0x33c: {  	v32 =	vmpcnt.ones.xlane @p6 vm5;
	v24 =	vpsel p3, v25, v24;
	v23 =	vpsel p5, v26, v23;
	v61, _, _ =	vpop (xrf0)  }
0x33d: {  	(v2sf) =	vpush v57, $0xF;
	v25 =	vadd.s32 @p3 v37, v23;
	v36 =	vadd.s32 @p3 v23, v36;
	v62, _, _ =	vpop (xrf0)  }
0x33e: {  	[smem:$0x7ED] =	sst s0;
	s0 =	simm.s32 @p5 $0x10000;
	(v2sf) =	vpush v40, $0xF;
	v25 =	vadd.s32 @p3 $0xFFFFFFFF, v25;
	v23 =	vpsel p3, v36, v23;
	v29, _, _ =	vpop @p2 (xrf0)  }
0x33f: {  	v28 =	vadd.f32 @p6 v28, v24;
	(v2sf) =	vpush v61, $0xF;
	[tilespmem:v33+s0+$0x0] =	vst.idx.msk @p5 vm3, v11;
	v32 =	vadd.s32 @p6 v23, v32;
	v63, _, _ =	vpop (xrf0)  }
0x340: {  	s26 =	sld [smem:$0x7EC];
	v27 =	vadd.s32 @p2 v29, v27;
	v29 =	vadd.s32 @p6 v35, v23;
	v23 =	vpsel p6, v32, v23;
	v11, _, _ =	vpop @p4 (xrf0)  }
0x341: {  	v39 =	vnsel @p4 vm6, $0x0, v10;
	v24 =	vpsel p6, v28, v24;
	v28 =	vadd.s32 @p4 v11, v23  }
0x342: {  	v13 =	vadd.s32 @p1 v30, v13;
	s25 =	simm.s32 @p3 $0x10000;
	v11 =	vmovc v21;
	v21 =	vadd.s32 @p4 $0xFFFFFFFF, v28;
	v28 =	vadd.f32 @p4 v39, v24  }
0x343: {  	v26 =	vadd.s32 @p0 v34, v31;
	v27 =	vadd.s32 @p2 $0xFFFFFFFF, v27;
	[tilespmem:v25+s25+$0x0] =	vst.idx.msk @p3 vm7, v9;
	v25 =	vadd.s32 @p1 $0xFFFFFFFF, v13;
	p3 =	seq.s32 s26, $0x1  }
0x344: {  	v13 =	vadd.s32 @p0 $0xFFFFFFFF, v26;
	v24 =	vpsel p4, v28, v24;
	v28 =	vadd.s32 @p3 v19, v12  }
0x345: {  	s31 =	spop (v2sf);
	v26 =	vadd.s32 @p3 $0xFFFFFFFF, v28  }
0x346: {  	p5 =	sgt.f32 s31, $0.0e+00;
	v29 =	vadd.s32 @p6 $0xFFFFFFFF, v29  }
0x347: {  	s0 =	simm.s32 @p2 $0x10000;
	s31 =	sld [smem:$0x7ED];
	s28 =	spop (v2sf)  }
0x348: {  	v38 =	vmpcnt.ones.xlane @p4 vm6;
	s25 =	simm.s32 @p0 $0x10000;
	[tilespmem:v27+s0+$0x0] =	vst.idx.msk @p2 vm4, v8;
	s29 =	spop (v2sf)  }
0x349: {  	(v2sf) =	vpush v62, $0xF;
	vm3 =	vgt.f32 @p5 v14, v3;
	[tilespmem:v13+s25+$0x0] =	vst.idx.msk @p0 vm2, v6;
	p0 =	sgt.f32 s29, $0.0e+00;
	s29 =	simm.s32 @p3 $0x10000  }
0x34a: {  	v32 =	vadd.s32 @p4 v23, v38;
	v9 =	vmovc v18;
	v18 =	vimm.s32 @p5 $0x0;
	s0 =	simm.s32 @p6 $0x10000;
	v19 =	vnsel @p5 vm3, $0x0, v14;
	[tilespmem:v26+s29+$0x0] =	vst.idx.msk @p3 vm1, v4;
	p3 =	seq.s32 s31, $0x1  }
.Ltmp31:
0x34b: {  	v18 =	vsel @p5 vm3, $0x1, v18;
	[tilespmem:v29+s0+$0x0] =	vst.idx.msk @p6 vm5, v7;
	v7 =	vmovc v17;
	v17 =	vmpcnt.ones.xlane @p5 vm3;
	v19 =	vadd.f32 @p5 v19, v24;
	p2 =	sgt.f32 s28, $0.0e+00;
	(pc) =	sbr.rel @p3 .LBB2_49-.Ltmp31, $4  }
0x34c: {  	(v2sf) =	vpush v63, $0xF;
	v23 =	vpsel p4, v32, v23;
	(xrf0) =	vadd.scan.msk.s32 @p5 $0xffff, v18;
	s0 =	simm.s32 @p4 $0x10000;
	s26 =	spop (v2sf)  }
0x34d: {  	v8 =	vmovc v20;
	v12 =	vmovc v23;
	v6 =	vmov v16;
	v17 =	vadd.s32 @p5 v23, v17;
	v20 =	vpsel p5, v19, v24;
	s28 =	simm.s32 @p1 $0x10000;
	s30 =	spop (v2sf);
	s25 =	simm.s32 @!p2 $0x0  }
0x34e: {  	v13 =	vpsel p5, v17, v23;
	[tilespmem:v25+s28+$0x0] =	vst.idx.msk @p1 vm0, v5;
	v5 =	vmovc v15;
	v17 =	vimm.s32 @p2 $0x0;
	vm0 =	vgt.f32 @p2 v15, v3;
	p1 =	por p2, p2;
	s25 =	simm.s32 @p2 $0x1;
	p2 =	sgt.f32 s30, $0.0e+00  }
0x34f: {  	s24 =	sadd.s32 $0x80, s24;
	[tilespmem:v21+s0+$0x0] =	vst.idx.msk @p4 vm6, v10;
	v10 =	vmovc v22;
	v4 =	vmovc v14;
	v15 =	vmpcnt.ones.xlane @p1 vm0;
	v18 =	vnsel @p1 vm0, $0x0, v5;
	v16 =	vimm.s32 @p0 $0x0;
	[smem:$0x7EE] =	sst s25;
	s25 =	spop (v2sf)  }
0x350: {  	_ =	sdelay $0x3  }
0x351: {  	v14 =	vadd.f32 @p1 v18, v20  }
0x352: {  	vm2 =	vgt.f32 @p2 v8, v3  }
0x353: {  	v18 =	vnsel @p2 vm2, $0x0, v8;
	v14 =	vpsel p1, v14, v20  }
0x354: {  	p3 =	sgt.f32 s26, $0.0e+00;
	v18 =	vadd.f32 @p2 v18, v14  }
0x355: {  	vm1 =	vgt.f32 @p0 v6, v3;
	s28 =	spop (v2sf)  }
0x356: {  	v17 =	vsel @p1 vm0, $0x1, v17;
	v20 =	vnsel @p0 vm1, $0x0, v6;
	s0 =	simm.s32 @!p3 $0x0;
	v14 =	vpsel p2, v18, v14;
	p4 =	sgt.f32 s28, $0.0e+00  }
0x357: {  	v19 =	vmpcnt.ones.xlane @p0 vm1;
	v15 =	vadd.s32 @p1 v13, v15;
	s0 =	simm.s32 @p3 $0x1;
	v20 =	vadd.f32 @p0 v20, v14  }
0x358: {  	p6 =	sgt.f32 s25, $0.0e+00;
	v22 =	vmpcnt.ones.xlane @p2 vm2;
	vm4 =	vgt.f32 @p3 v7, v3;
	[smem:$0x7EB] =	sst s0;
	s0 =	simm.s32 @!p4 $0x0;
	vm5 =	vgt.f32 @p4 v11, v3  }
0x359: {  	v15 =	vpsel p1, v15, v13;
	v14 =	vpsel p0, v20, v14;
	s0 =	simm.s32 @p4 $0x1;
	v23 =	vnsel @p4 vm5, $0x0, v11  }
0x35a: {  	vm6 =	vgt.f32 @p6 v9, v3;
	v22 =	vadd.s32 @p2 v15, v22;
	[smem:$0x7EA] =	sst s0;
	v23 =	vadd.f32 @p4 v23, v14  }
0x35b: {  	v25 =	vnsel @p6 vm6, $0x0, v9;
	v22 =	vpsel p2, v22, v15;
	v18 =	vimm.s32 @p3 $0x0;
	s30 =	sld [smem:$0x7EA]  }
0x35c: {  	v19 =	vadd.s32 @p0 v22, v19;
	s31 =	sld [smem:$0x7EB];
	v14 =	vpsel p4, v23, v14;
	v23 =	vmpcnt.ones.xlane @p4 vm5  }
0x35d: {  	v18 =	vsel @p3 vm4, $0x1, v18;
	v19 =	vpsel p0, v19, v22;
	v25 =	vadd.f32 @p6 v25, v14  }
0x35e: {  	v20 =	vnsel @p3 vm4, $0x0, v7;
	v24 =	vimm.s32 @p4 $0x0;
	s29 =	spop (v2sf);
	v23 =	vadd.s32 @p4 v19, v23;
	p3 =	seq.s32 s30, $0x1  }
0x35f: {  	v24 =	vsel @p4 vm5, $0x1, v24;
	s23 =	sld [smem:$0x7EA];
	p4 =	sgt.f32 s29, $0.0e+00;
	v14 =	vpsel p6, v25, v14;
	v23 =	vpsel p3, v23, v19;
	p3 =	seq.s32 s31, $0x1  }
0x360: {  	v16 =	vsel @p0 vm1, $0x1, v16;
	(xrf0) =	vadd.scan.msk.s32 @p1 $0xffff, v17;
	v27 =	vmpcnt.ones.xlane @p6 vm6;
	s24 =	sld [smem:$0x7EB];
	v20 =	vadd.f32 @p3 v20, v14  }
0x361: {  	v21 =	vimm.s32 @p2 $0x0;
	(xrf0) =	vadd.scan.msk.s32 @p0 $0xffff, v16;
	v16 =	vmpcnt.ones.xlane @p3 vm4;
	vm7 =	vgt.f32 @p4 v10, v3  }
0x362: {  	v25 =	vadd.s32 @p6 v23, v27;
	(xrf0) =	vadd.scan.msk.s32 @p3 $0xffff, v18;
	v18 =	vnsel @p4 vm7, $0x0, v10;
	v14 =	vpsel p3, v20, v14;
	p3 =	seq.s32 s23, $0x1  }
0x363: {  	v26 =	vimm.s32 @p6 $0x0;
	v25 =	vpsel p6, v25, v23;
	(xrf0) =	vadd.scan.msk.s32 @p3 $0xffff, v24;
	p3 =	seq.s32 s24, $0x1;
	v18 =	vadd.f32 @p4 v18, v14  }
0x364: {  	s25 =	sld [smem:$0x7EE];
	v17 =	vsel @p6 vm6, $0x1, v26;
	v20 =	vmpcnt.ones.xlane @p4 vm7;
	v16 =	vadd.s32 @p3 v25, v16  }
0x365: {  	v21 =	vsel @p2 vm2, $0x1, v21;
	(xrf0) =	vadd.scan.msk.s32 @p6 $0xffff, v17;
	v16 =	vpsel p3, v16, v25;
	v14 =	vpsel p4, v18, v14  }
0x366: {  	s26 =	sld [smem:$0x7EB];
	v17 =	vimm.s32 @p4 $0x0;
	(xrf0) =	vadd.scan.msk.s32 @p2 $0xffff, v21;
	v20 =	vadd.s32 @p4 v16, v20  }
0x367: {  	s28 =	sld [smem:$0x7EA];
	v17 =	vsel @p4 vm7, $0x1, v17;
	p3 =	seq.s32 s25, $0x1;
	(xrf2) =	vadd.scan.msk.f32 $0xffff, v14;
	v18, _, _ =	vpop @p5 (xrf0);
	v20 =	vpsel p4, v20, v16  }
0x368: {  	(xrf0) =	vadd.scan.msk.s32 @p4 $0xffff, v17;
	v14, _, _ =	vpop @p3 (xrf0);
	v61 =	vxor.u32 $0x80000000, v20  }
0x369: {  	p3 =	seq.s32 s26, $0x1;
	v21, _, _ =	vpop @p0 (xrf0);
	(xrf0) =	vmax.scan.msk.u32 $0xffff, v61  }
0x36a: {  	v17, _, _ =	vpop @p3 (xrf0);
	p3 =	seq.s32 s28, $0x1  }
0x36b: {  	v24, _, _ =	vpop @p3 (xrf0)  }
0x36c: {  	v26, _, _ =	vpop @p6 (xrf0)  }
0x36d: {  	v27, _, _ =	vpop @p2 (xrf0)  }
0x36e: {  	v28, _, _ =	vpop @p4 (xrf0)  }
0x36f: {  	s29 =	sld [smem:$0x7EB];
	v29, _, _ =	vpop (xrf0)  }
0x370: {  	s30 =	sld [smem:$0x7EB];
	v19 =	vadd.s32 @p3 v24, v19;
	(v2sf) =	vpush v29, $0xF  }
0x371: {  	s31 =	sld [smem:$0x7EA];
	v19 =	vadd.s32 @p3 $0xFFFFFFFF, v19;
	v23 =	vadd.s32 @p6 v26, v23  }
0x372: {  	p3 =	seq.s32 s29, $0x1;
	v15 =	vadd.s32 @p2 v27, v15;
	v23 =	vadd.s32 @p6 $0xFFFFFFFF, v23  }
0x373: {  	v17 =	vadd.s32 @p3 v17, v25;
	p3 =	seq.s32 s30, $0x1;
	v15 =	vadd.s32 @p2 $0xFFFFFFFF, v15  }
0x374: {  	v17 =	vadd.s32 @p3 $0xFFFFFFFF, v17;
	p3 =	seq.s32 s31, $0x1  }
0x375: {  	v62, _, _ =	vpop (xrf2);
	s0 =	simm.s32 @p3 $0x10000  }
0x376: {  	(v2sf) =	vpush v62, $0xF;
	[tilespmem:v19+s0+$0x0] =	vst.idx.msk @p3 vm5, v11;
	s0 =	simm.s32 @p6 $0x10000  }
0x377: {  	[tilespmem:v23+s0+$0x0] =	vst.idx.msk @p6 vm6, v9;
	s0 =	simm.s32 @p2 $0x10000  }
0x378: {  	[tilespmem:v15+s0+$0x0] =	vst.idx.msk @p2 vm2, v8  }
0x379: {  	v16 =	vadd.s32 @p4 v28, v16;
	s0 =	sld [smem:$0x7EB]  }
0x37a: {  	v21 =	vadd.s32 @p0 v21, v22;
	v16 =	vadd.s32 @p4 $0xFFFFFFFF, v16  }
0x37b: {  	v11 =	vadd.s32 @p1 v14, v13;
	v13 =	vadd.s32 @p0 $0xFFFFFFFF, v21  }
0x37c: {  	p2 =	seq.s32 s0, $0x1  }
0x37d: {  	p3 =	por p5, p5;
	s0 =	simm.s32 @p2 $0x10000  }
0x37e: {  	vm3 =	vmmov vm3;
	v9 =	vadd.s32 @p1 $0xFFFFFFFF, v11;
	v11 =	vadd.s32 @p3 v18, v12;
	[tilespmem:v17+s0+$0x0] =	vst.idx.msk @p2 vm4, v7;
	s0 =	simm.s32 @p4 $0x10000  }
0x37f: {  	v8 =	vadd.s32 @p3 $0xFFFFFFFF, v11;
	[tilespmem:v16+s0+$0x0] =	vst.idx.msk @p4 vm7, v10;
	s0 =	simm.s32 @p0 $0x10000;
	s26 =	spop (v2sf)  }
0x380: {  	v63 =	vadd.s32 v1, v20;
	[tilespmem:v13+s0+$0x0] =	vst.idx.msk @p0 vm1, v6;
	p0 =	seq.s32 s26, $0x80000000  }
.Ltmp32:
0x381: {  	_ = 	snop;
	(pc) =	sbr.rel @p0 .LBB2_59-.Ltmp32, $4  }
0x382: {  	s0 =	simm.s32 @p1 $0x10000  }
0x383: {  	[tilespmem:v9+s0+$0x0] =	vst.idx.msk @p1 vm0, v5;
	s0 =	simm.s32 @p3 $0x10000  }
0x384: {  	[tilespmem:v8+s0+$0x0] =	vst.idx.msk @p3 vm3, v4  }
0x385: {  	s24 =	simm.s32 $0x0;
	[tilespmem:v63+s16+$0x0] =	vst.idx.msk $0xffff, v3;
	s23 =	spop (v2sf)  }
.Ltmp33:
0x386: {  	(pc) =	sbr.rel .LBB2_52-.Ltmp33, $3  }
0x387: {  	_ =	sdelay $0x1  }
0x388: {  	s0 =	sadd.s32 $0x8000000F, s26;
	s24 =	sxor.u32 $0x80000000, s26  }
0x389: {  	s29 =	simm.s32 $0x0;
	s26 =	simm.s32 $0x0;
	s25 =	sshrl.u32 s0, $0x4  }
.LBB2_53:
0x38a: {  	v3 =	vimm.s32 $0x0;
	v4 =	vimm.f32 $0.0e+00  }
.LBB2_57:
0x38b: {  	(xrf2) =	vadd.scan.msk.f32 $0xffff, v4;
	_ =	sdelay $0x4  }
0x38c: {  	(xrf0) =	vadd.scan.msk.s32 $0xffff, v3;
	_ =	sdelay $0x4  }
0x38d: {  	v3, _, _ =	vpop (xrf2)  }
0x38e: {  	(v2sf) =	vpush v3, $0xF;
	v3, _, _ =	vpop (xrf0)  }
0x38f: {  	(v2sf) =	vpush v3, $0xF;
	_ =	sdelay $0xd  }
0x390: {  	s0 =	spop (v2sf)  }
0x391: {  	s30 =	spop (v2sf)  }
0x392: {  	s31 =	scvt.s32.f32 s30;
	_ =	sdelay $0x1  }
0x393: {  	s31 =	smul.f32 s31, s28;
	_ =	sdelay $0x1  }
0x394: {  	s31 =	ssub.f32 s0, s31;
	_ =	sdelay $0x1  }
0x395: {  	p1 =	sgt.f32 s31, $1.000000000e+00;
	_ =	sdelay $0x1  }
0x396: {  	p0 =	sgt.u32 s26, $0x1C;
	s24 =	smov.u32 @p1 s30;
	s30 =	smov.u32 @p1 s29  }
0x397: {  	p2 =	sne.s32 @!p0 s24, s30  }
0x398: {  	p2 =	por p0, !p2  }
.Ltmp34:
0x399: {  	_ = 	snop;
	(pc) =	sbr.rel @p2 .LBB2_58-.Ltmp34, $3  }
0x39a: {  	_ =	sdelay $0x1  }
0x39b: {  	s26 =	sadd.s32 $0x1, s26;
	s21 =	smov.u32 @p1 s28;
	s28 =	smov.u32 @p1 s22  }
0x39c: {  	s23 =	smov.u32 @p1 s0;
	s29 =	smov.u32 s30;
	s22 =	smov.u32 s28  }
.LBB2_52:
0x39d: {  	p0 =	seq.s32 s25, $0x0  }
.Ltmp35:
0x39e: {  	_ = 	snop;
	(pc) =	sbr.rel @p0 .LBB2_53-.Ltmp35, $3  }
0x39f: {  	_ = 	snop  }
0x3a0: {  	s0 =	sadd.f32 s22, s21;
	_ =	sdelay $0x1  }
0x3a1: {  	s28 =	smul.f32 $5.000000000e-01, s0  }
0x3a2: {  	s0 =	simm.s32 $0x10000  }
0x3a3: {  	p0 =	sne.s32 s25, $0x1;
	v3 =	vld [tilespmem:s0+$0x0]  }
.Ltmp36:
0x3a4: {  	_ = 	snop;
	(pc) =	sbr.rel @!p0 .LBB2_56-.Ltmp36, $3  }
0x3a5: {  	_ =	sdelay $0x1  }
0x3a6: {  	v6 =	vmov s28  }
0x3a7: {  	v4 =	vimm.f32 $0.0e+00;
	v5 =	vimm.s32 $0x0;
	s30 =	sadd.s32 $0xFFFFFFFF, s25;
	s31 =	simm.s32 $0x10010;
	vm0 =	vgt.f32 v3, v6  }
.LBB2_55:
0x3a8: {  	p0 =	sne.s32 s30, $0x1;
	s30 =	sadd.s32 $0xFFFFFFFF, s30;
	v7 =	vnsel vm0, $0x0, v3;
	v3 =	vld [tilespmem:s31+$0x0];
	v8 =	vsel vm0, $0x1, v2  }
.Ltmp37:
0x3a9: {  	v4 =	vadd.f32 v7, v4;
	v5 =	vadd.s32 v8, v5;
	(pc) =	sbr.rel @p0 .LBB2_55-.Ltmp37, $2  }
0x3aa: {  	_ =	sdelay $0x2  }
0x3ab: {  	s31 =	sadd.s32 $0x10, s31;
	vm0 =	vgt.f32 v3, v6  }
.LBB2_56:
.Ltmp38:
0x3ac: {  	(pc) =	sbr.rel .LBB2_57-.Ltmp38, $4  }
0x3ad: {  	_ = 	snop  }
0x3ae: {  	v3 =	vnsel vm0, $0x0, v3  }
0x3af: {  	v6 =	vsel vm0, $0x1, v2;
	v4 =	vadd.f32 v3, v4  }
0x3b0: {  	v3 =	vadd.s32 v6, v5  }
.LBB2_58:
0x3b1: {  	s23 =	smov.u32 @p0 s23;
	s24 =	smov.u32 @p0 s24  }
.LBB2_59:
0x3b2: {  	v3 =	vmov s24  }
0x3b3: {  	v3 =	vcvt.s32.f32 v3;
	_ =	sdelay $0x1  }
0x3b4: {  	v3 =	vbroadcast v3, $0x0;
	_ =	sdelay $0x1  }
0x3b5: {  	(erf) = vrcp.f32 v3;
	_ =	sdelay $0x5  }
0x3b6: {  	s21 =	simm.s32 $0x8040  }
0x3b7: {  	v5 =	vld [tilespmem:s21+$0x30]  }
0x3b8: {  	s0 =	sadd.f32 $-1.000000000e+00, s23;
	v7 =	vld [tilespmem:s21+$0xFFFFFFD0]  }
0x3b9: {  	v9 =	vld [tilespmem:s21+$0xFFFFFFE0];
	v3 =	vpop (erf)  }
0x3ba: {  	v8 =	vld [tilespmem:s21+$0xFFFFFFF0];
	v3 =	vmul.f32 s0, v3  }
0x3bb: {  	v6 =	vld [tilespmem:s21+$0x0]  }
0x3bc: {  	v4 =	vld [tilespmem:s21+$0x10];
	v11 =	vsub.f32 v5, v3  }
0x3bd: {  	v5 =	vld [tilespmem:s21+$0x20];
	v10 =	vsub.f32 v7, v3  }
0x3be: {  	s22 =	simm.s32 $0x0;
	s23 =	simm.s32 $0x80C0;
	v7 =	vld [tilespmem:s21+$0xFFFFFFC0];
	v9 =	vsub.f32 v9, v3;
	v11 =	vmax.f32 v11, $0.0e+00  }
.LBB2_60:
0x3bf: {  	v12 =	vld [tilespmem:s23+$0x30];
	s22 =	sadd.s32 $0x80, s22;
	v10 =	vmax.f32 v10, $0.0e+00;
	v8 =	vsub.f32 v8, v3;
	[tilespmem:s21+$0x30] =	vst v11  }
0x3c0: {  	v11 =	vld [tilespmem:s23+$0xFFFFFFD0];
	p0 =	slt.u32 s22, $0x7F80;
	[tilespmem:s21+$0xFFFFFFD0] =	vst v10;
	v9 =	vmax.f32 v9, $0.0e+00;
	v6 =	vsub.f32 v6, v3  }
0x3c1: {  	v13 =	vld [tilespmem:s23+$0xFFFFFFE0];
	[tilespmem:s21+$0xFFFFFFE0] =	vst v9;
	v9 =	vmax.f32 v8, $0.0e+00;
	v4 =	vsub.f32 v4, v3  }
.Ltmp39:
0x3c2: {  	v8 =	vld [tilespmem:s23+$0xFFFFFFF0];
	[tilespmem:s21+$0xFFFFFFF0] =	vst v9;
	v9 =	vmax.f32 v6, $0.0e+00;
	v5 =	vsub.f32 v5, v3;
	(pc) =	sbr.rel @p0 .LBB2_60-.Ltmp39, $4  }
0x3c3: {  	v6 =	vld [tilespmem:s23+$0x0];
	v7 =	vsub.f32 v7, v3;
	[tilespmem:s21+$0x0] =	vst v9;
	v9 =	vmax.f32 v4, $0.0e+00  }
0x3c4: {  	v4 =	vld [tilespmem:s23+$0x10];
	v12 =	vsub.f32 v12, v3;
	[tilespmem:s21+$0x10] =	vst v9;
	v9 =	vmax.f32 v5, $0.0e+00  }
0x3c5: {  	v10 =	vsub.f32 v11, v3;
	v5 =	vld [tilespmem:s23+$0x20];
	v14 =	vmax.f32 v7, $0.0e+00;
	[tilespmem:s21+$0x20] =	vst v9  }
0x3c6: {  	v7 =	vld [tilespmem:s23+$0xFFFFFFC0];
	v9 =	vsub.f32 v13, v3;
	v11 =	vmax.f32 v12, $0.0e+00;
	[tilespmem:s21+$0xFFFFFFC0] =	vst v14;
	s21 =	smov.u32 s23;
	s23 =	sadd.s32 $0x80, s23  }
0x3c7: {  	v10 =	vmax.f32 v10, $0.0e+00;
	v8 =	vsub.f32 v8, v3;
	[tilespmem:s21+$0x30] =	vst v11  }
0x3c8: {  	[tilespmem:s21+$0xFFFFFFD0] =	vst v10;
	v9 =	vmax.f32 v9, $0.0e+00;
	v6 =	vsub.f32 v6, v3  }
0x3c9: {  	[tilespmem:s21+$0xFFFFFFE0] =	vst v9;
	v8 =	vmax.f32 v8, $0.0e+00;
	v4 =	vsub.f32 v4, v3  }
0x3ca: {  	[tilespmem:s21+$0xFFFFFFF0] =	vst v8;
	v6 =	vmax.f32 v6, $0.0e+00;
	v5 =	vsub.f32 v5, v3  }
0x3cb: {  	v3 =	vsub.f32 v7, v3;
	[tilespmem:s21+$0x0] =	vst v6;
	v4 =	vmax.f32 v4, $0.0e+00  }
0x3cc: {  	[tilespmem:s21+$0x10] =	vst v4;
	v63 =	vmax.f32 v5, $0.0e+00  }
0x3cd: {  	v3 =	vmax.f32 v3, $0.0e+00;
	[tilespmem:s21+$0x20] =	vst v63  }
0x3ce: {  	s20 =	sadd.s32 $0x1, s20;
	[tilespmem:s21+$0xFFFFFFC0] =	vst v3  }
0x3cf: {  	[hbm4b:s10+s12] =	stream.strided.scatter [tilespmem:s15], [sflag:$0x4], $0x8000, s13, s12, $0x38;
	[tilespmem:$0x18080] =	vst v63  }
0x3d0: {  	p0 =	sne.s32 s20, s11;
	_ =	swait.ge [sflag:s18], $0x8000  }
.Ltmp40:
0x3d1: {  	[sflag:s18] =	ssyncset.done $0x0;
	(pc) =	sbr.rel @p0 .LBB2_1-.Ltmp40, $4  }
0x3d2: {  	[sflag:s18] =	ssyncadd.s32 $0xFFFF8000  }
0x3d3: {  	_ =	swait.ge [sflag:s19], $0x8000  }
0x3d4: {  	[sflag:s19] =	ssyncset.done $0x0  }
0x3d5: {  	[sflag:s19] =	ssyncadd.s32 $0xFFFF8000  }
0x3d6: {  	_ =	sfence.sel $0x180000  }
0x3d7: {  	[bflag:$0x0] =	sbarrier.arrive $0xFFFF  }
0x3d8: {  	_ =	strace $0x90000047  }
0x3d9: {  	[bflag:$0x2] =	sbarrier.arrive $0xFFFF  }
0x3da: {  	p0 =	sne.s32 s1, $0x0;
	s0 =	rddreg [dreg:$0x2]  }
0x3db: {  	s0 =	sadd.s32 @!p0 $0x100000, s0  }
0x3dc: {  	[sflag:s0] =	ssyncadd.tile.s32 @!p0 $0x1;
	_ =	shalt  }
.Lfunc_end2:
_tile_overlayer_lowered:
.L_overlay_start_2:
0x3dd: {  	(tag) =	ssettag $0x2  }
0x3de: {  	s0 =	rddreg [dreg:$0x0];
	s2 =	stileid.u32  }
0x3df: {  	s1 =	rddreg [dreg:$0x1];
	p0 =	sne.s32 s2, $0x0  }
0x3e0: {  	s3 =	rddreg [dreg:$0x2];
	[bflag:$0x3] =	sbarrier.arrive $0xFFFF;
	s2 =	simm.s32 @!p0 $0x1C05  }
0x3e1: {  	[timem:s3], [sflag:s2] =	dma.local @!p0 [hbm:s0], s1  }
0x3e2: {  	s0 =	simm.s32 @!p0 $0x5  }
0x3e3: {  	_ =	swait.ge @!p0 [sflag:s0], s1  }
0x3e4: {  	s1 =	ssub.s32 @!p0 $0x0, s1;
	[sflag:s0] =	ssyncset.done @!p0 $0x0  }
0x3e5: {  	[sflag:s0] =	ssyncadd.s32 @!p0 s1  }
0x3e6: {  	[bflag:$0x3] =	sbarrier.arrive $0xFFFF  }
0x3e7: {  	_ =	shalt  }

</sc_bundles>
